<compile_context>
chip_gen: v7x
topology: tpu7x:2x2x1
jax: 0.10.2.dev20260603
libtpu: 0.0.44.dev20260713+nightly
codegen_flags: <defaults>
</compile_context>

<pallas_src>
import functools

import jax
import jax.numpy as jnp
from jax import lax
from jax.experimental import pallas as pl
from jax.experimental.pallas import tpu as pltpu
from jax.experimental.pallas import tpu_sc as plsc

NC = 2
NS = 16
L = 16
NW = NC * NS

B, T, D = 4, 2048, 1024
N = B * T
RPW = N // NW
SPW = T // NW
C = 16
NCH = RPW // C
HPS = SPW // C
KD = D // L


DEPTH = 3
LA = 1


def _emb_body(x_hbm, tok_hbm, pos_hbm, out_hbm,
              idx_v, pos_v, tok0_v, tok1_v, tok2_v,
              sp, si, sg0, sg1, sg2, so0, so1, so2):
    c = lax.axis_index("c")
    s = lax.axis_index("s")
    wid = s * NC + c
    tok_v = (tok0_v, tok1_v, tok2_v)
    sg = (sg0, sg1, sg2)
    so = (so0, so1, so2)

    pos_cp = pltpu.async_copy(pos_hbm.at[pl.ds(wid * SPW, SPW)], pos_v, sp)
    idx_cps = [
        pltpu.async_copy(x_hbm.at[b, pl.ds(wid * SPW, SPW)],
                         idx_v.at[pl.ds(b * SPW, SPW)], si)
        for b in range(B)
    ]
    for cp in idx_cps:
        cp.wait()

    def gather(t, p):
        return pltpu.async_copy(
            tok_hbm.at[idx_v.at[pl.ds(t * C, C)]], tok_v[p], sg[p])

    g = [None] * DEPTH
    o = [None] * DEPTH
    for t0 in range(LA):
        g[t0] = gather(t0, t0)
    for t in range(NCH):
        p = t % DEPTH
        nt = t + LA
        if nt < NCH:
            q = nt % DEPTH
            if o[q] is not None:
                o[q].wait()
                o[q] = None
            g[q] = gather(nt, q)
        g[p].wait()
        if t == 0:
            pos_cp.wait()

        b, h = t // HPS, t % HPS
        buf = tok_v[p]

        @plsc.parallel_loop(0, C * KD, 1, unroll=8)
        def add_body(i):
            r = i // KD
            k = (i % KD) * L
            plsc.addupdate(buf.at[r, pl.ds(k, L)],
                           pos_v[h * C + r, pl.ds(k, L)])

        o[p] = pltpu.async_copy(
            buf, out_hbm.at[b, pl.ds(wid * SPW + h * C, C)], so[p])
    for cp in o:
        if cp is not None:
            cp.wait()


@jax.jit
def _emb(x, tok_table, pos_table):
    mesh = plsc.VectorSubcoreMesh(
        core_axis_name="c", subcore_axis_name="s",
        num_cores=NC, num_subcores=NS)
    return pl.kernel(
        _emb_body,
        out_type=jax.ShapeDtypeStruct((B, T, D), jnp.float32),
        mesh=mesh,
        scratch_types=[
            pltpu.VMEM((RPW,), jnp.int32),
            pltpu.VMEM((SPW, D), jnp.float32),
            pltpu.VMEM((C, D), jnp.float32),
            pltpu.VMEM((C, D), jnp.float32),
            pltpu.VMEM((C, D), jnp.float32),
        ] + [pltpu.SemaphoreType.DMA] * (2 + 2 * DEPTH),
    )(x, tok_table, pos_table)


def kernel(x, tok_table, pos_table):
    return _emb(x.astype(jnp.int32), tok_table, pos_table)

# --- scband reference (transcript-rebuilt; emitter-appended) ---
"""Pipeline reference for scband-transformer-80126909874318 (READ-ONLY COPY).

The authoritative reference and input builder live on the scoring server;
editing this copy changes nothing except your own understanding.
"""

import jax, jax.numpy as jnp
import numpy as np

VOCAB = 100000
D_MODEL = 1024
BLOCK = 2048
B = 4
T = 2048

def setup_inputs(seed: int = 0) -> dict:
    key = jax.random.key(seed)
    k1, k2, k3 = jax.random.split(key, 3)
    x = jax.random.randint(k1, (B, T), 0, VOCAB, dtype=jnp.int64 if jax.config.jax_enable_x64 else jnp.int32)
    tok_table = jax.random.normal(k2, (VOCAB, D_MODEL), dtype=jnp.float32) * 0.02
    pos_table = jax.random.normal(k3, (BLOCK, D_MODEL), dtype=jnp.float32) * 0.02
    return {"x": x, "tok_table": tok_table, "pos_table": pos_table}

def reference(x, tok_table, pos_table):
    # _calc_embeddings with PositionalEncodingType.LEARNED, dropout p=0.0 (identity in eval)
    b, t = x.shape
    pos = jnp.arange(0, t, dtype=jnp.int32)
    tok_emb = jnp.take(tok_table, x, axis=0)           # [B, T, D] gather
    pos_emb = jnp.take(pos_table, pos, axis=0)         # [T, D] gather
    out = tok_emb + pos_emb[None, :, :]
    return out

if __name__ == "__main__":
    import jax
    _d = setup_inputs()
    print(jax.jit(kernel)(*tuple(_d.values())))

</pallas_src>

<mosaic_0001>
#map = affine_map<(d0, d1) -> (0, 0)>
#map1 = affine_map<(d0, d1) -> (0, 0, 0)>
module attributes {stable_mosaic.version = 14 : i64} {
  func.func @_emb_body(%arg0: i32, %arg1: i32, %arg2: memref<4x2048xi32, #tpu.memory_space<hbm>>, %arg3: memref<100000x1024xf32, #tpu.memory_space<hbm>>, %arg4: memref<2048x1024xf32, #tpu.memory_space<hbm>>, %arg5: memref<4x2048x1024xf32, #tpu.memory_space<hbm>>, %arg6: memref<256xi32, #tpu.memory_space<vmem>>, %arg7: memref<64x1024xf32, #tpu.memory_space<vmem>>, %arg8: memref<16x1024xf32, #tpu.memory_space<vmem>>, %arg9: memref<16x1024xf32, #tpu.memory_space<vmem>>, %arg10: memref<16x1024xf32, #tpu.memory_space<vmem>>, %arg11: memref<!tpu.dma_semaphore, #tpu.memory_space<semaphore_mem>>, %arg12: memref<!tpu.dma_semaphore, #tpu.memory_space<semaphore_mem>>, %arg13: memref<!tpu.dma_semaphore, #tpu.memory_space<semaphore_mem>>, %arg14: memref<!tpu.dma_semaphore, #tpu.memory_space<semaphore_mem>>, %arg15: memref<!tpu.dma_semaphore, #tpu.memory_space<semaphore_mem>>, %arg16: memref<!tpu.dma_semaphore, #tpu.memory_space<semaphore_mem>>, %arg17: memref<!tpu.dma_semaphore, #tpu.memory_space<semaphore_mem>>, %arg18: memref<!tpu.dma_semaphore, #tpu.memory_space<semaphore_mem>>) attributes {dimension_semantics = [#tpu.dimension_semantics<core_parallel>, #tpu.dimension_semantics<subcore_parallel>], iteration_bounds = array<i64: 2, 16>, scalar_prefetch = 0 : i64, scratch_operands = 13 : i64, tpu.core_type = #tpu.core_type<sc_vector_subcore>, window_params = [{transform_indices = #map}, {transform_indices = #map}, {transform_indices = #map}, {transform_indices = #map1}]} {
    %mul3A = arith.constant 2 : i32
    %mul3A_0 = arith.muli %arg1, %mul3A : i32
    %add3A = arith.addi %mul3A_0, %arg0 : i32
    %mul3A_1 = arith.constant 64 : i32
    %mul3A_2 = arith.muli %add3A, %mul3A_1 : i32
    %dma_start3A = arith.constant 0 : i32
    %dma_start3A_3 = tpu.memref_slice %arg4[%mul3A_2, %dma_start3A] : memref<2048x1024xf32, #tpu.memory_space<hbm>> -> memref<64x1024xf32, #tpu.memory_space<hbm>>
    %dma_start3A_4 = arith.constant 0 : i32
    %dma_start3A_5 = tpu.memref_slice %arg4[%mul3A_2, %dma_start3A_4] : memref<2048x1024xf32, #tpu.memory_space<hbm>> -> memref<64x1024xf32, #tpu.memory_space<hbm>>
    tpu.enqueue_dma source(%dma_start3A_5 : memref<64x1024xf32, #tpu.memory_space<hbm>>) target(%arg7 : memref<64x1024xf32, #tpu.memory_space<vmem>>) target_semaphore(%arg11 : memref<!tpu.dma_semaphore, #tpu.memory_space<semaphore_mem>>)
    %mul3A_6 = arith.constant 64 : i32
    %mul3A_7 = arith.muli %add3A, %mul3A_6 : i32
    %dma_start3A_8 = arith.constant 0 : i32
    %dma_start3A_9 = arith.constant 0 : i32
    %dma_start3A_10 = tpu.memref_slice %arg6[%dma_start3A_9] : memref<256xi32, #tpu.memory_space<vmem>> -> memref<64xi32, #tpu.memory_space<vmem>>
    %dma_start3A_11 = tpu.memref_slice %arg2[%dma_start3A_8, %mul3A_7] : memref<4x2048xi32, #tpu.memory_space<hbm>> -> memref<1x64xi32, #tpu.memory_space<hbm>>
    %dma_start3A_12 = tpu.memref_squeeze %dma_start3A_11 : memref<1x64xi32, #tpu.memory_space<hbm>> -> memref<64xi32, #tpu.memory_space<hbm>>
    %dma_start3A_13 = arith.constant 0 : i32
    %dma_start3A_14 = tpu.memref_slice %arg6[%dma_start3A_13] : memref<256xi32, #tpu.memory_space<vmem>> -> memref<64xi32, #tpu.memory_space<vmem>>
    %dma_start3A_15 = tpu.memref_slice %arg2[%dma_start3A_8, %mul3A_7] : memref<4x2048xi32, #tpu.memory_space<hbm>> -> memref<1x64xi32, #tpu.memory_space<hbm>>
    %dma_start3A_16 = tpu.memref_squeeze %dma_start3A_15 : memref<1x64xi32, #tpu.memory_space<hbm>> -> memref<64xi32, #tpu.memory_space<hbm>>
    tpu.enqueue_dma source(%dma_start3A_16 : memref<64xi32, #tpu.memory_space<hbm>>) target(%dma_start3A_14 : memref<64xi32, #tpu.memory_space<vmem>>) target_semaphore(%arg12 : memref<!tpu.dma_semaphore, #tpu.memory_space<semaphore_mem>>)
    %mul3A_17 = arith.constant 64 : i32
    %mul3A_18 = arith.muli %add3A, %mul3A_17 : i32
    %dma_start3A_19 = arith.constant 1 : i32
    %dma_start3A_20 = arith.constant 64 : i32
    %dma_start3A_21 = tpu.memref_slice %arg6[%dma_start3A_20] : memref<256xi32, #tpu.memory_space<vmem>> -> memref<64xi32, #tpu.memory_space<vmem>>
    %dma_start3A_22 = tpu.memref_slice %arg2[%dma_start3A_19, %mul3A_18] : memref<4x2048xi32, #tpu.memory_space<hbm>> -> memref<1x64xi32, #tpu.memory_space<hbm>>
    %dma_start3A_23 = tpu.memref_squeeze %dma_start3A_22 : memref<1x64xi32, #tpu.memory_space<hbm>> -> memref<64xi32, #tpu.memory_space<hbm>>
    %dma_start3A_24 = arith.constant 64 : i32
    %dma_start3A_25 = tpu.memref_slice %arg6[%dma_start3A_24] : memref<256xi32, #tpu.memory_space<vmem>> -> memref<64xi32, #tpu.memory_space<vmem>>
    %dma_start3A_26 = tpu.memref_slice %arg2[%dma_start3A_19, %mul3A_18] : memref<4x2048xi32, #tpu.memory_space<hbm>> -> memref<1x64xi32, #tpu.memory_space<hbm>>
    %dma_start3A_27 = tpu.memref_squeeze %dma_start3A_26 : memref<1x64xi32, #tpu.memory_space<hbm>> -> memref<64xi32, #tpu.memory_space<hbm>>
    tpu.enqueue_dma source(%dma_start3A_27 : memref<64xi32, #tpu.memory_space<hbm>>) target(%dma_start3A_25 : memref<64xi32, #tpu.memory_space<vmem>>) target_semaphore(%arg12 : memref<!tpu.dma_semaphore, #tpu.memory_space<semaphore_mem>>)
    %mul3A_28 = arith.constant 64 : i32
    %mul3A_29 = arith.muli %add3A, %mul3A_28 : i32
    %dma_start3A_30 = arith.constant 2 : i32
    %dma_start3A_31 = arith.constant 128 : i32
    %dma_start3A_32 = tpu.memref_slice %arg6[%dma_start3A_31] : memref<256xi32, #tpu.memory_space<vmem>> -> memref<64xi32, #tpu.memory_space<vmem>>
    %dma_start3A_33 = tpu.memref_slice %arg2[%dma_start3A_30, %mul3A_29] : memref<4x2048xi32, #tpu.memory_space<hbm>> -> memref<1x64xi32, #tpu.memory_space<hbm>>
    %dma_start3A_34 = tpu.memref_squeeze %dma_start3A_33 : memref<1x64xi32, #tpu.memory_space<hbm>> -> memref<64xi32, #tpu.memory_space<hbm>>
    %dma_start3A_35 = arith.constant 128 : i32
    %dma_start3A_36 = tpu.memref_slice %arg6[%dma_start3A_35] : memref<256xi32, #tpu.memory_space<vmem>> -> memref<64xi32, #tpu.memory_space<vmem>>
    %dma_start3A_37 = tpu.memref_slice %arg2[%dma_start3A_30, %mul3A_29] : memref<4x2048xi32, #tpu.memory_space<hbm>> -> memref<1x64xi32, #tpu.memory_space<hbm>>
    %dma_start3A_38 = tpu.memref_squeeze %dma_start3A_37 : memref<1x64xi32, #tpu.memory_space<hbm>> -> memref<64xi32, #tpu.memory_space<hbm>>
    tpu.enqueue_dma source(%dma_start3A_38 : memref<64xi32, #tpu.memory_space<hbm>>) target(%dma_start3A_36 : memref<64xi32, #tpu.memory_space<vmem>>) target_semaphore(%arg12 : memref<!tpu.dma_semaphore, #tpu.memory_space<semaphore_mem>>)
    %mul3A_39 = arith.constant 64 : i32
    %mul3A_40 = arith.muli %add3A, %mul3A_39 : i32
    %dma_start3A_41 = arith.constant 3 : i32
    %dma_start3A_42 = arith.constant 192 : i32
    %dma_start3A_43 = tpu.memref_slice %arg6[%dma_start3A_42] : memref<256xi32, #tpu.memory_space<vmem>> -> memref<64xi32, #tpu.memory_space<vmem>>
    %dma_start3A_44 = tpu.memref_slice %arg2[%dma_start3A_41, %mul3A_40] : memref<4x2048xi32, #tpu.memory_space<hbm>> -> memref<1x64xi32, #tpu.memory_space<hbm>>
    %dma_start3A_45 = tpu.memref_squeeze %dma_start3A_44 : memref<1x64xi32, #tpu.memory_space<hbm>> -> memref<64xi32, #tpu.memory_space<hbm>>
    %dma_start3A_46 = arith.constant 192 : i32
    %dma_start3A_47 = tpu.memref_slice %arg6[%dma_start3A_46] : memref<256xi32, #tpu.memory_space<vmem>> -> memref<64xi32, #tpu.memory_space<vmem>>
    %dma_start3A_48 = tpu.memref_slice %arg2[%dma_start3A_41, %mul3A_40] : memref<4x2048xi32, #tpu.memory_space<hbm>> -> memref<1x64xi32, #tpu.memory_space<hbm>>
    %dma_start3A_49 = tpu.memref_squeeze %dma_start3A_48 : memref<1x64xi32, #tpu.memory_space<hbm>> -> memref<64xi32, #tpu.memory_space<hbm>>
    tpu.enqueue_dma source(%dma_start3A_49 : memref<64xi32, #tpu.memory_space<hbm>>) target(%dma_start3A_47 : memref<64xi32, #tpu.memory_space<vmem>>) target_semaphore(%arg12 : memref<!tpu.dma_semaphore, #tpu.memory_space<semaphore_mem>>)
    %dma_wait3A = arith.constant 0 : i32
    %dma_wait3A_50 = arith.constant 0 : i32
    %dma_wait3A_51 = tpu.memref_slice %arg6[%dma_wait3A_50] : memref<256xi32, #tpu.memory_space<vmem>> -> memref<64xi32, #tpu.memory_space<vmem>>
    %dma_wait3A_52 = tpu.memref_slice %arg2[%dma_wait3A, %mul3A_7] : memref<4x2048xi32, #tpu.memory_space<hbm>> -> memref<1x64xi32, #tpu.memory_space<hbm>>
    %dma_wait3A_53 = tpu.memref_squeeze %dma_wait3A_52 : memref<1x64xi32, #tpu.memory_space<hbm>> -> memref<64xi32, #tpu.memory_space<hbm>>
    %dma_wait3A_54 = arith.constant 0 : i32
    %dma_wait3A_55 = tpu.memref_slice %arg6[%dma_wait3A_54] : memref<256xi32, #tpu.memory_space<vmem>> -> memref<64xi32, #tpu.memory_space<vmem>>
    %dma_wait3A_56 = tpu.memref_slice %arg2[%dma_wait3A, %mul3A_7] : memref<4x2048xi32, #tpu.memory_space<hbm>> -> memref<1x64xi32, #tpu.memory_space<hbm>>
    %dma_wait3A_57 = tpu.memref_squeeze %dma_wait3A_56 : memref<1x64xi32, #tpu.memory_space<hbm>> -> memref<64xi32, #tpu.memory_space<hbm>>
    tpu.wait_dma2 semaphore(%arg12 : memref<!tpu.dma_semaphore, #tpu.memory_space<semaphore_mem>>) src(%dma_wait3A_57 : memref<64xi32, #tpu.memory_space<hbm>>) dst(%dma_wait3A_55 : memref<64xi32, #tpu.memory_space<vmem>>)
    %dma_wait3A_58 = arith.constant 1 : i32
    %dma_wait3A_59 = arith.constant 64 : i32
    %dma_wait3A_60 = tpu.memref_slice %arg6[%dma_wait3A_59] : memref<256xi32, #tpu.memory_space<vmem>> -> memref<64xi32, #tpu.memory_space<vmem>>
    %dma_wait3A_61 = tpu.memref_slice %arg2[%dma_wait3A_58, %mul3A_18] : memref<4x2048xi32, #tpu.memory_space<hbm>> -> memref<1x64xi32, #tpu.memory_space<hbm>>
    %dma_wait3A_62 = tpu.memref_squeeze %dma_wait3A_61 : memref<1x64xi32, #tpu.memory_space<hbm>> -> memref<64xi32, #tpu.memory_space<hbm>>
    %dma_wait3A_63 = arith.constant 64 : i32
    %dma_wait3A_64 = tpu.memref_slice %arg6[%dma_wait3A_63] : memref<256xi32, #tpu.memory_space<vmem>> -> memref<64xi32, #tpu.memory_space<vmem>>
    %dma_wait3A_65 = tpu.memref_slice %arg2[%dma_wait3A_58, %mul3A_18] : memref<4x2048xi32, #tpu.memory_space<hbm>> -> memref<1x64xi32, #tpu.memory_space<hbm>>
    %dma_wait3A_66 = tpu.memref_squeeze %dma_wait3A_65 : memref<1x64xi32, #tpu.memory_space<hbm>> -> memref<64xi32, #tpu.memory_space<hbm>>
    tpu.wait_dma2 semaphore(%arg12 : memref<!tpu.dma_semaphore, #tpu.memory_space<semaphore_mem>>) src(%dma_wait3A_66 : memref<64xi32, #tpu.memory_space<hbm>>) dst(%dma_wait3A_64 : memref<64xi32, #tpu.memory_space<vmem>>)
    %dma_wait3A_67 = arith.constant 2 : i32
    %dma_wait3A_68 = arith.constant 128 : i32
    %dma_wait3A_69 = tpu.memref_slice %arg6[%dma_wait3A_68] : memref<256xi32, #tpu.memory_space<vmem>> -> memref<64xi32, #tpu.memory_space<vmem>>
    %dma_wait3A_70 = tpu.memref_slice %arg2[%dma_wait3A_67, %mul3A_29] : memref<4x2048xi32, #tpu.memory_space<hbm>> -> memref<1x64xi32, #tpu.memory_space<hbm>>
    %dma_wait3A_71 = tpu.memref_squeeze %dma_wait3A_70 : memref<1x64xi32, #tpu.memory_space<hbm>> -> memref<64xi32, #tpu.memory_space<hbm>>
    %dma_wait3A_72 = arith.constant 128 : i32
    %dma_wait3A_73 = tpu.memref_slice %arg6[%dma_wait3A_72] : memref<256xi32, #tpu.memory_space<vmem>> -> memref<64xi32, #tpu.memory_space<vmem>>
    %dma_wait3A_74 = tpu.memref_slice %arg2[%dma_wait3A_67, %mul3A_29] : memref<4x2048xi32, #tpu.memory_space<hbm>> -> memref<1x64xi32, #tpu.memory_space<hbm>>
    %dma_wait3A_75 = tpu.memref_squeeze %dma_wait3A_74 : memref<1x64xi32, #tpu.memory_space<hbm>> -> memref<64xi32, #tpu.memory_space<hbm>>
    tpu.wait_dma2 semaphore(%arg12 : memref<!tpu.dma_semaphore, #tpu.memory_space<semaphore_mem>>) src(%dma_wait3A_75 : memref<64xi32, #tpu.memory_space<hbm>>) dst(%dma_wait3A_73 : memref<64xi32, #tpu.memory_space<vmem>>)
    %dma_wait3A_76 = arith.constant 3 : i32
    %dma_wait3A_77 = arith.constant 192 : i32
    %dma_wait3A_78 = tpu.memref_slice %arg6[%dma_wait3A_77] : memref<256xi32, #tpu.memory_space<vmem>> -> memref<64xi32, #tpu.memory_space<vmem>>
    %dma_wait3A_79 = tpu.memref_slice %arg2[%dma_wait3A_76, %mul3A_40] : memref<4x2048xi32, #tpu.memory_space<hbm>> -> memref<1x64xi32, #tpu.memory_space<hbm>>
    %dma_wait3A_80 = tpu.memref_squeeze %dma_wait3A_79 : memref<1x64xi32, #tpu.memory_space<hbm>> -> memref<64xi32, #tpu.memory_space<hbm>>
    %dma_wait3A_81 = arith.constant 192 : i32
    %dma_wait3A_82 = tpu.memref_slice %arg6[%dma_wait3A_81] : memref<256xi32, #tpu.memory_space<vmem>> -> memref<64xi32, #tpu.memory_space<vmem>>
    %dma_wait3A_83 = tpu.memref_slice %arg2[%dma_wait3A_76, %mul3A_40] : memref<4x2048xi32, #tpu.memory_space<hbm>> -> memref<1x64xi32, #tpu.memory_space<hbm>>
    %dma_wait3A_84 = tpu.memref_squeeze %dma_wait3A_83 : memref<1x64xi32, #tpu.memory_space<hbm>> -> memref<64xi32, #tpu.memory_space<hbm>>
    tpu.wait_dma2 semaphore(%arg12 : memref<!tpu.dma_semaphore, #tpu.memory_space<semaphore_mem>>) src(%dma_wait3A_84 : memref<64xi32, #tpu.memory_space<hbm>>) dst(%dma_wait3A_82 : memref<64xi32, #tpu.memory_space<vmem>>)
    %dma_start3A_85 = arith.constant 0 : i32
    %dma_start3A_86 = tpu.memref_slice %arg6[%dma_start3A_85] : memref<256xi32, #tpu.memory_space<vmem>> -> memref<16xi32, #tpu.memory_space<vmem>>
    %dma_start3A_87 = arith.constant 0 : i32
    %dma_start3A_88 = arith.constant 0 : i32
    %dma_start3A_89 = tpu.memref_slice %arg3[%dma_start3A_87, %dma_start3A_88] : memref<100000x1024xf32, #tpu.memory_space<hbm>> -> memref<100000x1024xf32, #tpu.memory_space<hbm>>
    tpu.enqueue_indirect_dma source(%dma_start3A_89 : memref<100000x1024xf32, #tpu.memory_space<hbm>>) target(%arg8 : memref<16x1024xf32, #tpu.memory_space<vmem>>) offsets(%dma_start3A_86 : memref<16xi32, #tpu.memory_space<vmem>>) semaphore(%arg13 : memref<!tpu.dma_semaphore, #tpu.memory_space<semaphore_mem>>)
    %dma_start3A_90 = arith.constant 16 : i32
    %dma_start3A_91 = tpu.memref_slice %arg6[%dma_start3A_90] : memref<256xi32, #tpu.memory_space<vmem>> -> memref<16xi32, #tpu.memory_space<vmem>>
    %dma_start3A_92 = arith.constant 0 : i32
    %dma_start3A_93 = arith.constant 0 : i32
    %dma_start3A_94 = tpu.memref_slice %arg3[%dma_start3A_92, %dma_start3A_93] : memref<100000x1024xf32, #tpu.memory_space<hbm>> -> memref<100000x1024xf32, #tpu.memory_space<hbm>>
    tpu.enqueue_indirect_dma source(%dma_start3A_94 : memref<100000x1024xf32, #tpu.memory_space<hbm>>) target(%arg9 : memref<16x1024xf32, #tpu.memory_space<vmem>>) offsets(%dma_start3A_91 : memref<16xi32, #tpu.memory_space<vmem>>) semaphore(%arg14 : memref<!tpu.dma_semaphore, #tpu.memory_space<semaphore_mem>>)
    %dma_wait3A_95 = arith.constant 0 : i32
    %dma_wait3A_96 = tpu.memref_slice %arg6[%dma_wait3A_95] : memref<256xi32, #tpu.memory_space<vmem>> -> memref<16xi32, #tpu.memory_space<vmem>>
    %dma_wait3A_97 = arith.constant 0 : i32
    %dma_wait3A_98 = arith.constant 0 : i32
    %dma_wait3A_99 = tpu.memref_slice %arg3[%dma_wait3A_97, %dma_wait3A_98] : memref<100000x1024xf32, #tpu.memory_space<hbm>> -> memref<100000x1024xf32, #tpu.memory_space<hbm>>
    tpu.wait_indirect_dma semaphore(%arg13 : memref<!tpu.dma_semaphore, #tpu.memory_space<semaphore_mem>>) src(%dma_wait3A_99 : memref<100000x1024xf32, #tpu.memory_space<hbm>>) dst(%arg8 : memref<16x1024xf32, #tpu.memory_space<vmem>>)
    %dma_wait3A_100 = arith.constant 0 : i32
    %dma_wait3A_101 = tpu.memref_slice %arg4[%mul3A_2, %dma_wait3A_100] : memref<2048x1024xf32, #tpu.memory_space<hbm>> -> memref<64x1024xf32, #tpu.memory_space<hbm>>
    %dma_wait3A_102 = arith.constant 0 : i32
    %dma_wait3A_103 = tpu.memref_slice %arg4[%mul3A_2, %dma_wait3A_102] : memref<2048x1024xf32, #tpu.memory_space<hbm>> -> memref<64x1024xf32, #tpu.memory_space<hbm>>
    tpu.wait_dma2 semaphore(%arg11 : memref<!tpu.dma_semaphore, #tpu.memory_space<semaphore_mem>>) src(%dma_wait3A_103 : memref<64x1024xf32, #tpu.memory_space<hbm>>) dst(%arg7 : memref<64x1024xf32, #tpu.memory_space<vmem>>)
    %parallel_loop3A = arith.constant 0 : i32
    %parallel_loop3A_104 = arith.constant 1024 : i32
    %parallel_loop3A_105 = arith.constant 1 : i32
    scf.for %parallel_loop3A_584 = %parallel_loop3A to %parallel_loop3A_104 step %parallel_loop3A_105  : i32 {
      %parallel_loop3A_585 = arith.constant 64 : i32
      %parallel_loop3A_586 = arith.divsi %parallel_loop3A_584, %parallel_loop3A_585 : i32
      %parallel_loop3A_587 = arith.constant 0 : i32
      %parallel_loop3A_588 = arith.cmpi sgt, %parallel_loop3A_584, %parallel_loop3A_587 : i32
      %parallel_loop3A_589 = arith.extui %parallel_loop3A_588 : i1 to i32
      %parallel_loop3A_590 = arith.constant 0 : i32
      %parallel_loop3A_591 = arith.cmpi slt, %parallel_loop3A_584, %parallel_loop3A_590 : i32
      %parallel_loop3A_592 = arith.extui %parallel_loop3A_591 : i1 to i32
      %parallel_loop3A_593 = arith.subi %parallel_loop3A_589, %parallel_loop3A_592 : i32
      %parallel_loop3A_594 = arith.constant 0 : i32
      %parallel_loop3A_595 = arith.cmpi sgt, %parallel_loop3A_585, %parallel_loop3A_594 : i32
      %parallel_loop3A_596 = arith.extui %parallel_loop3A_595 : i1 to i32
      %parallel_loop3A_597 = arith.constant 0 : i32
      %parallel_loop3A_598 = arith.cmpi slt, %parallel_loop3A_585, %parallel_loop3A_597 : i32
      %parallel_loop3A_599 = arith.extui %parallel_loop3A_598 : i1 to i32
      %parallel_loop3A_600 = arith.subi %parallel_loop3A_596, %parallel_loop3A_599 : i32
      %parallel_loop3A_601 = arith.cmpi ne, %parallel_loop3A_593, %parallel_loop3A_600 : i32
      %parallel_loop3A_602 = arith.remsi %parallel_loop3A_584, %parallel_loop3A_585 : i32
      %parallel_loop3A_603 = arith.constant 0 : i32
      %parallel_loop3A_604 = arith.cmpi ne, %parallel_loop3A_602, %parallel_loop3A_603 : i32
      %parallel_loop3A_605 = arith.andi %parallel_loop3A_601, %parallel_loop3A_604 : i1
      %parallel_loop3A_606 = arith.constant 1 : i32
      %parallel_loop3A_607 = arith.subi %parallel_loop3A_586, %parallel_loop3A_606 : i32
      %parallel_loop3A_608 = arith.select %parallel_loop3A_605, %parallel_loop3A_607, %parallel_loop3A_586 : i32
      %parallel_loop3A_609 = arith.constant 64 : i32
      %parallel_loop3A_610 = arith.constant 0 : i32
      %parallel_loop3A_611 = arith.cmpi eq, %parallel_loop3A_609, %parallel_loop3A_610 : i32
      %parallel_loop3A_612 = arith.constant 1 : i32
      %parallel_loop3A_613 = arith.select %parallel_loop3A_611, %parallel_loop3A_612, %parallel_loop3A_609 : i32
      %parallel_loop3A_614 = arith.remsi %parallel_loop3A_584, %parallel_loop3A_613 : i32
      %parallel_loop3A_615 = arith.constant 0 : i32
      %parallel_loop3A_616 = arith.cmpi ne, %parallel_loop3A_614, %parallel_loop3A_615 : i32
      %parallel_loop3A_617 = arith.constant 0 : i32
      %parallel_loop3A_618 = arith.cmpi slt, %parallel_loop3A_614, %parallel_loop3A_617 : i32
      %parallel_loop3A_619 = arith.constant 0 : i32
      %parallel_loop3A_620 = arith.cmpi slt, %parallel_loop3A_613, %parallel_loop3A_619 : i32
      %parallel_loop3A_621 = arith.xori %parallel_loop3A_618, %parallel_loop3A_620 : i1
      %parallel_loop3A_622 = arith.andi %parallel_loop3A_621, %parallel_loop3A_616 : i1
      %parallel_loop3A_623 = arith.addi %parallel_loop3A_614, %parallel_loop3A_613 : i32
      %parallel_loop3A_624 = arith.select %parallel_loop3A_622, %parallel_loop3A_623, %parallel_loop3A_614 : i32
      %parallel_loop3A_625 = arith.constant 16 : i32
      %parallel_loop3A_626 = arith.muli %parallel_loop3A_624, %parallel_loop3A_625 : i32
      %parallel_loop3A_627 = arith.constant 0 : i32
      %parallel_loop3A_628 = arith.addi %parallel_loop3A_627, %parallel_loop3A_608 : i32
      %parallel_loop3A_629 = arith.index_cast %parallel_loop3A_628 : i32 to index
      %parallel_loop3A_630 = arith.index_cast %parallel_loop3A_626 : i32 to index
      %parallel_loop3A_631 = tpu.vector_load %arg7[%parallel_loop3A_629, %parallel_loop3A_630] {strides = array<i32>} : memref<64x1024xf32, #tpu.memory_space<vmem>>, vector<1x16xf32>,
      %parallel_loop3A_632 = vector.shape_cast %parallel_loop3A_631 : vector<1x16xf32> to vector<16xf32>
      %parallel_loop3A_633 = arith.index_cast %parallel_loop3A_608 : i32 to index
      %parallel_loop3A_634 = arith.index_cast %parallel_loop3A_626 : i32 to index
      %parallel_loop3A_635 = tpu.vector_load %arg8[%parallel_loop3A_633, %parallel_loop3A_634] {strides = array<i32>} : memref<16x1024xf32, #tpu.memory_space<vmem>>, vector<1x16xf32>,
      %parallel_loop3A_636 = vector.shape_cast %parallel_loop3A_635 : vector<1x16xf32> to vector<16xf32>
      %parallel_loop3A_637 = vector.shape_cast %parallel_loop3A_632 : vector<16xf32> to vector<1x16xf32>
      tpu.vector_store %arg8[%parallel_loop3A_633, %parallel_loop3A_634], %parallel_loop3A_637 {add = true, strides = array<i32>} : memref<16x1024xf32, #tpu.memory_space<vmem>>, vector<1x16xf32>,
    } {sc.loop_unroll_factor = 8 : i64, sc.parallel_access}
    %mul3A_106 = arith.constant 64 : i32
    %mul3A_107 = arith.muli %add3A, %mul3A_106 : i32
    %add3A_108 = arith.constant 0 : i32
    %add3A_109 = arith.addi %mul3A_107, %add3A_108 : i32
    %dma_start3A_110 = arith.constant 0 : i32
    %dma_start3A_111 = arith.constant 0 : i32
    %dma_start3A_112 = tpu.memref_slice %arg5[%dma_start3A_110, %add3A_109, %dma_start3A_111] : memref<4x2048x1024xf32, #tpu.memory_space<hbm>> -> memref<1x16x1024xf32, #tpu.memory_space<hbm>>
    %dma_start3A_113 = tpu.memref_squeeze %dma_start3A_112 : memref<1x16x1024xf32, #tpu.memory_space<hbm>> -> memref<16x1024xf32, #tpu.memory_space<hbm>>
    %dma_start3A_114 = arith.constant 0 : i32
    %dma_start3A_115 = tpu.memref_slice %arg5[%dma_start3A_110, %add3A_109, %dma_start3A_114] : memref<4x2048x1024xf32, #tpu.memory_space<hbm>> -> memref<1x16x1024xf32, #tpu.memory_space<hbm>>
    %dma_start3A_116 = tpu.memref_squeeze %dma_start3A_115 : memref<1x16x1024xf32, #tpu.memory_space<hbm>> -> memref<16x1024xf32, #tpu.memory_space<hbm>>
    tpu.enqueue_dma source(%arg8 : memref<16x1024xf32, #tpu.memory_space<vmem>>) target(%dma_start3A_116 : memref<16x1024xf32, #tpu.memory_space<hbm>>) target_semaphore(%arg16 : memref<!tpu.dma_semaphore, #tpu.memory_space<semaphore_mem>>)
    %dma_start3A_117 = arith.constant 32 : i32
    %dma_start3A_118 = tpu.memref_slice %arg6[%dma_start3A_117] : memref<256xi32, #tpu.memory_space<vmem>> -> memref<16xi32, #tpu.memory_space<vmem>>
    %dma_start3A_119 = arith.constant 0 : i32
    %dma_start3A_120 = arith.constant 0 : i32
    %dma_start3A_121 = tpu.memref_slice %arg3[%dma_start3A_119, %dma_start3A_120] : memref<100000x1024xf32, #tpu.memory_space<hbm>> -> memref<100000x1024xf32, #tpu.memory_space<hbm>>
    tpu.enqueue_indirect_dma source(%dma_start3A_121 : memref<100000x1024xf32, #tpu.memory_space<hbm>>) target(%arg10 : memref<16x1024xf32, #tpu.memory_space<vmem>>) offsets(%dma_start3A_118 : memref<16xi32, #tpu.memory_space<vmem>>) semaphore(%arg15 : memref<!tpu.dma_semaphore, #tpu.memory_space<semaphore_mem>>)
    %dma_wait3A_122 = arith.constant 16 : i32
    %dma_wait3A_123 = tpu.memref_slice %arg6[%dma_wait3A_122] : memref<256xi32, #tpu.memory_space<vmem>> -> memref<16xi32, #tpu.memory_space<vmem>>
    %dma_wait3A_124 = arith.constant 0 : i32
    %dma_wait3A_125 = arith.constant 0 : i32
    %dma_wait3A_126 = tpu.memref_slice %arg3[%dma_wait3A_124, %dma_wait3A_125] : memref<100000x1024xf32, #tpu.memory_space<hbm>> -> memref<100000x1024xf32, #tpu.memory_space<hbm>>
    tpu.wait_indirect_dma semaphore(%arg14 : memref<!tpu.dma_semaphore, #tpu.memory_space<semaphore_mem>>) src(%dma_wait3A_126 : memref<100000x1024xf32, #tpu.memory_space<hbm>>) dst(%arg9 : memref<16x1024xf32, #tpu.memory_space<vmem>>)
    %parallel_loop3A_127 = arith.constant 0 : i32
    %parallel_loop3A_128 = arith.constant 1024 : i32
    %parallel_loop3A_129 = arith.constant 1 : i32
    scf.for %parallel_loop3A_584 = %parallel_loop3A_127 to %parallel_loop3A_128 step %parallel_loop3A_129  : i32 {
      %parallel_loop3A_585 = arith.constant 64 : i32
      %parallel_loop3A_586 = arith.divsi %parallel_loop3A_584, %parallel_loop3A_585 : i32
      %parallel_loop3A_587 = arith.constant 0 : i32
      %parallel_loop3A_588 = arith.cmpi sgt, %parallel_loop3A_584, %parallel_loop3A_587 : i32
      %parallel_loop3A_589 = arith.extui %parallel_loop3A_588 : i1 to i32
      %parallel_loop3A_590 = arith.constant 0 : i32
      %parallel_loop3A_591 = arith.cmpi slt, %parallel_loop3A_584, %parallel_loop3A_590 : i32
      %parallel_loop3A_592 = arith.extui %parallel_loop3A_591 : i1 to i32
      %parallel_loop3A_593 = arith.subi %parallel_loop3A_589, %parallel_loop3A_592 : i32
      %parallel_loop3A_594 = arith.constant 0 : i32
      %parallel_loop3A_595 = arith.cmpi sgt, %parallel_loop3A_585, %parallel_loop3A_594 : i32
      %parallel_loop3A_596 = arith.extui %parallel_loop3A_595 : i1 to i32
      %parallel_loop3A_597 = arith.constant 0 : i32
      %parallel_loop3A_598 = arith.cmpi slt, %parallel_loop3A_585, %parallel_loop3A_597 : i32
      %parallel_loop3A_599 = arith.extui %parallel_loop3A_598 : i1 to i32
      %parallel_loop3A_600 = arith.subi %parallel_loop3A_596, %parallel_loop3A_599 : i32
      %parallel_loop3A_601 = arith.cmpi ne, %parallel_loop3A_593, %parallel_loop3A_600 : i32
      %parallel_loop3A_602 = arith.remsi %parallel_loop3A_584, %parallel_loop3A_585 : i32
      %parallel_loop3A_603 = arith.constant 0 : i32
      %parallel_loop3A_604 = arith.cmpi ne, %parallel_loop3A_602, %parallel_loop3A_603 : i32
      %parallel_loop3A_605 = arith.andi %parallel_loop3A_601, %parallel_loop3A_604 : i1
      %parallel_loop3A_606 = arith.constant 1 : i32
      %parallel_loop3A_607 = arith.subi %parallel_loop3A_586, %parallel_loop3A_606 : i32
      %parallel_loop3A_608 = arith.select %parallel_loop3A_605, %parallel_loop3A_607, %parallel_loop3A_586 : i32
      %parallel_loop3A_609 = arith.constant 64 : i32
      %parallel_loop3A_610 = arith.constant 0 : i32
      %parallel_loop3A_611 = arith.cmpi eq, %parallel_loop3A_609, %parallel_loop3A_610 : i32
      %parallel_loop3A_612 = arith.constant 1 : i32
      %parallel_loop3A_613 = arith.select %parallel_loop3A_611, %parallel_loop3A_612, %parallel_loop3A_609 : i32
      %parallel_loop3A_614 = arith.remsi %parallel_loop3A_584, %parallel_loop3A_613 : i32
      %parallel_loop3A_615 = arith.constant 0 : i32
      %parallel_loop3A_616 = arith.cmpi ne, %parallel_loop3A_614, %parallel_loop3A_615 : i32
      %parallel_loop3A_617 = arith.constant 0 : i32
      %parallel_loop3A_618 = arith.cmpi slt, %parallel_loop3A_614, %parallel_loop3A_617 : i32
      %parallel_loop3A_619 = arith.constant 0 : i32
      %parallel_loop3A_620 = arith.cmpi slt, %parallel_loop3A_613, %parallel_loop3A_619 : i32
      %parallel_loop3A_621 = arith.xori %parallel_loop3A_618, %parallel_loop3A_620 : i1
      %parallel_loop3A_622 = arith.andi %parallel_loop3A_621, %parallel_loop3A_616 : i1
      %parallel_loop3A_623 = arith.addi %parallel_loop3A_614, %parallel_loop3A_613 : i32
      %parallel_loop3A_624 = arith.select %parallel_loop3A_622, %parallel_loop3A_623, %parallel_loop3A_614 : i32
      %parallel_loop3A_625 = arith.constant 16 : i32
      %parallel_loop3A_626 = arith.muli %parallel_loop3A_624, %parallel_loop3A_625 : i32
      %parallel_loop3A_627 = arith.constant 16 : i32
      %parallel_loop3A_628 = arith.addi %parallel_loop3A_627, %parallel_loop3A_608 : i32
      %parallel_loop3A_629 = arith.index_cast %parallel_loop3A_628 : i32 to index
      %parallel_loop3A_630 = arith.index_cast %parallel_loop3A_626 : i32 to index
      %parallel_loop3A_631 = tpu.vector_load %arg7[%parallel_loop3A_629, %parallel_loop3A_630] {strides = array<i32>} : memref<64x1024xf32, #tpu.memory_space<vmem>>, vector<1x16xf32>,
      %parallel_loop3A_632 = vector.shape_cast %parallel_loop3A_631 : vector<1x16xf32> to vector<16xf32>
      %parallel_loop3A_633 = arith.index_cast %parallel_loop3A_608 : i32 to index
      %parallel_loop3A_634 = arith.index_cast %parallel_loop3A_626 : i32 to index
      %parallel_loop3A_635 = tpu.vector_load %arg9[%parallel_loop3A_633, %parallel_loop3A_634] {strides = array<i32>} : memref<16x1024xf32, #tpu.memory_space<vmem>>, vector<1x16xf32>,
      %parallel_loop3A_636 = vector.shape_cast %parallel_loop3A_635 : vector<1x16xf32> to vector<16xf32>
      %parallel_loop3A_637 = vector.shape_cast %parallel_loop3A_632 : vector<16xf32> to vector<1x16xf32>
      tpu.vector_store %arg9[%parallel_loop3A_633, %parallel_loop3A_634], %parallel_loop3A_637 {add = true, strides = array<i32>} : memref<16x1024xf32, #tpu.memory_space<vmem>>, vector<1x16xf32>,
    } {sc.loop_unroll_factor = 8 : i64, sc.parallel_access}
    %mul3A_130 = arith.constant 64 : i32
    %mul3A_131 = arith.muli %add3A, %mul3A_130 : i32
    %add3A_132 = arith.constant 16 : i32
    %add3A_133 = arith.addi %mul3A_131, %add3A_132 : i32
    %dma_start3A_134 = arith.constant 0 : i32
    %dma_start3A_135 = arith.constant 0 : i32
    %dma_start3A_136 = tpu.memref_slice %arg5[%dma_start3A_134, %add3A_133, %dma_start3A_135] : memref<4x2048x1024xf32, #tpu.memory_space<hbm>> -> memref<1x16x1024xf32, #tpu.memory_space<hbm>>
    %dma_start3A_137 = tpu.memref_squeeze %dma_start3A_136 : memref<1x16x1024xf32, #tpu.memory_space<hbm>> -> memref<16x1024xf32, #tpu.memory_space<hbm>>
    %dma_start3A_138 = arith.constant 0 : i32
    %dma_start3A_139 = tpu.memref_slice %arg5[%dma_start3A_134, %add3A_133, %dma_start3A_138] : memref<4x2048x1024xf32, #tpu.memory_space<hbm>> -> memref<1x16x1024xf32, #tpu.memory_space<hbm>>
    %dma_start3A_140 = tpu.memref_squeeze %dma_start3A_139 : memref<1x16x1024xf32, #tpu.memory_space<hbm>> -> memref<16x1024xf32, #tpu.memory_space<hbm>>
    tpu.enqueue_dma source(%arg9 : memref<16x1024xf32, #tpu.memory_space<vmem>>) target(%dma_start3A_140 : memref<16x1024xf32, #tpu.memory_space<hbm>>) target_semaphore(%arg17 : memref<!tpu.dma_semaphore, #tpu.memory_space<semaphore_mem>>)
    %dma_wait3A_141 = arith.constant 0 : i32
    %dma_wait3A_142 = arith.constant 0 : i32
    %dma_wait3A_143 = tpu.memref_slice %arg5[%dma_wait3A_141, %add3A_109, %dma_wait3A_142] : memref<4x2048x1024xf32, #tpu.memory_space<hbm>> -> memref<1x16x1024xf32, #tpu.memory_space<hbm>>
    %dma_wait3A_144 = tpu.memref_squeeze %dma_wait3A_143 : memref<1x16x1024xf32, #tpu.memory_space<hbm>> -> memref<16x1024xf32, #tpu.memory_space<hbm>>
    %dma_wait3A_145 = arith.constant 0 : i32
    %dma_wait3A_146 = tpu.memref_slice %arg5[%dma_wait3A_141, %add3A_109, %dma_wait3A_145] : memref<4x2048x1024xf32, #tpu.memory_space<hbm>> -> memref<1x16x1024xf32, #tpu.memory_space<hbm>>
    %dma_wait3A_147 = tpu.memref_squeeze %dma_wait3A_146 : memref<1x16x1024xf32, #tpu.memory_space<hbm>> -> memref<16x1024xf32, #tpu.memory_space<hbm>>
    tpu.wait_dma2 semaphore(%arg16 : memref<!tpu.dma_semaphore, #tpu.memory_space<semaphore_mem>>) src(%arg8 : memref<16x1024xf32, #tpu.memory_space<vmem>>) dst(%dma_wait3A_147 : memref<16x1024xf32, #tpu.memory_space<hbm>>)
    %dma_start3A_148 = arith.constant 48 : i32
    %dma_start3A_149 = tpu.memref_slice %arg6[%dma_start3A_148] : memref<256xi32, #tpu.memory_space<vmem>> -> memref<16xi32, #tpu.memory_space<vmem>>
    %dma_start3A_150 = arith.constant 0 : i32
    %dma_start3A_151 = arith.constant 0 : i32
    %dma_start3A_152 = tpu.memref_slice %arg3[%dma_start3A_150, %dma_start3A_151] : memref<100000x1024xf32, #tpu.memory_space<hbm>> -> memref<100000x1024xf32, #tpu.memory_space<hbm>>
    tpu.enqueue_indirect_dma source(%dma_start3A_152 : memref<100000x1024xf32, #tpu.memory_space<hbm>>) target(%arg8 : memref<16x1024xf32, #tpu.memory_space<vmem>>) offsets(%dma_start3A_149 : memref<16xi32, #tpu.memory_space<vmem>>) semaphore(%arg13 : memref<!tpu.dma_semaphore, #tpu.memory_space<semaphore_mem>>)
    %dma_wait3A_153 = arith.constant 32 : i32
    %dma_wait3A_154 = tpu.memref_slice %arg6[%dma_wait3A_153] : memref<256xi32, #tpu.memory_space<vmem>> -> memref<16xi32, #tpu.memory_space<vmem>>
    %dma_wait3A_155 = arith.constant 0 : i32
    %dma_wait3A_156 = arith.constant 0 : i32
    %dma_wait3A_157 = tpu.memref_slice %arg3[%dma_wait3A_155, %dma_wait3A_156] : memref<100000x1024xf32, #tpu.memory_space<hbm>> -> memref<100000x1024xf32, #tpu.memory_space<hbm>>
    tpu.wait_indirect_dma semaphore(%arg15 : memref<!tpu.dma_semaphore, #tpu.memory_space<semaphore_mem>>) src(%dma_wait3A_157 : memref<100000x1024xf32, #tpu.memory_space<hbm>>) dst(%arg10 : memref<16x1024xf32, #tpu.memory_space<vmem>>)
    %parallel_loop3A_158 = arith.constant 0 : i32
    %parallel_loop3A_159 = arith.constant 1024 : i32
    %parallel_loop3A_160 = arith.constant 1 : i32
    scf.for %parallel_loop3A_584 = %parallel_loop3A_158 to %parallel_loop3A_159 step %parallel_loop3A_160  : i32 {
      %parallel_loop3A_585 = arith.constant 64 : i32
      %parallel_loop3A_586 = arith.divsi %parallel_loop3A_584, %parallel_loop3A_585 : i32
      %parallel_loop3A_587 = arith.constant 0 : i32
      %parallel_loop3A_588 = arith.cmpi sgt, %parallel_loop3A_584, %parallel_loop3A_587 : i32
      %parallel_loop3A_589 = arith.extui %parallel_loop3A_588 : i1 to i32
      %parallel_loop3A_590 = arith.constant 0 : i32
      %parallel_loop3A_591 = arith.cmpi slt, %parallel_loop3A_584, %parallel_loop3A_590 : i32
      %parallel_loop3A_592 = arith.extui %parallel_loop3A_591 : i1 to i32
      %parallel_loop3A_593 = arith.subi %parallel_loop3A_589, %parallel_loop3A_592 : i32
      %parallel_loop3A_594 = arith.constant 0 : i32
      %parallel_loop3A_595 = arith.cmpi sgt, %parallel_loop3A_585, %parallel_loop3A_594 : i32
      %parallel_loop3A_596 = arith.extui %parallel_loop3A_595 : i1 to i32
      %parallel_loop3A_597 = arith.constant 0 : i32
      %parallel_loop3A_598 = arith.cmpi slt, %parallel_loop3A_585, %parallel_loop3A_597 : i32
      %parallel_loop3A_599 = arith.extui %parallel_loop3A_598 : i1 to i32
      %parallel_loop3A_600 = arith.subi %parallel_loop3A_596, %parallel_loop3A_599 : i32
      %parallel_loop3A_601 = arith.cmpi ne, %parallel_loop3A_593, %parallel_loop3A_600 : i32
      %parallel_loop3A_602 = arith.remsi %parallel_loop3A_584, %parallel_loop3A_585 : i32
      %parallel_loop3A_603 = arith.constant 0 : i32
      %parallel_loop3A_604 = arith.cmpi ne, %parallel_loop3A_602, %parallel_loop3A_603 : i32
      %parallel_loop3A_605 = arith.andi %parallel_loop3A_601, %parallel_loop3A_604 : i1
      %parallel_loop3A_606 = arith.constant 1 : i32
      %parallel_loop3A_607 = arith.subi %parallel_loop3A_586, %parallel_loop3A_606 : i32
      %parallel_loop3A_608 = arith.select %parallel_loop3A_605, %parallel_loop3A_607, %parallel_loop3A_586 : i32
      %parallel_loop3A_609 = arith.constant 64 : i32
      %parallel_loop3A_610 = arith.constant 0 : i32
      %parallel_loop3A_611 = arith.cmpi eq, %parallel_loop3A_609, %parallel_loop3A_610 : i32
      %parallel_loop3A_612 = arith.constant 1 : i32
      %parallel_loop3A_613 = arith.select %parallel_loop3A_611, %parallel_loop3A_612, %parallel_loop3A_609 : i32
      %parallel_loop3A_614 = arith.remsi %parallel_loop3A_584, %parallel_loop3A_613 : i32
      %parallel_loop3A_615 = arith.constant 0 : i32
      %parallel_loop3A_616 = arith.cmpi ne, %parallel_loop3A_614, %parallel_loop3A_615 : i32
      %parallel_loop3A_617 = arith.constant 0 : i32
      %parallel_loop3A_618 = arith.cmpi slt, %parallel_loop3A_614, %parallel_loop3A_617 : i32
      %parallel_loop3A_619 = arith.constant 0 : i32
      %parallel_loop3A_620 = arith.cmpi slt, %parallel_loop3A_613, %parallel_loop3A_619 : i32
      %parallel_loop3A_621 = arith.xori %parallel_loop3A_618, %parallel_loop3A_620 : i1
      %parallel_loop3A_622 = arith.andi %parallel_loop3A_621, %parallel_loop3A_616 : i1
      %parallel_loop3A_623 = arith.addi %parallel_loop3A_614, %parallel_loop3A_613 : i32
      %parallel_loop3A_624 = arith.select %parallel_loop3A_622, %parallel_loop3A_623, %parallel_loop3A_614 : i32
      %parallel_loop3A_625 = arith.constant 16 : i32
      %parallel_loop3A_626 = arith.muli %parallel_loop3A_624, %parallel_loop3A_625 : i32
      %parallel_loop3A_627 = arith.constant 32 : i32
      %parallel_loop3A_628 = arith.addi %parallel_loop3A_627, %parallel_loop3A_608 : i32
      %parallel_loop3A_629 = arith.index_cast %parallel_loop3A_628 : i32 to index
      %parallel_loop3A_630 = arith.index_cast %parallel_loop3A_626 : i32 to index
      %parallel_loop3A_631 = tpu.vector_load %arg7[%parallel_loop3A_629, %parallel_loop3A_630] {strides = array<i32>} : memref<64x1024xf32, #tpu.memory_space<vmem>>, vector<1x16xf32>,
      %parallel_loop3A_632 = vector.shape_cast %parallel_loop3A_631 : vector<1x16xf32> to vector<16xf32>
      %parallel_loop3A_633 = arith.index_cast %parallel_loop3A_608 : i32 to index
      %parallel_loop3A_634 = arith.index_cast %parallel_loop3A_626 : i32 to index
      %parallel_loop3A_635 = tpu.vector_load %arg10[%parallel_loop3A_633, %parallel_loop3A_634] {strides = array<i32>} : memref<16x1024xf32, #tpu.memory_space<vmem>>, vector<1x16xf32>,
      %parallel_loop3A_636 = vector.shape_cast %parallel_loop3A_635 : vector<1x16xf32> to vector<16xf32>
      %parallel_loop3A_637 = vector.shape_cast %parallel_loop3A_632 : vector<16xf32> to vector<1x16xf32>
      tpu.vector_store %arg10[%parallel_loop3A_633, %parallel_loop3A_634], %parallel_loop3A_637 {add = true, strides = array<i32>} : memref<16x1024xf32, #tpu.memory_space<vmem>>, vector<1x16xf32>,
    } {sc.loop_unroll_factor = 8 : i64, sc.parallel_access}
    %mul3A_161 = arith.constant 64 : i32
    %mul3A_162 = arith.muli %add3A, %mul3A_161 : i32
    %add3A_163 = arith.constant 32 : i32
    %add3A_164 = arith.addi %mul3A_162, %add3A_163 : i32
    %dma_start3A_165 = arith.constant 0 : i32
    %dma_start3A_166 = arith.constant 0 : i32
    %dma_start3A_167 = tpu.memref_slice %arg5[%dma_start3A_165, %add3A_164, %dma_start3A_166] : memref<4x2048x1024xf32, #tpu.memory_space<hbm>> -> memref<1x16x1024xf32, #tpu.memory_space<hbm>>
    %dma_start3A_168 = tpu.memref_squeeze %dma_start3A_167 : memref<1x16x1024xf32, #tpu.memory_space<hbm>> -> memref<16x1024xf32, #tpu.memory_space<hbm>>
    %dma_start3A_169 = arith.constant 0 : i32
    %dma_start3A_170 = tpu.memref_slice %arg5[%dma_start3A_165, %add3A_164, %dma_start3A_169] : memref<4x2048x1024xf32, #tpu.memory_space<hbm>> -> memref<1x16x1024xf32, #tpu.memory_space<hbm>>
    %dma_start3A_171 = tpu.memref_squeeze %dma_start3A_170 : memref<1x16x1024xf32, #tpu.memory_space<hbm>> -> memref<16x1024xf32, #tpu.memory_space<hbm>>
    tpu.enqueue_dma source(%arg10 : memref<16x1024xf32, #tpu.memory_space<vmem>>) target(%dma_start3A_171 : memref<16x1024xf32, #tpu.memory_space<hbm>>) target_semaphore(%arg18 : memref<!tpu.dma_semaphore, #tpu.memory_space<semaphore_mem>>)
    %dma_wait3A_172 = arith.constant 0 : i32
    %dma_wait3A_173 = arith.constant 0 : i32
    %dma_wait3A_174 = tpu.memref_slice %arg5[%dma_wait3A_172, %add3A_133, %dma_wait3A_173] : memref<4x2048x1024xf32, #tpu.memory_space<hbm>> -> memref<1x16x1024xf32, #tpu.memory_space<hbm>>
    %dma_wait3A_175 = tpu.memref_squeeze %dma_wait3A_174 : memref<1x16x1024xf32, #tpu.memory_space<hbm>> -> memref<16x1024xf32, #tpu.memory_space<hbm>>
    %dma_wait3A_176 = arith.constant 0 : i32
    %dma_wait3A_177 = tpu.memref_slice %arg5[%dma_wait3A_172, %add3A_133, %dma_wait3A_176] : memref<4x2048x1024xf32, #tpu.memory_space<hbm>> -> memref<1x16x1024xf32, #tpu.memory_space<hbm>>
    %dma_wait3A_178 = tpu.memref_squeeze %dma_wait3A_177 : memref<1x16x1024xf32, #tpu.memory_space<hbm>> -> memref<16x1024xf32, #tpu.memory_space<hbm>>
    tpu.wait_dma2 semaphore(%arg17 : memref<!tpu.dma_semaphore, #tpu.memory_space<semaphore_mem>>) src(%arg9 : memref<16x1024xf32, #tpu.memory_space<vmem>>) dst(%dma_wait3A_178 : memref<16x1024xf32, #tpu.memory_space<hbm>>)
    %dma_start3A_179 = arith.constant 64 : i32
    %dma_start3A_180 = tpu.memref_slice %arg6[%dma_start3A_179] : memref<256xi32, #tpu.memory_space<vmem>> -> memref<16xi32, #tpu.memory_space<vmem>>
    %dma_start3A_181 = arith.constant 0 : i32
    %dma_start3A_182 = arith.constant 0 : i32
    %dma_start3A_183 = tpu.memref_slice %arg3[%dma_start3A_181, %dma_start3A_182] : memref<100000x1024xf32, #tpu.memory_space<hbm>> -> memref<100000x1024xf32, #tpu.memory_space<hbm>>
    tpu.enqueue_indirect_dma source(%dma_start3A_183 : memref<100000x1024xf32, #tpu.memory_space<hbm>>) target(%arg9 : memref<16x1024xf32, #tpu.memory_space<vmem>>) offsets(%dma_start3A_180 : memref<16xi32, #tpu.memory_space<vmem>>) semaphore(%arg14 : memref<!tpu.dma_semaphore, #tpu.memory_space<semaphore_mem>>)
    %dma_wait3A_184 = arith.constant 48 : i32
    %dma_wait3A_185 = tpu.memref_slice %arg6[%dma_wait3A_184] : memref<256xi32, #tpu.memory_space<vmem>> -> memref<16xi32, #tpu.memory_space<vmem>>
    %dma_wait3A_186 = arith.constant 0 : i32
    %dma_wait3A_187 = arith.constant 0 : i32
    %dma_wait3A_188 = tpu.memref_slice %arg3[%dma_wait3A_186, %dma_wait3A_187] : memref<100000x1024xf32, #tpu.memory_space<hbm>> -> memref<100000x1024xf32, #tpu.memory_space<hbm>>
    tpu.wait_indirect_dma semaphore(%arg13 : memref<!tpu.dma_semaphore, #tpu.memory_space<semaphore_mem>>) src(%dma_wait3A_188 : memref<100000x1024xf32, #tpu.memory_space<hbm>>) dst(%arg8 : memref<16x1024xf32, #tpu.memory_space<vmem>>)
    %parallel_loop3A_189 = arith.constant 0 : i32
    %parallel_loop3A_190 = arith.constant 1024 : i32
    %parallel_loop3A_191 = arith.constant 1 : i32
    scf.for %parallel_loop3A_584 = %parallel_loop3A_189 to %parallel_loop3A_190 step %parallel_loop3A_191  : i32 {
      %parallel_loop3A_585 = arith.constant 64 : i32
      %parallel_loop3A_586 = arith.divsi %parallel_loop3A_584, %parallel_loop3A_585 : i32
      %parallel_loop3A_587 = arith.constant 0 : i32
      %parallel_loop3A_588 = arith.cmpi sgt, %parallel_loop3A_584, %parallel_loop3A_587 : i32
      %parallel_loop3A_589 = arith.extui %parallel_loop3A_588 : i1 to i32
      %parallel_loop3A_590 = arith.constant 0 : i32
      %parallel_loop3A_591 = arith.cmpi slt, %parallel_loop3A_584, %parallel_loop3A_590 : i32
      %parallel_loop3A_592 = arith.extui %parallel_loop3A_591 : i1 to i32
      %parallel_loop3A_593 = arith.subi %parallel_loop3A_589, %parallel_loop3A_592 : i32
      %parallel_loop3A_594 = arith.constant 0 : i32
      %parallel_loop3A_595 = arith.cmpi sgt, %parallel_loop3A_585, %parallel_loop3A_594 : i32
      %parallel_loop3A_596 = arith.extui %parallel_loop3A_595 : i1 to i32
      %parallel_loop3A_597 = arith.constant 0 : i32
      %parallel_loop3A_598 = arith.cmpi slt, %parallel_loop3A_585, %parallel_loop3A_597 : i32
      %parallel_loop3A_599 = arith.extui %parallel_loop3A_598 : i1 to i32
      %parallel_loop3A_600 = arith.subi %parallel_loop3A_596, %parallel_loop3A_599 : i32
      %parallel_loop3A_601 = arith.cmpi ne, %parallel_loop3A_593, %parallel_loop3A_600 : i32
      %parallel_loop3A_602 = arith.remsi %parallel_loop3A_584, %parallel_loop3A_585 : i32
      %parallel_loop3A_603 = arith.constant 0 : i32
      %parallel_loop3A_604 = arith.cmpi ne, %parallel_loop3A_602, %parallel_loop3A_603 : i32
      %parallel_loop3A_605 = arith.andi %parallel_loop3A_601, %parallel_loop3A_604 : i1
      %parallel_loop3A_606 = arith.constant 1 : i32
      %parallel_loop3A_607 = arith.subi %parallel_loop3A_586, %parallel_loop3A_606 : i32
      %parallel_loop3A_608 = arith.select %parallel_loop3A_605, %parallel_loop3A_607, %parallel_loop3A_586 : i32
      %parallel_loop3A_609 = arith.constant 64 : i32
      %parallel_loop3A_610 = arith.constant 0 : i32
      %parallel_loop3A_611 = arith.cmpi eq, %parallel_loop3A_609, %parallel_loop3A_610 : i32
      %parallel_loop3A_612 = arith.constant 1 : i32
      %parallel_loop3A_613 = arith.select %parallel_loop3A_611, %parallel_loop3A_612, %parallel_loop3A_609 : i32
      %parallel_loop3A_614 = arith.remsi %parallel_loop3A_584, %parallel_loop3A_613 : i32
      %parallel_loop3A_615 = arith.constant 0 : i32
      %parallel_loop3A_616 = arith.cmpi ne, %parallel_loop3A_614, %parallel_loop3A_615 : i32
      %parallel_loop3A_617 = arith.constant 0 : i32
      %parallel_loop3A_618 = arith.cmpi slt, %parallel_loop3A_614, %parallel_loop3A_617 : i32
      %parallel_loop3A_619 = arith.constant 0 : i32
      %parallel_loop3A_620 = arith.cmpi slt, %parallel_loop3A_613, %parallel_loop3A_619 : i32
      %parallel_loop3A_621 = arith.xori %parallel_loop3A_618, %parallel_loop3A_620 : i1
      %parallel_loop3A_622 = arith.andi %parallel_loop3A_621, %parallel_loop3A_616 : i1
      %parallel_loop3A_623 = arith.addi %parallel_loop3A_614, %parallel_loop3A_613 : i32
      %parallel_loop3A_624 = arith.select %parallel_loop3A_622, %parallel_loop3A_623, %parallel_loop3A_614 : i32
      %parallel_loop3A_625 = arith.constant 16 : i32
      %parallel_loop3A_626 = arith.muli %parallel_loop3A_624, %parallel_loop3A_625 : i32
      %parallel_loop3A_627 = arith.constant 48 : i32
      %parallel_loop3A_628 = arith.addi %parallel_loop3A_627, %parallel_loop3A_608 : i32
      %parallel_loop3A_629 = arith.index_cast %parallel_loop3A_628 : i32 to index
      %parallel_loop3A_630 = arith.index_cast %parallel_loop3A_626 : i32 to index
      %parallel_loop3A_631 = tpu.vector_load %arg7[%parallel_loop3A_629, %parallel_loop3A_630] {strides = array<i32>} : memref<64x1024xf32, #tpu.memory_space<vmem>>, vector<1x16xf32>,
      %parallel_loop3A_632 = vector.shape_cast %parallel_loop3A_631 : vector<1x16xf32> to vector<16xf32>
      %parallel_loop3A_633 = arith.index_cast %parallel_loop3A_608 : i32 to index
      %parallel_loop3A_634 = arith.index_cast %parallel_loop3A_626 : i32 to index
      %parallel_loop3A_635 = tpu.vector_load %arg8[%parallel_loop3A_633, %parallel_loop3A_634] {strides = array<i32>} : memref<16x1024xf32, #tpu.memory_space<vmem>>, vector<1x16xf32>,
      %parallel_loop3A_636 = vector.shape_cast %parallel_loop3A_635 : vector<1x16xf32> to vector<16xf32>
      %parallel_loop3A_637 = vector.shape_cast %parallel_loop3A_632 : vector<16xf32> to vector<1x16xf32>
      tpu.vector_store %arg8[%parallel_loop3A_633, %parallel_loop3A_634], %parallel_loop3A_637 {add = true, strides = array<i32>} : memref<16x1024xf32, #tpu.memory_space<vmem>>, vector<1x16xf32>,
    } {sc.loop_unroll_factor = 8 : i64, sc.parallel_access}
    %mul3A_192 = arith.constant 64 : i32
    %mul3A_193 = arith.muli %add3A, %mul3A_192 : i32
    %add3A_194 = arith.constant 48 : i32
    %add3A_195 = arith.addi %mul3A_193, %add3A_194 : i32
    %dma_start3A_196 = arith.constant 0 : i32
    %dma_start3A_197 = arith.constant 0 : i32
    %dma_start3A_198 = tpu.memref_slice %arg5[%dma_start3A_196, %add3A_195, %dma_start3A_197] : memref<4x2048x1024xf32, #tpu.memory_space<hbm>> -> memref<1x16x1024xf32, #tpu.memory_space<hbm>>
    %dma_start3A_199 = tpu.memref_squeeze %dma_start3A_198 : memref<1x16x1024xf32, #tpu.memory_space<hbm>> -> memref<16x1024xf32, #tpu.memory_space<hbm>>
    %dma_start3A_200 = arith.constant 0 : i32
    %dma_start3A_201 = tpu.memref_slice %arg5[%dma_start3A_196, %add3A_195, %dma_start3A_200] : memref<4x2048x1024xf32, #tpu.memory_space<hbm>> -> memref<1x16x1024xf32, #tpu.memory_space<hbm>>
    %dma_start3A_202 = tpu.memref_squeeze %dma_start3A_201 : memref<1x16x1024xf32, #tpu.memory_space<hbm>> -> memref<16x1024xf32, #tpu.memory_space<hbm>>
    tpu.enqueue_dma source(%arg8 : memref<16x1024xf32, #tpu.memory_space<vmem>>) target(%dma_start3A_202 : memref<16x1024xf32, #tpu.memory_space<hbm>>) target_semaphore(%arg16 : memref<!tpu.dma_semaphore, #tpu.memory_space<semaphore_mem>>)
    %dma_wait3A_203 = arith.constant 0 : i32
    %dma_wait3A_204 = arith.constant 0 : i32
    %dma_wait3A_205 = tpu.memref_slice %arg5[%dma_wait3A_203, %add3A_164, %dma_wait3A_204] : memref<4x2048x1024xf32, #tpu.memory_space<hbm>> -> memref<1x16x1024xf32, #tpu.memory_space<hbm>>
    %dma_wait3A_206 = tpu.memref_squeeze %dma_wait3A_205 : memref<1x16x1024xf32, #tpu.memory_space<hbm>> -> memref<16x1024xf32, #tpu.memory_space<hbm>>
    %dma_wait3A_207 = arith.constant 0 : i32
    %dma_wait3A_208 = tpu.memref_slice %arg5[%dma_wait3A_203, %add3A_164, %dma_wait3A_207] : memref<4x2048x1024xf32, #tpu.memory_space<hbm>> -> memref<1x16x1024xf32, #tpu.memory_space<hbm>>
    %dma_wait3A_209 = tpu.memref_squeeze %dma_wait3A_208 : memref<1x16x1024xf32, #tpu.memory_space<hbm>> -> memref<16x1024xf32, #tpu.memory_space<hbm>>
    tpu.wait_dma2 semaphore(%arg18 : memref<!tpu.dma_semaphore, #tpu.memory_space<semaphore_mem>>) src(%arg10 : memref<16x1024xf32, #tpu.memory_space<vmem>>) dst(%dma_wait3A_209 : memref<16x1024xf32, #tpu.memory_space<hbm>>)
    %dma_start3A_210 = arith.constant 80 : i32
    %dma_start3A_211 = tpu.memref_slice %arg6[%dma_start3A_210] : memref<256xi32, #tpu.memory_space<vmem>> -> memref<16xi32, #tpu.memory_space<vmem>>
    %dma_start3A_212 = arith.constant 0 : i32
    %dma_start3A_213 = arith.constant 0 : i32
    %dma_start3A_214 = tpu.memref_slice %arg3[%dma_start3A_212, %dma_start3A_213] : memref<100000x1024xf32, #tpu.memory_space<hbm>> -> memref<100000x1024xf32, #tpu.memory_space<hbm>>
    tpu.enqueue_indirect_dma source(%dma_start3A_214 : memref<100000x1024xf32, #tpu.memory_space<hbm>>) target(%arg10 : memref<16x1024xf32, #tpu.memory_space<vmem>>) offsets(%dma_start3A_211 : memref<16xi32, #tpu.memory_space<vmem>>) semaphore(%arg15 : memref<!tpu.dma_semaphore, #tpu.memory_space<semaphore_mem>>)
    %dma_wait3A_215 = arith.constant 64 : i32
    %dma_wait3A_216 = tpu.memref_slice %arg6[%dma_wait3A_215] : memref<256xi32, #tpu.memory_space<vmem>> -> memref<16xi32, #tpu.memory_space<vmem>>
    %dma_wait3A_217 = arith.constant 0 : i32
    %dma_wait3A_218 = arith.constant 0 : i32
    %dma_wait3A_219 = tpu.memref_slice %arg3[%dma_wait3A_217, %dma_wait3A_218] : memref<100000x1024xf32, #tpu.memory_space<hbm>> -> memref<100000x1024xf32, #tpu.memory_space<hbm>>
    tpu.wait_indirect_dma semaphore(%arg14 : memref<!tpu.dma_semaphore, #tpu.memory_space<semaphore_mem>>) src(%dma_wait3A_219 : memref<100000x1024xf32, #tpu.memory_space<hbm>>) dst(%arg9 : memref<16x1024xf32, #tpu.memory_space<vmem>>)
    %parallel_loop3A_220 = arith.constant 0 : i32
    %parallel_loop3A_221 = arith.constant 1024 : i32
    %parallel_loop3A_222 = arith.constant 1 : i32
    scf.for %parallel_loop3A_584 = %parallel_loop3A_220 to %parallel_loop3A_221 step %parallel_loop3A_222  : i32 {
      %parallel_loop3A_585 = arith.constant 64 : i32
      %parallel_loop3A_586 = arith.divsi %parallel_loop3A_584, %parallel_loop3A_585 : i32
      %parallel_loop3A_587 = arith.constant 0 : i32
      %parallel_loop3A_588 = arith.cmpi sgt, %parallel_loop3A_584, %parallel_loop3A_587 : i32
      %parallel_loop3A_589 = arith.extui %parallel_loop3A_588 : i1 to i32
      %parallel_loop3A_590 = arith.constant 0 : i32
      %parallel_loop3A_591 = arith.cmpi slt, %parallel_loop3A_584, %parallel_loop3A_590 : i32
      %parallel_loop3A_592 = arith.extui %parallel_loop3A_591 : i1 to i32
      %parallel_loop3A_593 = arith.subi %parallel_loop3A_589, %parallel_loop3A_592 : i32
      %parallel_loop3A_594 = arith.constant 0 : i32
      %parallel_loop3A_595 = arith.cmpi sgt, %parallel_loop3A_585, %parallel_loop3A_594 : i32
      %parallel_loop3A_596 = arith.extui %parallel_loop3A_595 : i1 to i32
      %parallel_loop3A_597 = arith.constant 0 : i32
      %parallel_loop3A_598 = arith.cmpi slt, %parallel_loop3A_585, %parallel_loop3A_597 : i32
      %parallel_loop3A_599 = arith.extui %parallel_loop3A_598 : i1 to i32
      %parallel_loop3A_600 = arith.subi %parallel_loop3A_596, %parallel_loop3A_599 : i32
      %parallel_loop3A_601 = arith.cmpi ne, %parallel_loop3A_593, %parallel_loop3A_600 : i32
      %parallel_loop3A_602 = arith.remsi %parallel_loop3A_584, %parallel_loop3A_585 : i32
      %parallel_loop3A_603 = arith.constant 0 : i32
      %parallel_loop3A_604 = arith.cmpi ne, %parallel_loop3A_602, %parallel_loop3A_603 : i32
      %parallel_loop3A_605 = arith.andi %parallel_loop3A_601, %parallel_loop3A_604 : i1
      %parallel_loop3A_606 = arith.constant 1 : i32
      %parallel_loop3A_607 = arith.subi %parallel_loop3A_586, %parallel_loop3A_606 : i32
      %parallel_loop3A_608 = arith.select %parallel_loop3A_605, %parallel_loop3A_607, %parallel_loop3A_586 : i32
      %parallel_loop3A_609 = arith.constant 64 : i32
      %parallel_loop3A_610 = arith.constant 0 : i32
      %parallel_loop3A_611 = arith.cmpi eq, %parallel_loop3A_609, %parallel_loop3A_610 : i32
      %parallel_loop3A_612 = arith.constant 1 : i32
      %parallel_loop3A_613 = arith.select %parallel_loop3A_611, %parallel_loop3A_612, %parallel_loop3A_609 : i32
      %parallel_loop3A_614 = arith.remsi %parallel_loop3A_584, %parallel_loop3A_613 : i32
      %parallel_loop3A_615 = arith.constant 0 : i32
      %parallel_loop3A_616 = arith.cmpi ne, %parallel_loop3A_614, %parallel_loop3A_615 : i32
      %parallel_loop3A_617 = arith.constant 0 : i32
      %parallel_loop3A_618 = arith.cmpi slt, %parallel_loop3A_614, %parallel_loop3A_617 : i32
      %parallel_loop3A_619 = arith.constant 0 : i32
      %parallel_loop3A_620 = arith.cmpi slt, %parallel_loop3A_613, %parallel_loop3A_619 : i32
      %parallel_loop3A_621 = arith.xori %parallel_loop3A_618, %parallel_loop3A_620 : i1
      %parallel_loop3A_622 = arith.andi %parallel_loop3A_621, %parallel_loop3A_616 : i1
      %parallel_loop3A_623 = arith.addi %parallel_loop3A_614, %parallel_loop3A_613 : i32
      %parallel_loop3A_624 = arith.select %parallel_loop3A_622, %parallel_loop3A_623, %parallel_loop3A_614 : i32
      %parallel_loop3A_625 = arith.constant 16 : i32
      %parallel_loop3A_626 = arith.muli %parallel_loop3A_624, %parallel_loop3A_625 : i32
      %parallel_loop3A_627 = arith.constant 0 : i32
      %parallel_loop3A_628 = arith.addi %parallel_loop3A_627, %parallel_loop3A_608 : i32
      %parallel_loop3A_629 = arith.index_cast %parallel_loop3A_628 : i32 to index
      %parallel_loop3A_630 = arith.index_cast %parallel_loop3A_626 : i32 to index
      %parallel_loop3A_631 = tpu.vector_load %arg7[%parallel_loop3A_629, %parallel_loop3A_630] {strides = array<i32>} : memref<64x1024xf32, #tpu.memory_space<vmem>>, vector<1x16xf32>,
      %parallel_loop3A_632 = vector.shape_cast %parallel_loop3A_631 : vector<1x16xf32> to vector<16xf32>
      %parallel_loop3A_633 = arith.index_cast %parallel_loop3A_608 : i32 to index
      %parallel_loop3A_634 = arith.index_cast %parallel_loop3A_626 : i32 to index
      %parallel_loop3A_635 = tpu.vector_load %arg9[%parallel_loop3A_633, %parallel_loop3A_634] {strides = array<i32>} : memref<16x1024xf32, #tpu.memory_space<vmem>>, vector<1x16xf32>,
      %parallel_loop3A_636 = vector.shape_cast %parallel_loop3A_635 : vector<1x16xf32> to vector<16xf32>
      %parallel_loop3A_637 = vector.shape_cast %parallel_loop3A_632 : vector<16xf32> to vector<1x16xf32>
      tpu.vector_store %arg9[%parallel_loop3A_633, %parallel_loop3A_634], %parallel_loop3A_637 {add = true, strides = array<i32>} : memref<16x1024xf32, #tpu.memory_space<vmem>>, vector<1x16xf32>,
    } {sc.loop_unroll_factor = 8 : i64, sc.parallel_access}
    %mul3A_223 = arith.constant 64 : i32
    %mul3A_224 = arith.muli %add3A, %mul3A_223 : i32
    %add3A_225 = arith.constant 0 : i32
    %add3A_226 = arith.addi %mul3A_224, %add3A_225 : i32
    %dma_start3A_227 = arith.constant 1 : i32
    %dma_start3A_228 = arith.constant 0 : i32
    %dma_start3A_229 = tpu.memref_slice %arg5[%dma_start3A_227, %add3A_226, %dma_start3A_228] : memref<4x2048x1024xf32, #tpu.memory_space<hbm>> -> memref<1x16x1024xf32, #tpu.memory_space<hbm>>
    %dma_start3A_230 = tpu.memref_squeeze %dma_start3A_229 : memref<1x16x1024xf32, #tpu.memory_space<hbm>> -> memref<16x1024xf32, #tpu.memory_space<hbm>>
    %dma_start3A_231 = arith.constant 0 : i32
    %dma_start3A_232 = tpu.memref_slice %arg5[%dma_start3A_227, %add3A_226, %dma_start3A_231] : memref<4x2048x1024xf32, #tpu.memory_space<hbm>> -> memref<1x16x1024xf32, #tpu.memory_space<hbm>>
    %dma_start3A_233 = tpu.memref_squeeze %dma_start3A_232 : memref<1x16x1024xf32, #tpu.memory_space<hbm>> -> memref<16x1024xf32, #tpu.memory_space<hbm>>
    tpu.enqueue_dma source(%arg9 : memref<16x1024xf32, #tpu.memory_space<vmem>>) target(%dma_start3A_233 : memref<16x1024xf32, #tpu.memory_space<hbm>>) target_semaphore(%arg17 : memref<!tpu.dma_semaphore, #tpu.memory_space<semaphore_mem>>)
    %dma_wait3A_234 = arith.constant 0 : i32
    %dma_wait3A_235 = arith.constant 0 : i32
    %dma_wait3A_236 = tpu.memref_slice %arg5[%dma_wait3A_234, %add3A_195, %dma_wait3A_235] : memref<4x2048x1024xf32, #tpu.memory_space<hbm>> -> memref<1x16x1024xf32, #tpu.memory_space<hbm>>
    %dma_wait3A_237 = tpu.memref_squeeze %dma_wait3A_236 : memref<1x16x1024xf32, #tpu.memory_space<hbm>> -> memref<16x1024xf32, #tpu.memory_space<hbm>>
    %dma_wait3A_238 = arith.constant 0 : i32
    %dma_wait3A_239 = tpu.memref_slice %arg5[%dma_wait3A_234, %add3A_195, %dma_wait3A_238] : memref<4x2048x1024xf32, #tpu.memory_space<hbm>> -> memref<1x16x1024xf32, #tpu.memory_space<hbm>>
    %dma_wait3A_240 = tpu.memref_squeeze %dma_wait3A_239 : memref<1x16x1024xf32, #tpu.memory_space<hbm>> -> memref<16x1024xf32, #tpu.memory_space<hbm>>
    tpu.wait_dma2 semaphore(%arg16 : memref<!tpu.dma_semaphore, #tpu.memory_space<semaphore_mem>>) src(%arg8 : memref<16x1024xf32, #tpu.memory_space<vmem>>) dst(%dma_wait3A_240 : memref<16x1024xf32, #tpu.memory_space<hbm>>)
    %dma_start3A_241 = arith.constant 96 : i32
    %dma_start3A_242 = tpu.memref_slice %arg6[%dma_start3A_241] : memref<256xi32, #tpu.memory_space<vmem>> -> memref<16xi32, #tpu.memory_space<vmem>>
    %dma_start3A_243 = arith.constant 0 : i32
    %dma_start3A_244 = arith.constant 0 : i32
    %dma_start3A_245 = tpu.memref_slice %arg3[%dma_start3A_243, %dma_start3A_244] : memref<100000x1024xf32, #tpu.memory_space<hbm>> -> memref<100000x1024xf32, #tpu.memory_space<hbm>>
    tpu.enqueue_indirect_dma source(%dma_start3A_245 : memref<100000x1024xf32, #tpu.memory_space<hbm>>) target(%arg8 : memref<16x1024xf32, #tpu.memory_space<vmem>>) offsets(%dma_start3A_242 : memref<16xi32, #tpu.memory_space<vmem>>) semaphore(%arg13 : memref<!tpu.dma_semaphore, #tpu.memory_space<semaphore_mem>>)
    %dma_wait3A_246 = arith.constant 80 : i32
    %dma_wait3A_247 = tpu.memref_slice %arg6[%dma_wait3A_246] : memref<256xi32, #tpu.memory_space<vmem>> -> memref<16xi32, #tpu.memory_space<vmem>>
    %dma_wait3A_248 = arith.constant 0 : i32
    %dma_wait3A_249 = arith.constant 0 : i32
    %dma_wait3A_250 = tpu.memref_slice %arg3[%dma_wait3A_248, %dma_wait3A_249] : memref<100000x1024xf32, #tpu.memory_space<hbm>> -> memref<100000x1024xf32, #tpu.memory_space<hbm>>
    tpu.wait_indirect_dma semaphore(%arg15 : memref<!tpu.dma_semaphore, #tpu.memory_space<semaphore_mem>>) src(%dma_wait3A_250 : memref<100000x1024xf32, #tpu.memory_space<hbm>>) dst(%arg10 : memref<16x1024xf32, #tpu.memory_space<vmem>>)
    %parallel_loop3A_251 = arith.constant 0 : i32
    %parallel_loop3A_252 = arith.constant 1024 : i32
    %parallel_loop3A_253 = arith.constant 1 : i32
    scf.for %parallel_loop3A_584 = %parallel_loop3A_251 to %parallel_loop3A_252 step %parallel_loop3A_253  : i32 {
      %parallel_loop3A_585 = arith.constant 64 : i32
      %parallel_loop3A_586 = arith.divsi %parallel_loop3A_584, %parallel_loop3A_585 : i32
      %parallel_loop3A_587 = arith.constant 0 : i32
      %parallel_loop3A_588 = arith.cmpi sgt, %parallel_loop3A_584, %parallel_loop3A_587 : i32
      %parallel_loop3A_589 = arith.extui %parallel_loop3A_588 : i1 to i32
      %parallel_loop3A_590 = arith.constant 0 : i32
      %parallel_loop3A_591 = arith.cmpi slt, %parallel_loop3A_584, %parallel_loop3A_590 : i32
      %parallel_loop3A_592 = arith.extui %parallel_loop3A_591 : i1 to i32
      %parallel_loop3A_593 = arith.subi %parallel_loop3A_589, %parallel_loop3A_592 : i32
      %parallel_loop3A_594 = arith.constant 0 : i32
      %parallel_loop3A_595 = arith.cmpi sgt, %parallel_loop3A_585, %parallel_loop3A_594 : i32
      %parallel_loop3A_596 = arith.extui %parallel_loop3A_595 : i1 to i32
      %parallel_loop3A_597 = arith.constant 0 : i32
      %parallel_loop3A_598 = arith.cmpi slt, %parallel_loop3A_585, %parallel_loop3A_597 : i32
      %parallel_loop3A_599 = arith.extui %parallel_loop3A_598 : i1 to i32
      %parallel_loop3A_600 = arith.subi %parallel_loop3A_596, %parallel_loop3A_599 : i32
      %parallel_loop3A_601 = arith.cmpi ne, %parallel_loop3A_593, %parallel_loop3A_600 : i32
      %parallel_loop3A_602 = arith.remsi %parallel_loop3A_584, %parallel_loop3A_585 : i32
      %parallel_loop3A_603 = arith.constant 0 : i32
      %parallel_loop3A_604 = arith.cmpi ne, %parallel_loop3A_602, %parallel_loop3A_603 : i32
      %parallel_loop3A_605 = arith.andi %parallel_loop3A_601, %parallel_loop3A_604 : i1
      %parallel_loop3A_606 = arith.constant 1 : i32
      %parallel_loop3A_607 = arith.subi %parallel_loop3A_586, %parallel_loop3A_606 : i32
      %parallel_loop3A_608 = arith.select %parallel_loop3A_605, %parallel_loop3A_607, %parallel_loop3A_586 : i32
      %parallel_loop3A_609 = arith.constant 64 : i32
      %parallel_loop3A_610 = arith.constant 0 : i32
      %parallel_loop3A_611 = arith.cmpi eq, %parallel_loop3A_609, %parallel_loop3A_610 : i32
      %parallel_loop3A_612 = arith.constant 1 : i32
      %parallel_loop3A_613 = arith.select %parallel_loop3A_611, %parallel_loop3A_612, %parallel_loop3A_609 : i32
      %parallel_loop3A_614 = arith.remsi %parallel_loop3A_584, %parallel_loop3A_613 : i32
      %parallel_loop3A_615 = arith.constant 0 : i32
      %parallel_loop3A_616 = arith.cmpi ne, %parallel_loop3A_614, %parallel_loop3A_615 : i32
      %parallel_loop3A_617 = arith.constant 0 : i32
      %parallel_loop3A_618 = arith.cmpi slt, %parallel_loop3A_614, %parallel_loop3A_617 : i32
      %parallel_loop3A_619 = arith.constant 0 : i32
      %parallel_loop3A_620 = arith.cmpi slt, %parallel_loop3A_613, %parallel_loop3A_619 : i32
      %parallel_loop3A_621 = arith.xori %parallel_loop3A_618, %parallel_loop3A_620 : i1
      %parallel_loop3A_622 = arith.andi %parallel_loop3A_621, %parallel_loop3A_616 : i1
      %parallel_loop3A_623 = arith.addi %parallel_loop3A_614, %parallel_loop3A_613 : i32
      %parallel_loop3A_624 = arith.select %parallel_loop3A_622, %parallel_loop3A_623, %parallel_loop3A_614 : i32
      %parallel_loop3A_625 = arith.constant 16 : i32
      %parallel_loop3A_626 = arith.muli %parallel_loop3A_624, %parallel_loop3A_625 : i32
      %parallel_loop3A_627 = arith.constant 16 : i32
      %parallel_loop3A_628 = arith.addi %parallel_loop3A_627, %parallel_loop3A_608 : i32
      %parallel_loop3A_629 = arith.index_cast %parallel_loop3A_628 : i32 to index
      %parallel_loop3A_630 = arith.index_cast %parallel_loop3A_626 : i32 to index
      %parallel_loop3A_631 = tpu.vector_load %arg7[%parallel_loop3A_629, %parallel_loop3A_630] {strides = array<i32>} : memref<64x1024xf32, #tpu.memory_space<vmem>>, vector<1x16xf32>,
      %parallel_loop3A_632 = vector.shape_cast %parallel_loop3A_631 : vector<1x16xf32> to vector<16xf32>
      %parallel_loop3A_633 = arith.index_cast %parallel_loop3A_608 : i32 to index
      %parallel_loop3A_634 = arith.index_cast %parallel_loop3A_626 : i32 to index
      %parallel_loop3A_635 = tpu.vector_load %arg10[%parallel_loop3A_633, %parallel_loop3A_634] {strides = array<i32>} : memref<16x1024xf32, #tpu.memory_space<vmem>>, vector<1x16xf32>,
      %parallel_loop3A_636 = vector.shape_cast %parallel_loop3A_635 : vector<1x16xf32> to vector<16xf32>
      %parallel_loop3A_637 = vector.shape_cast %parallel_loop3A_632 : vector<16xf32> to vector<1x16xf32>
      tpu.vector_store %arg10[%parallel_loop3A_633, %parallel_loop3A_634], %parallel_loop3A_637 {add = true, strides = array<i32>} : memref<16x1024xf32, #tpu.memory_space<vmem>>, vector<1x16xf32>,
    } {sc.loop_unroll_factor = 8 : i64, sc.parallel_access}
    %mul3A_254 = arith.constant 64 : i32
    %mul3A_255 = arith.muli %add3A, %mul3A_254 : i32
    %add3A_256 = arith.constant 16 : i32
    %add3A_257 = arith.addi %mul3A_255, %add3A_256 : i32
    %dma_start3A_258 = arith.constant 1 : i32
    %dma_start3A_259 = arith.constant 0 : i32
    %dma_start3A_260 = tpu.memref_slice %arg5[%dma_start3A_258, %add3A_257, %dma_start3A_259] : memref<4x2048x1024xf32, #tpu.memory_space<hbm>> -> memref<1x16x1024xf32, #tpu.memory_space<hbm>>
    %dma_start3A_261 = tpu.memref_squeeze %dma_start3A_260 : memref<1x16x1024xf32, #tpu.memory_space<hbm>> -> memref<16x1024xf32, #tpu.memory_space<hbm>>
    %dma_start3A_262 = arith.constant 0 : i32
    %dma_start3A_263 = tpu.memref_slice %arg5[%dma_start3A_258, %add3A_257, %dma_start3A_262] : memref<4x2048x1024xf32, #tpu.memory_space<hbm>> -> memref<1x16x1024xf32, #tpu.memory_space<hbm>>
    %dma_start3A_264 = tpu.memref_squeeze %dma_start3A_263 : memref<1x16x1024xf32, #tpu.memory_space<hbm>> -> memref<16x1024xf32, #tpu.memory_space<hbm>>
    tpu.enqueue_dma source(%arg10 : memref<16x1024xf32, #tpu.memory_space<vmem>>) target(%dma_start3A_264 : memref<16x1024xf32, #tpu.memory_space<hbm>>) target_semaphore(%arg18 : memref<!tpu.dma_semaphore, #tpu.memory_space<semaphore_mem>>)
    %dma_wait3A_265 = arith.constant 1 : i32
    %dma_wait3A_266 = arith.constant 0 : i32
    %dma_wait3A_267 = tpu.memref_slice %arg5[%dma_wait3A_265, %add3A_226, %dma_wait3A_266] : memref<4x2048x1024xf32, #tpu.memory_space<hbm>> -> memref<1x16x1024xf32, #tpu.memory_space<hbm>>
    %dma_wait3A_268 = tpu.memref_squeeze %dma_wait3A_267 : memref<1x16x1024xf32, #tpu.memory_space<hbm>> -> memref<16x1024xf32, #tpu.memory_space<hbm>>
    %dma_wait3A_269 = arith.constant 0 : i32
    %dma_wait3A_270 = tpu.memref_slice %arg5[%dma_wait3A_265, %add3A_226, %dma_wait3A_269] : memref<4x2048x1024xf32, #tpu.memory_space<hbm>> -> memref<1x16x1024xf32, #tpu.memory_space<hbm>>
    %dma_wait3A_271 = tpu.memref_squeeze %dma_wait3A_270 : memref<1x16x1024xf32, #tpu.memory_space<hbm>> -> memref<16x1024xf32, #tpu.memory_space<hbm>>
    tpu.wait_dma2 semaphore(%arg17 : memref<!tpu.dma_semaphore, #tpu.memory_space<semaphore_mem>>) src(%arg9 : memref<16x1024xf32, #tpu.memory_space<vmem>>) dst(%dma_wait3A_271 : memref<16x1024xf32, #tpu.memory_space<hbm>>)
    %dma_start3A_272 = arith.constant 112 : i32
    %dma_start3A_273 = tpu.memref_slice %arg6[%dma_start3A_272] : memref<256xi32, #tpu.memory_space<vmem>> -> memref<16xi32, #tpu.memory_space<vmem>>
    %dma_start3A_274 = arith.constant 0 : i32
    %dma_start3A_275 = arith.constant 0 : i32
    %dma_start3A_276 = tpu.memref_slice %arg3[%dma_start3A_274, %dma_start3A_275] : memref<100000x1024xf32, #tpu.memory_space<hbm>> -> memref<100000x1024xf32, #tpu.memory_space<hbm>>
    tpu.enqueue_indirect_dma source(%dma_start3A_276 : memref<100000x1024xf32, #tpu.memory_space<hbm>>) target(%arg9 : memref<16x1024xf32, #tpu.memory_space<vmem>>) offsets(%dma_start3A_273 : memref<16xi32, #tpu.memory_space<vmem>>) semaphore(%arg14 : memref<!tpu.dma_semaphore, #tpu.memory_space<semaphore_mem>>)
    %dma_wait3A_277 = arith.constant 96 : i32
    %dma_wait3A_278 = tpu.memref_slice %arg6[%dma_wait3A_277] : memref<256xi32, #tpu.memory_space<vmem>> -> memref<16xi32, #tpu.memory_space<vmem>>
    %dma_wait3A_279 = arith.constant 0 : i32
    %dma_wait3A_280 = arith.constant 0 : i32
    %dma_wait3A_281 = tpu.memref_slice %arg3[%dma_wait3A_279, %dma_wait3A_280] : memref<100000x1024xf32, #tpu.memory_space<hbm>> -> memref<100000x1024xf32, #tpu.memory_space<hbm>>
    tpu.wait_indirect_dma semaphore(%arg13 : memref<!tpu.dma_semaphore, #tpu.memory_space<semaphore_mem>>) src(%dma_wait3A_281 : memref<100000x1024xf32, #tpu.memory_space<hbm>>) dst(%arg8 : memref<16x1024xf32, #tpu.memory_space<vmem>>)
    %parallel_loop3A_282 = arith.constant 0 : i32
    %parallel_loop3A_283 = arith.constant 1024 : i32
    %parallel_loop3A_284 = arith.constant 1 : i32
    scf.for %parallel_loop3A_584 = %parallel_loop3A_282 to %parallel_loop3A_283 step %parallel_loop3A_284  : i32 {
      %parallel_loop3A_585 = arith.constant 64 : i32
      %parallel_loop3A_586 = arith.divsi %parallel_loop3A_584, %parallel_loop3A_585 : i32
      %parallel_loop3A_587 = arith.constant 0 : i32
      %parallel_loop3A_588 = arith.cmpi sgt, %parallel_loop3A_584, %parallel_loop3A_587 : i32
      %parallel_loop3A_589 = arith.extui %parallel_loop3A_588 : i1 to i32
      %parallel_loop3A_590 = arith.constant 0 : i32
      %parallel_loop3A_591 = arith.cmpi slt, %parallel_loop3A_584, %parallel_loop3A_590 : i32
      %parallel_loop3A_592 = arith.extui %parallel_loop3A_591 : i1 to i32
      %parallel_loop3A_593 = arith.subi %parallel_loop3A_589, %parallel_loop3A_592 : i32
      %parallel_loop3A_594 = arith.constant 0 : i32
      %parallel_loop3A_595 = arith.cmpi sgt, %parallel_loop3A_585, %parallel_loop3A_594 : i32
      %parallel_loop3A_596 = arith.extui %parallel_loop3A_595 : i1 to i32
      %parallel_loop3A_597 = arith.constant 0 : i32
      %parallel_loop3A_598 = arith.cmpi slt, %parallel_loop3A_585, %parallel_loop3A_597 : i32
      %parallel_loop3A_599 = arith.extui %parallel_loop3A_598 : i1 to i32
      %parallel_loop3A_600 = arith.subi %parallel_loop3A_596, %parallel_loop3A_599 : i32
      %parallel_loop3A_601 = arith.cmpi ne, %parallel_loop3A_593, %parallel_loop3A_600 : i32
      %parallel_loop3A_602 = arith.remsi %parallel_loop3A_584, %parallel_loop3A_585 : i32
      %parallel_loop3A_603 = arith.constant 0 : i32
      %parallel_loop3A_604 = arith.cmpi ne, %parallel_loop3A_602, %parallel_loop3A_603 : i32
      %parallel_loop3A_605 = arith.andi %parallel_loop3A_601, %parallel_loop3A_604 : i1
      %parallel_loop3A_606 = arith.constant 1 : i32
      %parallel_loop3A_607 = arith.subi %parallel_loop3A_586, %parallel_loop3A_606 : i32
      %parallel_loop3A_608 = arith.select %parallel_loop3A_605, %parallel_loop3A_607, %parallel_loop3A_586 : i32
      %parallel_loop3A_609 = arith.constant 64 : i32
      %parallel_loop3A_610 = arith.constant 0 : i32
      %parallel_loop3A_611 = arith.cmpi eq, %parallel_loop3A_609, %parallel_loop3A_610 : i32
      %parallel_loop3A_612 = arith.constant 1 : i32
      %parallel_loop3A_613 = arith.select %parallel_loop3A_611, %parallel_loop3A_612, %parallel_loop3A_609 : i32
      %parallel_loop3A_614 = arith.remsi %parallel_loop3A_584, %parallel_loop3A_613 : i32
      %parallel_loop3A_615 = arith.constant 0 : i32
      %parallel_loop3A_616 = arith.cmpi ne, %parallel_loop3A_614, %parallel_loop3A_615 : i32
      %parallel_loop3A_617 = arith.constant 0 : i32
      %parallel_loop3A_618 = arith.cmpi slt, %parallel_loop3A_614, %parallel_loop3A_617 : i32
      %parallel_loop3A_619 = arith.constant 0 : i32
      %parallel_loop3A_620 = arith.cmpi slt, %parallel_loop3A_613, %parallel_loop3A_619 : i32
      %parallel_loop3A_621 = arith.xori %parallel_loop3A_618, %parallel_loop3A_620 : i1
      %parallel_loop3A_622 = arith.andi %parallel_loop3A_621, %parallel_loop3A_616 : i1
      %parallel_loop3A_623 = arith.addi %parallel_loop3A_614, %parallel_loop3A_613 : i32
      %parallel_loop3A_624 = arith.select %parallel_loop3A_622, %parallel_loop3A_623, %parallel_loop3A_614 : i32
      %parallel_loop3A_625 = arith.constant 16 : i32
      %parallel_loop3A_626 = arith.muli %parallel_loop3A_624, %parallel_loop3A_625 : i32
      %parallel_loop3A_627 = arith.constant 32 : i32
      %parallel_loop3A_628 = arith.addi %parallel_loop3A_627, %parallel_loop3A_608 : i32
      %parallel_loop3A_629 = arith.index_cast %parallel_loop3A_628 : i32 to index
      %parallel_loop3A_630 = arith.index_cast %parallel_loop3A_626 : i32 to index
      %parallel_loop3A_631 = tpu.vector_load %arg7[%parallel_loop3A_629, %parallel_loop3A_630] {strides = array<i32>} : memref<64x1024xf32, #tpu.memory_space<vmem>>, vector<1x16xf32>,
      %parallel_loop3A_632 = vector.shape_cast %parallel_loop3A_631 : vector<1x16xf32> to vector<16xf32>
      %parallel_loop3A_633 = arith.index_cast %parallel_loop3A_608 : i32 to index
      %parallel_loop3A_634 = arith.index_cast %parallel_loop3A_626 : i32 to index
      %parallel_loop3A_635 = tpu.vector_load %arg8[%parallel_loop3A_633, %parallel_loop3A_634] {strides = array<i32>} : memref<16x1024xf32, #tpu.memory_space<vmem>>, vector<1x16xf32>,
      %parallel_loop3A_636 = vector.shape_cast %parallel_loop3A_635 : vector<1x16xf32> to vector<16xf32>
      %parallel_loop3A_637 = vector.shape_cast %parallel_loop3A_632 : vector<16xf32> to vector<1x16xf32>
      tpu.vector_store %arg8[%parallel_loop3A_633, %parallel_loop3A_634], %parallel_loop3A_637 {add = true, strides = array<i32>} : memref<16x1024xf32, #tpu.memory_space<vmem>>, vector<1x16xf32>,
    } {sc.loop_unroll_factor = 8 : i64, sc.parallel_access}
    %mul3A_285 = arith.constant 64 : i32
    %mul3A_286 = arith.muli %add3A, %mul3A_285 : i32
    %add3A_287 = arith.constant 32 : i32
    %add3A_288 = arith.addi %mul3A_286, %add3A_287 : i32
    %dma_start3A_289 = arith.constant 1 : i32
    %dma_start3A_290 = arith.constant 0 : i32
    %dma_start3A_291 = tpu.memref_slice %arg5[%dma_start3A_289, %add3A_288, %dma_start3A_290] : memref<4x2048x1024xf32, #tpu.memory_space<hbm>> -> memref<1x16x1024xf32, #tpu.memory_space<hbm>>
    %dma_start3A_292 = tpu.memref_squeeze %dma_start3A_291 : memref<1x16x1024xf32, #tpu.memory_space<hbm>> -> memref<16x1024xf32, #tpu.memory_space<hbm>>
    %dma_start3A_293 = arith.constant 0 : i32
    %dma_start3A_294 = tpu.memref_slice %arg5[%dma_start3A_289, %add3A_288, %dma_start3A_293] : memref<4x2048x1024xf32, #tpu.memory_space<hbm>> -> memref<1x16x1024xf32, #tpu.memory_space<hbm>>
    %dma_start3A_295 = tpu.memref_squeeze %dma_start3A_294 : memref<1x16x1024xf32, #tpu.memory_space<hbm>> -> memref<16x1024xf32, #tpu.memory_space<hbm>>
    tpu.enqueue_dma source(%arg8 : memref<16x1024xf32, #tpu.memory_space<vmem>>) target(%dma_start3A_295 : memref<16x1024xf32, #tpu.memory_space<hbm>>) target_semaphore(%arg16 : memref<!tpu.dma_semaphore, #tpu.memory_space<semaphore_mem>>)
    %dma_wait3A_296 = arith.constant 1 : i32
    %dma_wait3A_297 = arith.constant 0 : i32
    %dma_wait3A_298 = tpu.memref_slice %arg5[%dma_wait3A_296, %add3A_257, %dma_wait3A_297] : memref<4x2048x1024xf32, #tpu.memory_space<hbm>> -> memref<1x16x1024xf32, #tpu.memory_space<hbm>>
    %dma_wait3A_299 = tpu.memref_squeeze %dma_wait3A_298 : memref<1x16x1024xf32, #tpu.memory_space<hbm>> -> memref<16x1024xf32, #tpu.memory_space<hbm>>
    %dma_wait3A_300 = arith.constant 0 : i32
    %dma_wait3A_301 = tpu.memref_slice %arg5[%dma_wait3A_296, %add3A_257, %dma_wait3A_300] : memref<4x2048x1024xf32, #tpu.memory_space<hbm>> -> memref<1x16x1024xf32, #tpu.memory_space<hbm>>
    %dma_wait3A_302 = tpu.memref_squeeze %dma_wait3A_301 : memref<1x16x1024xf32, #tpu.memory_space<hbm>> -> memref<16x1024xf32, #tpu.memory_space<hbm>>
    tpu.wait_dma2 semaphore(%arg18 : memref<!tpu.dma_semaphore, #tpu.memory_space<semaphore_mem>>) src(%arg10 : memref<16x1024xf32, #tpu.memory_space<vmem>>) dst(%dma_wait3A_302 : memref<16x1024xf32, #tpu.memory_space<hbm>>)
    %dma_start3A_303 = arith.constant 128 : i32
    %dma_start3A_304 = tpu.memref_slice %arg6[%dma_start3A_303] : memref<256xi32, #tpu.memory_space<vmem>> -> memref<16xi32, #tpu.memory_space<vmem>>
    %dma_start3A_305 = arith.constant 0 : i32
    %dma_start3A_306 = arith.constant 0 : i32
    %dma_start3A_307 = tpu.memref_slice %arg3[%dma_start3A_305, %dma_start3A_306] : memref<100000x1024xf32, #tpu.memory_space<hbm>> -> memref<100000x1024xf32, #tpu.memory_space<hbm>>
    tpu.enqueue_indirect_dma source(%dma_start3A_307 : memref<100000x1024xf32, #tpu.memory_space<hbm>>) target(%arg10 : memref<16x1024xf32, #tpu.memory_space<vmem>>) offsets(%dma_start3A_304 : memref<16xi32, #tpu.memory_space<vmem>>) semaphore(%arg15 : memref<!tpu.dma_semaphore, #tpu.memory_space<semaphore_mem>>)
    %dma_wait3A_308 = arith.constant 112 : i32
    %dma_wait3A_309 = tpu.memref_slice %arg6[%dma_wait3A_308] : memref<256xi32, #tpu.memory_space<vmem>> -> memref<16xi32, #tpu.memory_space<vmem>>
    %dma_wait3A_310 = arith.constant 0 : i32
    %dma_wait3A_311 = arith.constant 0 : i32
    %dma_wait3A_312 = tpu.memref_slice %arg3[%dma_wait3A_310, %dma_wait3A_311] : memref<100000x1024xf32, #tpu.memory_space<hbm>> -> memref<100000x1024xf32, #tpu.memory_space<hbm>>
    tpu.wait_indirect_dma semaphore(%arg14 : memref<!tpu.dma_semaphore, #tpu.memory_space<semaphore_mem>>) src(%dma_wait3A_312 : memref<100000x1024xf32, #tpu.memory_space<hbm>>) dst(%arg9 : memref<16x1024xf32, #tpu.memory_space<vmem>>)
    %parallel_loop3A_313 = arith.constant 0 : i32
    %parallel_loop3A_314 = arith.constant 1024 : i32
    %parallel_loop3A_315 = arith.constant 1 : i32
    scf.for %parallel_loop3A_584 = %parallel_loop3A_313 to %parallel_loop3A_314 step %parallel_loop3A_315  : i32 {
      %parallel_loop3A_585 = arith.constant 64 : i32
      %parallel_loop3A_586 = arith.divsi %parallel_loop3A_584, %parallel_loop3A_585 : i32
      %parallel_loop3A_587 = arith.constant 0 : i32
      %parallel_loop3A_588 = arith.cmpi sgt, %parallel_loop3A_584, %parallel_loop3A_587 : i32
      %parallel_loop3A_589 = arith.extui %parallel_loop3A_588 : i1 to i32
      %parallel_loop3A_590 = arith.constant 0 : i32
      %parallel_loop3A_591 = arith.cmpi slt, %parallel_loop3A_584, %parallel_loop3A_590 : i32
      %parallel_loop3A_592 = arith.extui %parallel_loop3A_591 : i1 to i32
      %parallel_loop3A_593 = arith.subi %parallel_loop3A_589, %parallel_loop3A_592 : i32
      %parallel_loop3A_594 = arith.constant 0 : i32
      %parallel_loop3A_595 = arith.cmpi sgt, %parallel_loop3A_585, %parallel_loop3A_594 : i32
      %parallel_loop3A_596 = arith.extui %parallel_loop3A_595 : i1 to i32
      %parallel_loop3A_597 = arith.constant 0 : i32
      %parallel_loop3A_598 = arith.cmpi slt, %parallel_loop3A_585, %parallel_loop3A_597 : i32
      %parallel_loop3A_599 = arith.extui %parallel_loop3A_598 : i1 to i32
      %parallel_loop3A_600 = arith.subi %parallel_loop3A_596, %parallel_loop3A_599 : i32
      %parallel_loop3A_601 = arith.cmpi ne, %parallel_loop3A_593, %parallel_loop3A_600 : i32
      %parallel_loop3A_602 = arith.remsi %parallel_loop3A_584, %parallel_loop3A_585 : i32
      %parallel_loop3A_603 = arith.constant 0 : i32
      %parallel_loop3A_604 = arith.cmpi ne, %parallel_loop3A_602, %parallel_loop3A_603 : i32
      %parallel_loop3A_605 = arith.andi %parallel_loop3A_601, %parallel_loop3A_604 : i1
      %parallel_loop3A_606 = arith.constant 1 : i32
      %parallel_loop3A_607 = arith.subi %parallel_loop3A_586, %parallel_loop3A_606 : i32
      %parallel_loop3A_608 = arith.select %parallel_loop3A_605, %parallel_loop3A_607, %parallel_loop3A_586 : i32
      %parallel_loop3A_609 = arith.constant 64 : i32
      %parallel_loop3A_610 = arith.constant 0 : i32
      %parallel_loop3A_611 = arith.cmpi eq, %parallel_loop3A_609, %parallel_loop3A_610 : i32
      %parallel_loop3A_612 = arith.constant 1 : i32
      %parallel_loop3A_613 = arith.select %parallel_loop3A_611, %parallel_loop3A_612, %parallel_loop3A_609 : i32
      %parallel_loop3A_614 = arith.remsi %parallel_loop3A_584, %parallel_loop3A_613 : i32
      %parallel_loop3A_615 = arith.constant 0 : i32
      %parallel_loop3A_616 = arith.cmpi ne, %parallel_loop3A_614, %parallel_loop3A_615 : i32
      %parallel_loop3A_617 = arith.constant 0 : i32
      %parallel_loop3A_618 = arith.cmpi slt, %parallel_loop3A_614, %parallel_loop3A_617 : i32
      %parallel_loop3A_619 = arith.constant 0 : i32
      %parallel_loop3A_620 = arith.cmpi slt, %parallel_loop3A_613, %parallel_loop3A_619 : i32
      %parallel_loop3A_621 = arith.xori %parallel_loop3A_618, %parallel_loop3A_620 : i1
      %parallel_loop3A_622 = arith.andi %parallel_loop3A_621, %parallel_loop3A_616 : i1
      %parallel_loop3A_623 = arith.addi %parallel_loop3A_614, %parallel_loop3A_613 : i32
      %parallel_loop3A_624 = arith.select %parallel_loop3A_622, %parallel_loop3A_623, %parallel_loop3A_614 : i32
      %parallel_loop3A_625 = arith.constant 16 : i32
      %parallel_loop3A_626 = arith.muli %parallel_loop3A_624, %parallel_loop3A_625 : i32
      %parallel_loop3A_627 = arith.constant 48 : i32
      %parallel_loop3A_628 = arith.addi %parallel_loop3A_627, %parallel_loop3A_608 : i32
      %parallel_loop3A_629 = arith.index_cast %parallel_loop3A_628 : i32 to index
      %parallel_loop3A_630 = arith.index_cast %parallel_loop3A_626 : i32 to index
      %parallel_loop3A_631 = tpu.vector_load %arg7[%parallel_loop3A_629, %parallel_loop3A_630] {strides = array<i32>} : memref<64x1024xf32, #tpu.memory_space<vmem>>, vector<1x16xf32>,
      %parallel_loop3A_632 = vector.shape_cast %parallel_loop3A_631 : vector<1x16xf32> to vector<16xf32>
      %parallel_loop3A_633 = arith.index_cast %parallel_loop3A_608 : i32 to index
      %parallel_loop3A_634 = arith.index_cast %parallel_loop3A_626 : i32 to index
      %parallel_loop3A_635 = tpu.vector_load %arg9[%parallel_loop3A_633, %parallel_loop3A_634] {strides = array<i32>} : memref<16x1024xf32, #tpu.memory_space<vmem>>, vector<1x16xf32>,
      %parallel_loop3A_636 = vector.shape_cast %parallel_loop3A_635 : vector<1x16xf32> to vector<16xf32>
      %parallel_loop3A_637 = vector.shape_cast %parallel_loop3A_632 : vector<16xf32> to vector<1x16xf32>
      tpu.vector_store %arg9[%parallel_loop3A_633, %parallel_loop3A_634], %parallel_loop3A_637 {add = true, strides = array<i32>} : memref<16x1024xf32, #tpu.memory_space<vmem>>, vector<1x16xf32>,
    } {sc.loop_unroll_factor = 8 : i64, sc.parallel_access}
    %mul3A_316 = arith.constant 64 : i32
    %mul3A_317 = arith.muli %add3A, %mul3A_316 : i32
    %add3A_318 = arith.constant 48 : i32
    %add3A_319 = arith.addi %mul3A_317, %add3A_318 : i32
    %dma_start3A_320 = arith.constant 1 : i32
    %dma_start3A_321 = arith.constant 0 : i32
    %dma_start3A_322 = tpu.memref_slice %arg5[%dma_start3A_320, %add3A_319, %dma_start3A_321] : memref<4x2048x1024xf32, #tpu.memory_space<hbm>> -> memref<1x16x1024xf32, #tpu.memory_space<hbm>>
    %dma_start3A_323 = tpu.memref_squeeze %dma_start3A_322 : memref<1x16x1024xf32, #tpu.memory_space<hbm>> -> memref<16x1024xf32, #tpu.memory_space<hbm>>
    %dma_start3A_324 = arith.constant 0 : i32
    %dma_start3A_325 = tpu.memref_slice %arg5[%dma_start3A_320, %add3A_319, %dma_start3A_324] : memref<4x2048x1024xf32, #tpu.memory_space<hbm>> -> memref<1x16x1024xf32, #tpu.memory_space<hbm>>
    %dma_start3A_326 = tpu.memref_squeeze %dma_start3A_325 : memref<1x16x1024xf32, #tpu.memory_space<hbm>> -> memref<16x1024xf32, #tpu.memory_space<hbm>>
    tpu.enqueue_dma source(%arg9 : memref<16x1024xf32, #tpu.memory_space<vmem>>) target(%dma_start3A_326 : memref<16x1024xf32, #tpu.memory_space<hbm>>) target_semaphore(%arg17 : memref<!tpu.dma_semaphore, #tpu.memory_space<semaphore_mem>>)
    %dma_wait3A_327 = arith.constant 1 : i32
    %dma_wait3A_328 = arith.constant 0 : i32
    %dma_wait3A_329 = tpu.memref_slice %arg5[%dma_wait3A_327, %add3A_288, %dma_wait3A_328] : memref<4x2048x1024xf32, #tpu.memory_space<hbm>> -> memref<1x16x1024xf32, #tpu.memory_space<hbm>>
    %dma_wait3A_330 = tpu.memref_squeeze %dma_wait3A_329 : memref<1x16x1024xf32, #tpu.memory_space<hbm>> -> memref<16x1024xf32, #tpu.memory_space<hbm>>
    %dma_wait3A_331 = arith.constant 0 : i32
    %dma_wait3A_332 = tpu.memref_slice %arg5[%dma_wait3A_327, %add3A_288, %dma_wait3A_331] : memref<4x2048x1024xf32, #tpu.memory_space<hbm>> -> memref<1x16x1024xf32, #tpu.memory_space<hbm>>
    %dma_wait3A_333 = tpu.memref_squeeze %dma_wait3A_332 : memref<1x16x1024xf32, #tpu.memory_space<hbm>> -> memref<16x1024xf32, #tpu.memory_space<hbm>>
    tpu.wait_dma2 semaphore(%arg16 : memref<!tpu.dma_semaphore, #tpu.memory_space<semaphore_mem>>) src(%arg8 : memref<16x1024xf32, #tpu.memory_space<vmem>>) dst(%dma_wait3A_333 : memref<16x1024xf32, #tpu.memory_space<hbm>>)
    %dma_start3A_334 = arith.constant 144 : i32
    %dma_start3A_335 = tpu.memref_slice %arg6[%dma_start3A_334] : memref<256xi32, #tpu.memory_space<vmem>> -> memref<16xi32, #tpu.memory_space<vmem>>
    %dma_start3A_336 = arith.constant 0 : i32
    %dma_start3A_337 = arith.constant 0 : i32
    %dma_start3A_338 = tpu.memref_slice %arg3[%dma_start3A_336, %dma_start3A_337] : memref<100000x1024xf32, #tpu.memory_space<hbm>> -> memref<100000x1024xf32, #tpu.memory_space<hbm>>
    tpu.enqueue_indirect_dma source(%dma_start3A_338 : memref<100000x1024xf32, #tpu.memory_space<hbm>>) target(%arg8 : memref<16x1024xf32, #tpu.memory_space<vmem>>) offsets(%dma_start3A_335 : memref<16xi32, #tpu.memory_space<vmem>>) semaphore(%arg13 : memref<!tpu.dma_semaphore, #tpu.memory_space<semaphore_mem>>)
    %dma_wait3A_339 = arith.constant 128 : i32
    %dma_wait3A_340 = tpu.memref_slice %arg6[%dma_wait3A_339] : memref<256xi32, #tpu.memory_space<vmem>> -> memref<16xi32, #tpu.memory_space<vmem>>
    %dma_wait3A_341 = arith.constant 0 : i32
    %dma_wait3A_342 = arith.constant 0 : i32
    %dma_wait3A_343 = tpu.memref_slice %arg3[%dma_wait3A_341, %dma_wait3A_342] : memref<100000x1024xf32, #tpu.memory_space<hbm>> -> memref<100000x1024xf32, #tpu.memory_space<hbm>>
    tpu.wait_indirect_dma semaphore(%arg15 : memref<!tpu.dma_semaphore, #tpu.memory_space<semaphore_mem>>) src(%dma_wait3A_343 : memref<100000x1024xf32, #tpu.memory_space<hbm>>) dst(%arg10 : memref<16x1024xf32, #tpu.memory_space<vmem>>)
    %parallel_loop3A_344 = arith.constant 0 : i32
    %parallel_loop3A_345 = arith.constant 1024 : i32
    %parallel_loop3A_346 = arith.constant 1 : i32
    scf.for %parallel_loop3A_584 = %parallel_loop3A_344 to %parallel_loop3A_345 step %parallel_loop3A_346  : i32 {
      %parallel_loop3A_585 = arith.constant 64 : i32
      %parallel_loop3A_586 = arith.divsi %parallel_loop3A_584, %parallel_loop3A_585 : i32
      %parallel_loop3A_587 = arith.constant 0 : i32
      %parallel_loop3A_588 = arith.cmpi sgt, %parallel_loop3A_584, %parallel_loop3A_587 : i32
      %parallel_loop3A_589 = arith.extui %parallel_loop3A_588 : i1 to i32
      %parallel_loop3A_590 = arith.constant 0 : i32
      %parallel_loop3A_591 = arith.cmpi slt, %parallel_loop3A_584, %parallel_loop3A_590 : i32
      %parallel_loop3A_592 = arith.extui %parallel_loop3A_591 : i1 to i32
      %parallel_loop3A_593 = arith.subi %parallel_loop3A_589, %parallel_loop3A_592 : i32
      %parallel_loop3A_594 = arith.constant 0 : i32
      %parallel_loop3A_595 = arith.cmpi sgt, %parallel_loop3A_585, %parallel_loop3A_594 : i32
      %parallel_loop3A_596 = arith.extui %parallel_loop3A_595 : i1 to i32
      %parallel_loop3A_597 = arith.constant 0 : i32
      %parallel_loop3A_598 = arith.cmpi slt, %parallel_loop3A_585, %parallel_loop3A_597 : i32
      %parallel_loop3A_599 = arith.extui %parallel_loop3A_598 : i1 to i32
      %parallel_loop3A_600 = arith.subi %parallel_loop3A_596, %parallel_loop3A_599 : i32
      %parallel_loop3A_601 = arith.cmpi ne, %parallel_loop3A_593, %parallel_loop3A_600 : i32
      %parallel_loop3A_602 = arith.remsi %parallel_loop3A_584, %parallel_loop3A_585 : i32
      %parallel_loop3A_603 = arith.constant 0 : i32
      %parallel_loop3A_604 = arith.cmpi ne, %parallel_loop3A_602, %parallel_loop3A_603 : i32
      %parallel_loop3A_605 = arith.andi %parallel_loop3A_601, %parallel_loop3A_604 : i1
      %parallel_loop3A_606 = arith.constant 1 : i32
      %parallel_loop3A_607 = arith.subi %parallel_loop3A_586, %parallel_loop3A_606 : i32
      %parallel_loop3A_608 = arith.select %parallel_loop3A_605, %parallel_loop3A_607, %parallel_loop3A_586 : i32
      %parallel_loop3A_609 = arith.constant 64 : i32
      %parallel_loop3A_610 = arith.constant 0 : i32
      %parallel_loop3A_611 = arith.cmpi eq, %parallel_loop3A_609, %parallel_loop3A_610 : i32
      %parallel_loop3A_612 = arith.constant 1 : i32
      %parallel_loop3A_613 = arith.select %parallel_loop3A_611, %parallel_loop3A_612, %parallel_loop3A_609 : i32
      %parallel_loop3A_614 = arith.remsi %parallel_loop3A_584, %parallel_loop3A_613 : i32
      %parallel_loop3A_615 = arith.constant 0 : i32
      %parallel_loop3A_616 = arith.cmpi ne, %parallel_loop3A_614, %parallel_loop3A_615 : i32
      %parallel_loop3A_617 = arith.constant 0 : i32
      %parallel_loop3A_618 = arith.cmpi slt, %parallel_loop3A_614, %parallel_loop3A_617 : i32
      %parallel_loop3A_619 = arith.constant 0 : i32
      %parallel_loop3A_620 = arith.cmpi slt, %parallel_loop3A_613, %parallel_loop3A_619 : i32
      %parallel_loop3A_621 = arith.xori %parallel_loop3A_618, %parallel_loop3A_620 : i1
      %parallel_loop3A_622 = arith.andi %parallel_loop3A_621, %parallel_loop3A_616 : i1
      %parallel_loop3A_623 = arith.addi %parallel_loop3A_614, %parallel_loop3A_613 : i32
      %parallel_loop3A_624 = arith.select %parallel_loop3A_622, %parallel_loop3A_623, %parallel_loop3A_614 : i32
      %parallel_loop3A_625 = arith.constant 16 : i32
      %parallel_loop3A_626 = arith.muli %parallel_loop3A_624, %parallel_loop3A_625 : i32
      %parallel_loop3A_627 = arith.constant 0 : i32
      %parallel_loop3A_628 = arith.addi %parallel_loop3A_627, %parallel_loop3A_608 : i32
      %parallel_loop3A_629 = arith.index_cast %parallel_loop3A_628 : i32 to index
      %parallel_loop3A_630 = arith.index_cast %parallel_loop3A_626 : i32 to index
      %parallel_loop3A_631 = tpu.vector_load %arg7[%parallel_loop3A_629, %parallel_loop3A_630] {strides = array<i32>} : memref<64x1024xf32, #tpu.memory_space<vmem>>, vector<1x16xf32>,
      %parallel_loop3A_632 = vector.shape_cast %parallel_loop3A_631 : vector<1x16xf32> to vector<16xf32>
      %parallel_loop3A_633 = arith.index_cast %parallel_loop3A_608 : i32 to index
      %parallel_loop3A_634 = arith.index_cast %parallel_loop3A_626 : i32 to index
      %parallel_loop3A_635 = tpu.vector_load %arg10[%parallel_loop3A_633, %parallel_loop3A_634] {strides = array<i32>} : memref<16x1024xf32, #tpu.memory_space<vmem>>, vector<1x16xf32>,
      %parallel_loop3A_636 = vector.shape_cast %parallel_loop3A_635 : vector<1x16xf32> to vector<16xf32>
      %parallel_loop3A_637 = vector.shape_cast %parallel_loop3A_632 : vector<16xf32> to vector<1x16xf32>
      tpu.vector_store %arg10[%parallel_loop3A_633, %parallel_loop3A_634], %parallel_loop3A_637 {add = true, strides = array<i32>} : memref<16x1024xf32, #tpu.memory_space<vmem>>, vector<1x16xf32>,
    } {sc.loop_unroll_factor = 8 : i64, sc.parallel_access}
    %mul3A_347 = arith.constant 64 : i32
    %mul3A_348 = arith.muli %add3A, %mul3A_347 : i32
    %add3A_349 = arith.constant 0 : i32
    %add3A_350 = arith.addi %mul3A_348, %add3A_349 : i32
    %dma_start3A_351 = arith.constant 2 : i32
    %dma_start3A_352 = arith.constant 0 : i32
    %dma_start3A_353 = tpu.memref_slice %arg5[%dma_start3A_351, %add3A_350, %dma_start3A_352] : memref<4x2048x1024xf32, #tpu.memory_space<hbm>> -> memref<1x16x1024xf32, #tpu.memory_space<hbm>>
    %dma_start3A_354 = tpu.memref_squeeze %dma_start3A_353 : memref<1x16x1024xf32, #tpu.memory_space<hbm>> -> memref<16x1024xf32, #tpu.memory_space<hbm>>
    %dma_start3A_355 = arith.constant 0 : i32
    %dma_start3A_356 = tpu.memref_slice %arg5[%dma_start3A_351, %add3A_350, %dma_start3A_355] : memref<4x2048x1024xf32, #tpu.memory_space<hbm>> -> memref<1x16x1024xf32, #tpu.memory_space<hbm>>
    %dma_start3A_357 = tpu.memref_squeeze %dma_start3A_356 : memref<1x16x1024xf32, #tpu.memory_space<hbm>> -> memref<16x1024xf32, #tpu.memory_space<hbm>>
    tpu.enqueue_dma source(%arg10 : memref<16x1024xf32, #tpu.memory_space<vmem>>) target(%dma_start3A_357 : memref<16x1024xf32, #tpu.memory_space<hbm>>) target_semaphore(%arg18 : memref<!tpu.dma_semaphore, #tpu.memory_space<semaphore_mem>>)
    %dma_wait3A_358 = arith.constant 1 : i32
    %dma_wait3A_359 = arith.constant 0 : i32
    %dma_wait3A_360 = tpu.memref_slice %arg5[%dma_wait3A_358, %add3A_319, %dma_wait3A_359] : memref<4x2048x1024xf32, #tpu.memory_space<hbm>> -> memref<1x16x1024xf32, #tpu.memory_space<hbm>>
    %dma_wait3A_361 = tpu.memref_squeeze %dma_wait3A_360 : memref<1x16x1024xf32, #tpu.memory_space<hbm>> -> memref<16x1024xf32, #tpu.memory_space<hbm>>
    %dma_wait3A_362 = arith.constant 0 : i32
    %dma_wait3A_363 = tpu.memref_slice %arg5[%dma_wait3A_358, %add3A_319, %dma_wait3A_362] : memref<4x2048x1024xf32, #tpu.memory_space<hbm>> -> memref<1x16x1024xf32, #tpu.memory_space<hbm>>
    %dma_wait3A_364 = tpu.memref_squeeze %dma_wait3A_363 : memref<1x16x1024xf32, #tpu.memory_space<hbm>> -> memref<16x1024xf32, #tpu.memory_space<hbm>>
    tpu.wait_dma2 semaphore(%arg17 : memref<!tpu.dma_semaphore, #tpu.memory_space<semaphore_mem>>) src(%arg9 : memref<16x1024xf32, #tpu.memory_space<vmem>>) dst(%dma_wait3A_364 : memref<16x1024xf32, #tpu.memory_space<hbm>>)
    %dma_start3A_365 = arith.constant 160 : i32
    %dma_start3A_366 = tpu.memref_slice %arg6[%dma_start3A_365] : memref<256xi32, #tpu.memory_space<vmem>> -> memref<16xi32, #tpu.memory_space<vmem>>
    %dma_start3A_367 = arith.constant 0 : i32
    %dma_start3A_368 = arith.constant 0 : i32
    %dma_start3A_369 = tpu.memref_slice %arg3[%dma_start3A_367, %dma_start3A_368] : memref<100000x1024xf32, #tpu.memory_space<hbm>> -> memref<100000x1024xf32, #tpu.memory_space<hbm>>
    tpu.enqueue_indirect_dma source(%dma_start3A_369 : memref<100000x1024xf32, #tpu.memory_space<hbm>>) target(%arg9 : memref<16x1024xf32, #tpu.memory_space<vmem>>) offsets(%dma_start3A_366 : memref<16xi32, #tpu.memory_space<vmem>>) semaphore(%arg14 : memref<!tpu.dma_semaphore, #tpu.memory_space<semaphore_mem>>)
    %dma_wait3A_370 = arith.constant 144 : i32
    %dma_wait3A_371 = tpu.memref_slice %arg6[%dma_wait3A_370] : memref<256xi32, #tpu.memory_space<vmem>> -> memref<16xi32, #tpu.memory_space<vmem>>
    %dma_wait3A_372 = arith.constant 0 : i32
    %dma_wait3A_373 = arith.constant 0 : i32
    %dma_wait3A_374 = tpu.memref_slice %arg3[%dma_wait3A_372, %dma_wait3A_373] : memref<100000x1024xf32, #tpu.memory_space<hbm>> -> memref<100000x1024xf32, #tpu.memory_space<hbm>>
    tpu.wait_indirect_dma semaphore(%arg13 : memref<!tpu.dma_semaphore, #tpu.memory_space<semaphore_mem>>) src(%dma_wait3A_374 : memref<100000x1024xf32, #tpu.memory_space<hbm>>) dst(%arg8 : memref<16x1024xf32, #tpu.memory_space<vmem>>)
    %parallel_loop3A_375 = arith.constant 0 : i32
    %parallel_loop3A_376 = arith.constant 1024 : i32
    %parallel_loop3A_377 = arith.constant 1 : i32
    scf.for %parallel_loop3A_584 = %parallel_loop3A_375 to %parallel_loop3A_376 step %parallel_loop3A_377  : i32 {
      %parallel_loop3A_585 = arith.constant 64 : i32
      %parallel_loop3A_586 = arith.divsi %parallel_loop3A_584, %parallel_loop3A_585 : i32
      %parallel_loop3A_587 = arith.constant 0 : i32
      %parallel_loop3A_588 = arith.cmpi sgt, %parallel_loop3A_584, %parallel_loop3A_587 : i32
      %parallel_loop3A_589 = arith.extui %parallel_loop3A_588 : i1 to i32
      %parallel_loop3A_590 = arith.constant 0 : i32
      %parallel_loop3A_591 = arith.cmpi slt, %parallel_loop3A_584, %parallel_loop3A_590 : i32
      %parallel_loop3A_592 = arith.extui %parallel_loop3A_591 : i1 to i32
      %parallel_loop3A_593 = arith.subi %parallel_loop3A_589, %parallel_loop3A_592 : i32
      %parallel_loop3A_594 = arith.constant 0 : i32
      %parallel_loop3A_595 = arith.cmpi sgt, %parallel_loop3A_585, %parallel_loop3A_594 : i32
      %parallel_loop3A_596 = arith.extui %parallel_loop3A_595 : i1 to i32
      %parallel_loop3A_597 = arith.constant 0 : i32
      %parallel_loop3A_598 = arith.cmpi slt, %parallel_loop3A_585, %parallel_loop3A_597 : i32
      %parallel_loop3A_599 = arith.extui %parallel_loop3A_598 : i1 to i32
      %parallel_loop3A_600 = arith.subi %parallel_loop3A_596, %parallel_loop3A_599 : i32
      %parallel_loop3A_601 = arith.cmpi ne, %parallel_loop3A_593, %parallel_loop3A_600 : i32
      %parallel_loop3A_602 = arith.remsi %parallel_loop3A_584, %parallel_loop3A_585 : i32
      %parallel_loop3A_603 = arith.constant 0 : i32
      %parallel_loop3A_604 = arith.cmpi ne, %parallel_loop3A_602, %parallel_loop3A_603 : i32
      %parallel_loop3A_605 = arith.andi %parallel_loop3A_601, %parallel_loop3A_604 : i1
      %parallel_loop3A_606 = arith.constant 1 : i32
      %parallel_loop3A_607 = arith.subi %parallel_loop3A_586, %parallel_loop3A_606 : i32
      %parallel_loop3A_608 = arith.select %parallel_loop3A_605, %parallel_loop3A_607, %parallel_loop3A_586 : i32
      %parallel_loop3A_609 = arith.constant 64 : i32
      %parallel_loop3A_610 = arith.constant 0 : i32
      %parallel_loop3A_611 = arith.cmpi eq, %parallel_loop3A_609, %parallel_loop3A_610 : i32
      %parallel_loop3A_612 = arith.constant 1 : i32
      %parallel_loop3A_613 = arith.select %parallel_loop3A_611, %parallel_loop3A_612, %parallel_loop3A_609 : i32
      %parallel_loop3A_614 = arith.remsi %parallel_loop3A_584, %parallel_loop3A_613 : i32
      %parallel_loop3A_615 = arith.constant 0 : i32
      %parallel_loop3A_616 = arith.cmpi ne, %parallel_loop3A_614, %parallel_loop3A_615 : i32
      %parallel_loop3A_617 = arith.constant 0 : i32
      %parallel_loop3A_618 = arith.cmpi slt, %parallel_loop3A_614, %parallel_loop3A_617 : i32
      %parallel_loop3A_619 = arith.constant 0 : i32
      %parallel_loop3A_620 = arith.cmpi slt, %parallel_loop3A_613, %parallel_loop3A_619 : i32
      %parallel_loop3A_621 = arith.xori %parallel_loop3A_618, %parallel_loop3A_620 : i1
      %parallel_loop3A_622 = arith.andi %parallel_loop3A_621, %parallel_loop3A_616 : i1
      %parallel_loop3A_623 = arith.addi %parallel_loop3A_614, %parallel_loop3A_613 : i32
      %parallel_loop3A_624 = arith.select %parallel_loop3A_622, %parallel_loop3A_623, %parallel_loop3A_614 : i32
      %parallel_loop3A_625 = arith.constant 16 : i32
      %parallel_loop3A_626 = arith.muli %parallel_loop3A_624, %parallel_loop3A_625 : i32
      %parallel_loop3A_627 = arith.constant 16 : i32
      %parallel_loop3A_628 = arith.addi %parallel_loop3A_627, %parallel_loop3A_608 : i32
      %parallel_loop3A_629 = arith.index_cast %parallel_loop3A_628 : i32 to index
      %parallel_loop3A_630 = arith.index_cast %parallel_loop3A_626 : i32 to index
      %parallel_loop3A_631 = tpu.vector_load %arg7[%parallel_loop3A_629, %parallel_loop3A_630] {strides = array<i32>} : memref<64x1024xf32, #tpu.memory_space<vmem>>, vector<1x16xf32>,
      %parallel_loop3A_632 = vector.shape_cast %parallel_loop3A_631 : vector<1x16xf32> to vector<16xf32>
      %parallel_loop3A_633 = arith.index_cast %parallel_loop3A_608 : i32 to index
      %parallel_loop3A_634 = arith.index_cast %parallel_loop3A_626 : i32 to index
      %parallel_loop3A_635 = tpu.vector_load %arg8[%parallel_loop3A_633, %parallel_loop3A_634] {strides = array<i32>} : memref<16x1024xf32, #tpu.memory_space<vmem>>, vector<1x16xf32>,
      %parallel_loop3A_636 = vector.shape_cast %parallel_loop3A_635 : vector<1x16xf32> to vector<16xf32>
      %parallel_loop3A_637 = vector.shape_cast %parallel_loop3A_632 : vector<16xf32> to vector<1x16xf32>
      tpu.vector_store %arg8[%parallel_loop3A_633, %parallel_loop3A_634], %parallel_loop3A_637 {add = true, strides = array<i32>} : memref<16x1024xf32, #tpu.memory_space<vmem>>, vector<1x16xf32>,
    } {sc.loop_unroll_factor = 8 : i64, sc.parallel_access}
    %mul3A_378 = arith.constant 64 : i32
    %mul3A_379 = arith.muli %add3A, %mul3A_378 : i32
    %add3A_380 = arith.constant 16 : i32
    %add3A_381 = arith.addi %mul3A_379, %add3A_380 : i32
    %dma_start3A_382 = arith.constant 2 : i32
    %dma_start3A_383 = arith.constant 0 : i32
    %dma_start3A_384 = tpu.memref_slice %arg5[%dma_start3A_382, %add3A_381, %dma_start3A_383] : memref<4x2048x1024xf32, #tpu.memory_space<hbm>> -> memref<1x16x1024xf32, #tpu.memory_space<hbm>>
    %dma_start3A_385 = tpu.memref_squeeze %dma_start3A_384 : memref<1x16x1024xf32, #tpu.memory_space<hbm>> -> memref<16x1024xf32, #tpu.memory_space<hbm>>
    %dma_start3A_386 = arith.constant 0 : i32
    %dma_start3A_387 = tpu.memref_slice %arg5[%dma_start3A_382, %add3A_381, %dma_start3A_386] : memref<4x2048x1024xf32, #tpu.memory_space<hbm>> -> memref<1x16x1024xf32, #tpu.memory_space<hbm>>
    %dma_start3A_388 = tpu.memref_squeeze %dma_start3A_387 : memref<1x16x1024xf32, #tpu.memory_space<hbm>> -> memref<16x1024xf32, #tpu.memory_space<hbm>>
    tpu.enqueue_dma source(%arg8 : memref<16x1024xf32, #tpu.memory_space<vmem>>) target(%dma_start3A_388 : memref<16x1024xf32, #tpu.memory_space<hbm>>) target_semaphore(%arg16 : memref<!tpu.dma_semaphore, #tpu.memory_space<semaphore_mem>>)
    %dma_wait3A_389 = arith.constant 2 : i32
    %dma_wait3A_390 = arith.constant 0 : i32
    %dma_wait3A_391 = tpu.memref_slice %arg5[%dma_wait3A_389, %add3A_350, %dma_wait3A_390] : memref<4x2048x1024xf32, #tpu.memory_space<hbm>> -> memref<1x16x1024xf32, #tpu.memory_space<hbm>>
    %dma_wait3A_392 = tpu.memref_squeeze %dma_wait3A_391 : memref<1x16x1024xf32, #tpu.memory_space<hbm>> -> memref<16x1024xf32, #tpu.memory_space<hbm>>
    %dma_wait3A_393 = arith.constant 0 : i32
    %dma_wait3A_394 = tpu.memref_slice %arg5[%dma_wait3A_389, %add3A_350, %dma_wait3A_393] : memref<4x2048x1024xf32, #tpu.memory_space<hbm>> -> memref<1x16x1024xf32, #tpu.memory_space<hbm>>
    %dma_wait3A_395 = tpu.memref_squeeze %dma_wait3A_394 : memref<1x16x1024xf32, #tpu.memory_space<hbm>> -> memref<16x1024xf32, #tpu.memory_space<hbm>>
    tpu.wait_dma2 semaphore(%arg18 : memref<!tpu.dma_semaphore, #tpu.memory_space<semaphore_mem>>) src(%arg10 : memref<16x1024xf32, #tpu.memory_space<vmem>>) dst(%dma_wait3A_395 : memref<16x1024xf32, #tpu.memory_space<hbm>>)
    %dma_start3A_396 = arith.constant 176 : i32
    %dma_start3A_397 = tpu.memref_slice %arg6[%dma_start3A_396] : memref<256xi32, #tpu.memory_space<vmem>> -> memref<16xi32, #tpu.memory_space<vmem>>
    %dma_start3A_398 = arith.constant 0 : i32
    %dma_start3A_399 = arith.constant 0 : i32
    %dma_start3A_400 = tpu.memref_slice %arg3[%dma_start3A_398, %dma_start3A_399] : memref<100000x1024xf32, #tpu.memory_space<hbm>> -> memref<100000x1024xf32, #tpu.memory_space<hbm>>
    tpu.enqueue_indirect_dma source(%dma_start3A_400 : memref<100000x1024xf32, #tpu.memory_space<hbm>>) target(%arg10 : memref<16x1024xf32, #tpu.memory_space<vmem>>) offsets(%dma_start3A_397 : memref<16xi32, #tpu.memory_space<vmem>>) semaphore(%arg15 : memref<!tpu.dma_semaphore, #tpu.memory_space<semaphore_mem>>)
    %dma_wait3A_401 = arith.constant 160 : i32
    %dma_wait3A_402 = tpu.memref_slice %arg6[%dma_wait3A_401] : memref<256xi32, #tpu.memory_space<vmem>> -> memref<16xi32, #tpu.memory_space<vmem>>
    %dma_wait3A_403 = arith.constant 0 : i32
    %dma_wait3A_404 = arith.constant 0 : i32
    %dma_wait3A_405 = tpu.memref_slice %arg3[%dma_wait3A_403, %dma_wait3A_404] : memref<100000x1024xf32, #tpu.memory_space<hbm>> -> memref<100000x1024xf32, #tpu.memory_space<hbm>>
    tpu.wait_indirect_dma semaphore(%arg14 : memref<!tpu.dma_semaphore, #tpu.memory_space<semaphore_mem>>) src(%dma_wait3A_405 : memref<100000x1024xf32, #tpu.memory_space<hbm>>) dst(%arg9 : memref<16x1024xf32, #tpu.memory_space<vmem>>)
    %parallel_loop3A_406 = arith.constant 0 : i32
    %parallel_loop3A_407 = arith.constant 1024 : i32
    %parallel_loop3A_408 = arith.constant 1 : i32
    scf.for %parallel_loop3A_584 = %parallel_loop3A_406 to %parallel_loop3A_407 step %parallel_loop3A_408  : i32 {
      %parallel_loop3A_585 = arith.constant 64 : i32
      %parallel_loop3A_586 = arith.divsi %parallel_loop3A_584, %parallel_loop3A_585 : i32
      %parallel_loop3A_587 = arith.constant 0 : i32
      %parallel_loop3A_588 = arith.cmpi sgt, %parallel_loop3A_584, %parallel_loop3A_587 : i32
      %parallel_loop3A_589 = arith.extui %parallel_loop3A_588 : i1 to i32
      %parallel_loop3A_590 = arith.constant 0 : i32
      %parallel_loop3A_591 = arith.cmpi slt, %parallel_loop3A_584, %parallel_loop3A_590 : i32
      %parallel_loop3A_592 = arith.extui %parallel_loop3A_591 : i1 to i32
      %parallel_loop3A_593 = arith.subi %parallel_loop3A_589, %parallel_loop3A_592 : i32
      %parallel_loop3A_594 = arith.constant 0 : i32
      %parallel_loop3A_595 = arith.cmpi sgt, %parallel_loop3A_585, %parallel_loop3A_594 : i32
      %parallel_loop3A_596 = arith.extui %parallel_loop3A_595 : i1 to i32
      %parallel_loop3A_597 = arith.constant 0 : i32
      %parallel_loop3A_598 = arith.cmpi slt, %parallel_loop3A_585, %parallel_loop3A_597 : i32
      %parallel_loop3A_599 = arith.extui %parallel_loop3A_598 : i1 to i32
      %parallel_loop3A_600 = arith.subi %parallel_loop3A_596, %parallel_loop3A_599 : i32
      %parallel_loop3A_601 = arith.cmpi ne, %parallel_loop3A_593, %parallel_loop3A_600 : i32
      %parallel_loop3A_602 = arith.remsi %parallel_loop3A_584, %parallel_loop3A_585 : i32
      %parallel_loop3A_603 = arith.constant 0 : i32
      %parallel_loop3A_604 = arith.cmpi ne, %parallel_loop3A_602, %parallel_loop3A_603 : i32
      %parallel_loop3A_605 = arith.andi %parallel_loop3A_601, %parallel_loop3A_604 : i1
      %parallel_loop3A_606 = arith.constant 1 : i32
      %parallel_loop3A_607 = arith.subi %parallel_loop3A_586, %parallel_loop3A_606 : i32
      %parallel_loop3A_608 = arith.select %parallel_loop3A_605, %parallel_loop3A_607, %parallel_loop3A_586 : i32
      %parallel_loop3A_609 = arith.constant 64 : i32
      %parallel_loop3A_610 = arith.constant 0 : i32
      %parallel_loop3A_611 = arith.cmpi eq, %parallel_loop3A_609, %parallel_loop3A_610 : i32
      %parallel_loop3A_612 = arith.constant 1 : i32
      %parallel_loop3A_613 = arith.select %parallel_loop3A_611, %parallel_loop3A_612, %parallel_loop3A_609 : i32
      %parallel_loop3A_614 = arith.remsi %parallel_loop3A_584, %parallel_loop3A_613 : i32
      %parallel_loop3A_615 = arith.constant 0 : i32
      %parallel_loop3A_616 = arith.cmpi ne, %parallel_loop3A_614, %parallel_loop3A_615 : i32
      %parallel_loop3A_617 = arith.constant 0 : i32
      %parallel_loop3A_618 = arith.cmpi slt, %parallel_loop3A_614, %parallel_loop3A_617 : i32
      %parallel_loop3A_619 = arith.constant 0 : i32
      %parallel_loop3A_620 = arith.cmpi slt, %parallel_loop3A_613, %parallel_loop3A_619 : i32
      %parallel_loop3A_621 = arith.xori %parallel_loop3A_618, %parallel_loop3A_620 : i1
      %parallel_loop3A_622 = arith.andi %parallel_loop3A_621, %parallel_loop3A_616 : i1
      %parallel_loop3A_623 = arith.addi %parallel_loop3A_614, %parallel_loop3A_613 : i32
      %parallel_loop3A_624 = arith.select %parallel_loop3A_622, %parallel_loop3A_623, %parallel_loop3A_614 : i32
      %parallel_loop3A_625 = arith.constant 16 : i32
      %parallel_loop3A_626 = arith.muli %parallel_loop3A_624, %parallel_loop3A_625 : i32
      %parallel_loop3A_627 = arith.constant 32 : i32
      %parallel_loop3A_628 = arith.addi %parallel_loop3A_627, %parallel_loop3A_608 : i32
      %parallel_loop3A_629 = arith.index_cast %parallel_loop3A_628 : i32 to index
      %parallel_loop3A_630 = arith.index_cast %parallel_loop3A_626 : i32 to index
      %parallel_loop3A_631 = tpu.vector_load %arg7[%parallel_loop3A_629, %parallel_loop3A_630] {strides = array<i32>} : memref<64x1024xf32, #tpu.memory_space<vmem>>, vector<1x16xf32>,
      %parallel_loop3A_632 = vector.shape_cast %parallel_loop3A_631 : vector<1x16xf32> to vector<16xf32>
      %parallel_loop3A_633 = arith.index_cast %parallel_loop3A_608 : i32 to index
      %parallel_loop3A_634 = arith.index_cast %parallel_loop3A_626 : i32 to index
      %parallel_loop3A_635 = tpu.vector_load %arg9[%parallel_loop3A_633, %parallel_loop3A_634] {strides = array<i32>} : memref<16x1024xf32, #tpu.memory_space<vmem>>, vector<1x16xf32>,
      %parallel_loop3A_636 = vector.shape_cast %parallel_loop3A_635 : vector<1x16xf32> to vector<16xf32>
      %parallel_loop3A_637 = vector.shape_cast %parallel_loop3A_632 : vector<16xf32> to vector<1x16xf32>
      tpu.vector_store %arg9[%parallel_loop3A_633, %parallel_loop3A_634], %parallel_loop3A_637 {add = true, strides = array<i32>} : memref<16x1024xf32, #tpu.memory_space<vmem>>, vector<1x16xf32>,
    } {sc.loop_unroll_factor = 8 : i64, sc.parallel_access}
    %mul3A_409 = arith.constant 64 : i32
    %mul3A_410 = arith.muli %add3A, %mul3A_409 : i32
    %add3A_411 = arith.constant 32 : i32
    %add3A_412 = arith.addi %mul3A_410, %add3A_411 : i32
    %dma_start3A_413 = arith.constant 2 : i32
    %dma_start3A_414 = arith.constant 0 : i32
    %dma_start3A_415 = tpu.memref_slice %arg5[%dma_start3A_413, %add3A_412, %dma_start3A_414] : memref<4x2048x1024xf32, #tpu.memory_space<hbm>> -> memref<1x16x1024xf32, #tpu.memory_space<hbm>>
    %dma_start3A_416 = tpu.memref_squeeze %dma_start3A_415 : memref<1x16x1024xf32, #tpu.memory_space<hbm>> -> memref<16x1024xf32, #tpu.memory_space<hbm>>
    %dma_start3A_417 = arith.constant 0 : i32
    %dma_start3A_418 = tpu.memref_slice %arg5[%dma_start3A_413, %add3A_412, %dma_start3A_417] : memref<4x2048x1024xf32, #tpu.memory_space<hbm>> -> memref<1x16x1024xf32, #tpu.memory_space<hbm>>
    %dma_start3A_419 = tpu.memref_squeeze %dma_start3A_418 : memref<1x16x1024xf32, #tpu.memory_space<hbm>> -> memref<16x1024xf32, #tpu.memory_space<hbm>>
    tpu.enqueue_dma source(%arg9 : memref<16x1024xf32, #tpu.memory_space<vmem>>) target(%dma_start3A_419 : memref<16x1024xf32, #tpu.memory_space<hbm>>) target_semaphore(%arg17 : memref<!tpu.dma_semaphore, #tpu.memory_space<semaphore_mem>>)
    %dma_wait3A_420 = arith.constant 2 : i32
    %dma_wait3A_421 = arith.constant 0 : i32
    %dma_wait3A_422 = tpu.memref_slice %arg5[%dma_wait3A_420, %add3A_381, %dma_wait3A_421] : memref<4x2048x1024xf32, #tpu.memory_space<hbm>> -> memref<1x16x1024xf32, #tpu.memory_space<hbm>>
    %dma_wait3A_423 = tpu.memref_squeeze %dma_wait3A_422 : memref<1x16x1024xf32, #tpu.memory_space<hbm>> -> memref<16x1024xf32, #tpu.memory_space<hbm>>
    %dma_wait3A_424 = arith.constant 0 : i32
    %dma_wait3A_425 = tpu.memref_slice %arg5[%dma_wait3A_420, %add3A_381, %dma_wait3A_424] : memref<4x2048x1024xf32, #tpu.memory_space<hbm>> -> memref<1x16x1024xf32, #tpu.memory_space<hbm>>
    %dma_wait3A_426 = tpu.memref_squeeze %dma_wait3A_425 : memref<1x16x1024xf32, #tpu.memory_space<hbm>> -> memref<16x1024xf32, #tpu.memory_space<hbm>>
    tpu.wait_dma2 semaphore(%arg16 : memref<!tpu.dma_semaphore, #tpu.memory_space<semaphore_mem>>) src(%arg8 : memref<16x1024xf32, #tpu.memory_space<vmem>>) dst(%dma_wait3A_426 : memref<16x1024xf32, #tpu.memory_space<hbm>>)
    %dma_start3A_427 = arith.constant 192 : i32
    %dma_start3A_428 = tpu.memref_slice %arg6[%dma_start3A_427] : memref<256xi32, #tpu.memory_space<vmem>> -> memref<16xi32, #tpu.memory_space<vmem>>
    %dma_start3A_429 = arith.constant 0 : i32
    %dma_start3A_430 = arith.constant 0 : i32
    %dma_start3A_431 = tpu.memref_slice %arg3[%dma_start3A_429, %dma_start3A_430] : memref<100000x1024xf32, #tpu.memory_space<hbm>> -> memref<100000x1024xf32, #tpu.memory_space<hbm>>
    tpu.enqueue_indirect_dma source(%dma_start3A_431 : memref<100000x1024xf32, #tpu.memory_space<hbm>>) target(%arg8 : memref<16x1024xf32, #tpu.memory_space<vmem>>) offsets(%dma_start3A_428 : memref<16xi32, #tpu.memory_space<vmem>>) semaphore(%arg13 : memref<!tpu.dma_semaphore, #tpu.memory_space<semaphore_mem>>)
    %dma_wait3A_432 = arith.constant 176 : i32
    %dma_wait3A_433 = tpu.memref_slice %arg6[%dma_wait3A_432] : memref<256xi32, #tpu.memory_space<vmem>> -> memref<16xi32, #tpu.memory_space<vmem>>
    %dma_wait3A_434 = arith.constant 0 : i32
    %dma_wait3A_435 = arith.constant 0 : i32
    %dma_wait3A_436 = tpu.memref_slice %arg3[%dma_wait3A_434, %dma_wait3A_435] : memref<100000x1024xf32, #tpu.memory_space<hbm>> -> memref<100000x1024xf32, #tpu.memory_space<hbm>>
    tpu.wait_indirect_dma semaphore(%arg15 : memref<!tpu.dma_semaphore, #tpu.memory_space<semaphore_mem>>) src(%dma_wait3A_436 : memref<100000x1024xf32, #tpu.memory_space<hbm>>) dst(%arg10 : memref<16x1024xf32, #tpu.memory_space<vmem>>)
    %parallel_loop3A_437 = arith.constant 0 : i32
    %parallel_loop3A_438 = arith.constant 1024 : i32
    %parallel_loop3A_439 = arith.constant 1 : i32
    scf.for %parallel_loop3A_584 = %parallel_loop3A_437 to %parallel_loop3A_438 step %parallel_loop3A_439  : i32 {
      %parallel_loop3A_585 = arith.constant 64 : i32
      %parallel_loop3A_586 = arith.divsi %parallel_loop3A_584, %parallel_loop3A_585 : i32
      %parallel_loop3A_587 = arith.constant 0 : i32
      %parallel_loop3A_588 = arith.cmpi sgt, %parallel_loop3A_584, %parallel_loop3A_587 : i32
      %parallel_loop3A_589 = arith.extui %parallel_loop3A_588 : i1 to i32
      %parallel_loop3A_590 = arith.constant 0 : i32
      %parallel_loop3A_591 = arith.cmpi slt, %parallel_loop3A_584, %parallel_loop3A_590 : i32
      %parallel_loop3A_592 = arith.extui %parallel_loop3A_591 : i1 to i32
      %parallel_loop3A_593 = arith.subi %parallel_loop3A_589, %parallel_loop3A_592 : i32
      %parallel_loop3A_594 = arith.constant 0 : i32
      %parallel_loop3A_595 = arith.cmpi sgt, %parallel_loop3A_585, %parallel_loop3A_594 : i32
      %parallel_loop3A_596 = arith.extui %parallel_loop3A_595 : i1 to i32
      %parallel_loop3A_597 = arith.constant 0 : i32
      %parallel_loop3A_598 = arith.cmpi slt, %parallel_loop3A_585, %parallel_loop3A_597 : i32
      %parallel_loop3A_599 = arith.extui %parallel_loop3A_598 : i1 to i32
      %parallel_loop3A_600 = arith.subi %parallel_loop3A_596, %parallel_loop3A_599 : i32
      %parallel_loop3A_601 = arith.cmpi ne, %parallel_loop3A_593, %parallel_loop3A_600 : i32
      %parallel_loop3A_602 = arith.remsi %parallel_loop3A_584, %parallel_loop3A_585 : i32
      %parallel_loop3A_603 = arith.constant 0 : i32
      %parallel_loop3A_604 = arith.cmpi ne, %parallel_loop3A_602, %parallel_loop3A_603 : i32
      %parallel_loop3A_605 = arith.andi %parallel_loop3A_601, %parallel_loop3A_604 : i1
      %parallel_loop3A_606 = arith.constant 1 : i32
      %parallel_loop3A_607 = arith.subi %parallel_loop3A_586, %parallel_loop3A_606 : i32
      %parallel_loop3A_608 = arith.select %parallel_loop3A_605, %parallel_loop3A_607, %parallel_loop3A_586 : i32
      %parallel_loop3A_609 = arith.constant 64 : i32
      %parallel_loop3A_610 = arith.constant 0 : i32
      %parallel_loop3A_611 = arith.cmpi eq, %parallel_loop3A_609, %parallel_loop3A_610 : i32
      %parallel_loop3A_612 = arith.constant 1 : i32
      %parallel_loop3A_613 = arith.select %parallel_loop3A_611, %parallel_loop3A_612, %parallel_loop3A_609 : i32
      %parallel_loop3A_614 = arith.remsi %parallel_loop3A_584, %parallel_loop3A_613 : i32
      %parallel_loop3A_615 = arith.constant 0 : i32
      %parallel_loop3A_616 = arith.cmpi ne, %parallel_loop3A_614, %parallel_loop3A_615 : i32
      %parallel_loop3A_617 = arith.constant 0 : i32
      %parallel_loop3A_618 = arith.cmpi slt, %parallel_loop3A_614, %parallel_loop3A_617 : i32
      %parallel_loop3A_619 = arith.constant 0 : i32
      %parallel_loop3A_620 = arith.cmpi slt, %parallel_loop3A_613, %parallel_loop3A_619 : i32
      %parallel_loop3A_621 = arith.xori %parallel_loop3A_618, %parallel_loop3A_620 : i1
      %parallel_loop3A_622 = arith.andi %parallel_loop3A_621, %parallel_loop3A_616 : i1
      %parallel_loop3A_623 = arith.addi %parallel_loop3A_614, %parallel_loop3A_613 : i32
      %parallel_loop3A_624 = arith.select %parallel_loop3A_622, %parallel_loop3A_623, %parallel_loop3A_614 : i32
      %parallel_loop3A_625 = arith.constant 16 : i32
      %parallel_loop3A_626 = arith.muli %parallel_loop3A_624, %parallel_loop3A_625 : i32
      %parallel_loop3A_627 = arith.constant 48 : i32
      %parallel_loop3A_628 = arith.addi %parallel_loop3A_627, %parallel_loop3A_608 : i32
      %parallel_loop3A_629 = arith.index_cast %parallel_loop3A_628 : i32 to index
      %parallel_loop3A_630 = arith.index_cast %parallel_loop3A_626 : i32 to index
      %parallel_loop3A_631 = tpu.vector_load %arg7[%parallel_loop3A_629, %parallel_loop3A_630] {strides = array<i32>} : memref<64x1024xf32, #tpu.memory_space<vmem>>, vector<1x16xf32>,
      %parallel_loop3A_632 = vector.shape_cast %parallel_loop3A_631 : vector<1x16xf32> to vector<16xf32>
      %parallel_loop3A_633 = arith.index_cast %parallel_loop3A_608 : i32 to index
      %parallel_loop3A_634 = arith.index_cast %parallel_loop3A_626 : i32 to index
      %parallel_loop3A_635 = tpu.vector_load %arg10[%parallel_loop3A_633, %parallel_loop3A_634] {strides = array<i32>} : memref<16x1024xf32, #tpu.memory_space<vmem>>, vector<1x16xf32>,
      %parallel_loop3A_636 = vector.shape_cast %parallel_loop3A_635 : vector<1x16xf32> to vector<16xf32>
      %parallel_loop3A_637 = vector.shape_cast %parallel_loop3A_632 : vector<16xf32> to vector<1x16xf32>
      tpu.vector_store %arg10[%parallel_loop3A_633, %parallel_loop3A_634], %parallel_loop3A_637 {add = true, strides = array<i32>} : memref<16x1024xf32, #tpu.memory_space<vmem>>, vector<1x16xf32>,
    } {sc.loop_unroll_factor = 8 : i64, sc.parallel_access}
    %mul3A_440 = arith.constant 64 : i32
    %mul3A_441 = arith.muli %add3A, %mul3A_440 : i32
    %add3A_442 = arith.constant 48 : i32
    %add3A_443 = arith.addi %mul3A_441, %add3A_442 : i32
    %dma_start3A_444 = arith.constant 2 : i32
    %dma_start3A_445 = arith.constant 0 : i32
    %dma_start3A_446 = tpu.memref_slice %arg5[%dma_start3A_444, %add3A_443, %dma_start3A_445] : memref<4x2048x1024xf32, #tpu.memory_space<hbm>> -> memref<1x16x1024xf32, #tpu.memory_space<hbm>>
    %dma_start3A_447 = tpu.memref_squeeze %dma_start3A_446 : memref<1x16x1024xf32, #tpu.memory_space<hbm>> -> memref<16x1024xf32, #tpu.memory_space<hbm>>
    %dma_start3A_448 = arith.constant 0 : i32
    %dma_start3A_449 = tpu.memref_slice %arg5[%dma_start3A_444, %add3A_443, %dma_start3A_448] : memref<4x2048x1024xf32, #tpu.memory_space<hbm>> -> memref<1x16x1024xf32, #tpu.memory_space<hbm>>
    %dma_start3A_450 = tpu.memref_squeeze %dma_start3A_449 : memref<1x16x1024xf32, #tpu.memory_space<hbm>> -> memref<16x1024xf32, #tpu.memory_space<hbm>>
    tpu.enqueue_dma source(%arg10 : memref<16x1024xf32, #tpu.memory_space<vmem>>) target(%dma_start3A_450 : memref<16x1024xf32, #tpu.memory_space<hbm>>) target_semaphore(%arg18 : memref<!tpu.dma_semaphore, #tpu.memory_space<semaphore_mem>>)
    %dma_wait3A_451 = arith.constant 2 : i32
    %dma_wait3A_452 = arith.constant 0 : i32
    %dma_wait3A_453 = tpu.memref_slice %arg5[%dma_wait3A_451, %add3A_412, %dma_wait3A_452] : memref<4x2048x1024xf32, #tpu.memory_space<hbm>> -> memref<1x16x1024xf32, #tpu.memory_space<hbm>>
    %dma_wait3A_454 = tpu.memref_squeeze %dma_wait3A_453 : memref<1x16x1024xf32, #tpu.memory_space<hbm>> -> memref<16x1024xf32, #tpu.memory_space<hbm>>
    %dma_wait3A_455 = arith.constant 0 : i32
    %dma_wait3A_456 = tpu.memref_slice %arg5[%dma_wait3A_451, %add3A_412, %dma_wait3A_455] : memref<4x2048x1024xf32, #tpu.memory_space<hbm>> -> memref<1x16x1024xf32, #tpu.memory_space<hbm>>
    %dma_wait3A_457 = tpu.memref_squeeze %dma_wait3A_456 : memref<1x16x1024xf32, #tpu.memory_space<hbm>> -> memref<16x1024xf32, #tpu.memory_space<hbm>>
    tpu.wait_dma2 semaphore(%arg17 : memref<!tpu.dma_semaphore, #tpu.memory_space<semaphore_mem>>) src(%arg9 : memref<16x1024xf32, #tpu.memory_space<vmem>>) dst(%dma_wait3A_457 : memref<16x1024xf32, #tpu.memory_space<hbm>>)
    %dma_start3A_458 = arith.constant 208 : i32
    %dma_start3A_459 = tpu.memref_slice %arg6[%dma_start3A_458] : memref<256xi32, #tpu.memory_space<vmem>> -> memref<16xi32, #tpu.memory_space<vmem>>
    %dma_start3A_460 = arith.constant 0 : i32
    %dma_start3A_461 = arith.constant 0 : i32
    %dma_start3A_462 = tpu.memref_slice %arg3[%dma_start3A_460, %dma_start3A_461] : memref<100000x1024xf32, #tpu.memory_space<hbm>> -> memref<100000x1024xf32, #tpu.memory_space<hbm>>
    tpu.enqueue_indirect_dma source(%dma_start3A_462 : memref<100000x1024xf32, #tpu.memory_space<hbm>>) target(%arg9 : memref<16x1024xf32, #tpu.memory_space<vmem>>) offsets(%dma_start3A_459 : memref<16xi32, #tpu.memory_space<vmem>>) semaphore(%arg14 : memref<!tpu.dma_semaphore, #tpu.memory_space<semaphore_mem>>)
    %dma_wait3A_463 = arith.constant 192 : i32
    %dma_wait3A_464 = tpu.memref_slice %arg6[%dma_wait3A_463] : memref<256xi32, #tpu.memory_space<vmem>> -> memref<16xi32, #tpu.memory_space<vmem>>
    %dma_wait3A_465 = arith.constant 0 : i32
    %dma_wait3A_466 = arith.constant 0 : i32
    %dma_wait3A_467 = tpu.memref_slice %arg3[%dma_wait3A_465, %dma_wait3A_466] : memref<100000x1024xf32, #tpu.memory_space<hbm>> -> memref<100000x1024xf32, #tpu.memory_space<hbm>>
    tpu.wait_indirect_dma semaphore(%arg13 : memref<!tpu.dma_semaphore, #tpu.memory_space<semaphore_mem>>) src(%dma_wait3A_467 : memref<100000x1024xf32, #tpu.memory_space<hbm>>) dst(%arg8 : memref<16x1024xf32, #tpu.memory_space<vmem>>)
    %parallel_loop3A_468 = arith.constant 0 : i32
    %parallel_loop3A_469 = arith.constant 1024 : i32
    %parallel_loop3A_470 = arith.constant 1 : i32
    scf.for %parallel_loop3A_584 = %parallel_loop3A_468 to %parallel_loop3A_469 step %parallel_loop3A_470  : i32 {
      %parallel_loop3A_585 = arith.constant 64 : i32
      %parallel_loop3A_586 = arith.divsi %parallel_loop3A_584, %parallel_loop3A_585 : i32
      %parallel_loop3A_587 = arith.constant 0 : i32
      %parallel_loop3A_588 = arith.cmpi sgt, %parallel_loop3A_584, %parallel_loop3A_587 : i32
      %parallel_loop3A_589 = arith.extui %parallel_loop3A_588 : i1 to i32
      %parallel_loop3A_590 = arith.constant 0 : i32
      %parallel_loop3A_591 = arith.cmpi slt, %parallel_loop3A_584, %parallel_loop3A_590 : i32
      %parallel_loop3A_592 = arith.extui %parallel_loop3A_591 : i1 to i32
      %parallel_loop3A_593 = arith.subi %parallel_loop3A_589, %parallel_loop3A_592 : i32
      %parallel_loop3A_594 = arith.constant 0 : i32
      %parallel_loop3A_595 = arith.cmpi sgt, %parallel_loop3A_585, %parallel_loop3A_594 : i32
      %parallel_loop3A_596 = arith.extui %parallel_loop3A_595 : i1 to i32
      %parallel_loop3A_597 = arith.constant 0 : i32
      %parallel_loop3A_598 = arith.cmpi slt, %parallel_loop3A_585, %parallel_loop3A_597 : i32
      %parallel_loop3A_599 = arith.extui %parallel_loop3A_598 : i1 to i32
      %parallel_loop3A_600 = arith.subi %parallel_loop3A_596, %parallel_loop3A_599 : i32
      %parallel_loop3A_601 = arith.cmpi ne, %parallel_loop3A_593, %parallel_loop3A_600 : i32
      %parallel_loop3A_602 = arith.remsi %parallel_loop3A_584, %parallel_loop3A_585 : i32
      %parallel_loop3A_603 = arith.constant 0 : i32
      %parallel_loop3A_604 = arith.cmpi ne, %parallel_loop3A_602, %parallel_loop3A_603 : i32
      %parallel_loop3A_605 = arith.andi %parallel_loop3A_601, %parallel_loop3A_604 : i1
      %parallel_loop3A_606 = arith.constant 1 : i32
      %parallel_loop3A_607 = arith.subi %parallel_loop3A_586, %parallel_loop3A_606 : i32
      %parallel_loop3A_608 = arith.select %parallel_loop3A_605, %parallel_loop3A_607, %parallel_loop3A_586 : i32
      %parallel_loop3A_609 = arith.constant 64 : i32
      %parallel_loop3A_610 = arith.constant 0 : i32
      %parallel_loop3A_611 = arith.cmpi eq, %parallel_loop3A_609, %parallel_loop3A_610 : i32
      %parallel_loop3A_612 = arith.constant 1 : i32
      %parallel_loop3A_613 = arith.select %parallel_loop3A_611, %parallel_loop3A_612, %parallel_loop3A_609 : i32
      %parallel_loop3A_614 = arith.remsi %parallel_loop3A_584, %parallel_loop3A_613 : i32
      %parallel_loop3A_615 = arith.constant 0 : i32
      %parallel_loop3A_616 = arith.cmpi ne, %parallel_loop3A_614, %parallel_loop3A_615 : i32
      %parallel_loop3A_617 = arith.constant 0 : i32
      %parallel_loop3A_618 = arith.cmpi slt, %parallel_loop3A_614, %parallel_loop3A_617 : i32
      %parallel_loop3A_619 = arith.constant 0 : i32
      %parallel_loop3A_620 = arith.cmpi slt, %parallel_loop3A_613, %parallel_loop3A_619 : i32
      %parallel_loop3A_621 = arith.xori %parallel_loop3A_618, %parallel_loop3A_620 : i1
      %parallel_loop3A_622 = arith.andi %parallel_loop3A_621, %parallel_loop3A_616 : i1
      %parallel_loop3A_623 = arith.addi %parallel_loop3A_614, %parallel_loop3A_613 : i32
      %parallel_loop3A_624 = arith.select %parallel_loop3A_622, %parallel_loop3A_623, %parallel_loop3A_614 : i32
      %parallel_loop3A_625 = arith.constant 16 : i32
      %parallel_loop3A_626 = arith.muli %parallel_loop3A_624, %parallel_loop3A_625 : i32
      %parallel_loop3A_627 = arith.constant 0 : i32
      %parallel_loop3A_628 = arith.addi %parallel_loop3A_627, %parallel_loop3A_608 : i32
      %parallel_loop3A_629 = arith.index_cast %parallel_loop3A_628 : i32 to index
      %parallel_loop3A_630 = arith.index_cast %parallel_loop3A_626 : i32 to index
      %parallel_loop3A_631 = tpu.vector_load %arg7[%parallel_loop3A_629, %parallel_loop3A_630] {strides = array<i32>} : memref<64x1024xf32, #tpu.memory_space<vmem>>, vector<1x16xf32>,
      %parallel_loop3A_632 = vector.shape_cast %parallel_loop3A_631 : vector<1x16xf32> to vector<16xf32>
      %parallel_loop3A_633 = arith.index_cast %parallel_loop3A_608 : i32 to index
      %parallel_loop3A_634 = arith.index_cast %parallel_loop3A_626 : i32 to index
      %parallel_loop3A_635 = tpu.vector_load %arg8[%parallel_loop3A_633, %parallel_loop3A_634] {strides = array<i32>} : memref<16x1024xf32, #tpu.memory_space<vmem>>, vector<1x16xf32>,
      %parallel_loop3A_636 = vector.shape_cast %parallel_loop3A_635 : vector<1x16xf32> to vector<16xf32>
      %parallel_loop3A_637 = vector.shape_cast %parallel_loop3A_632 : vector<16xf32> to vector<1x16xf32>
      tpu.vector_store %arg8[%parallel_loop3A_633, %parallel_loop3A_634], %parallel_loop3A_637 {add = true, strides = array<i32>} : memref<16x1024xf32, #tpu.memory_space<vmem>>, vector<1x16xf32>,
    } {sc.loop_unroll_factor = 8 : i64, sc.parallel_access}
    %mul3A_471 = arith.constant 64 : i32
    %mul3A_472 = arith.muli %add3A, %mul3A_471 : i32
    %add3A_473 = arith.constant 0 : i32
    %add3A_474 = arith.addi %mul3A_472, %add3A_473 : i32
    %dma_start3A_475 = arith.constant 3 : i32
    %dma_start3A_476 = arith.constant 0 : i32
    %dma_start3A_477 = tpu.memref_slice %arg5[%dma_start3A_475, %add3A_474, %dma_start3A_476] : memref<4x2048x1024xf32, #tpu.memory_space<hbm>> -> memref<1x16x1024xf32, #tpu.memory_space<hbm>>
    %dma_start3A_478 = tpu.memref_squeeze %dma_start3A_477 : memref<1x16x1024xf32, #tpu.memory_space<hbm>> -> memref<16x1024xf32, #tpu.memory_space<hbm>>
    %dma_start3A_479 = arith.constant 0 : i32
    %dma_start3A_480 = tpu.memref_slice %arg5[%dma_start3A_475, %add3A_474, %dma_start3A_479] : memref<4x2048x1024xf32, #tpu.memory_space<hbm>> -> memref<1x16x1024xf32, #tpu.memory_space<hbm>>
    %dma_start3A_481 = tpu.memref_squeeze %dma_start3A_480 : memref<1x16x1024xf32, #tpu.memory_space<hbm>> -> memref<16x1024xf32, #tpu.memory_space<hbm>>
    tpu.enqueue_dma source(%arg8 : memref<16x1024xf32, #tpu.memory_space<vmem>>) target(%dma_start3A_481 : memref<16x1024xf32, #tpu.memory_space<hbm>>) target_semaphore(%arg16 : memref<!tpu.dma_semaphore, #tpu.memory_space<semaphore_mem>>)
    %dma_wait3A_482 = arith.constant 2 : i32
    %dma_wait3A_483 = arith.constant 0 : i32
    %dma_wait3A_484 = tpu.memref_slice %arg5[%dma_wait3A_482, %add3A_443, %dma_wait3A_483] : memref<4x2048x1024xf32, #tpu.memory_space<hbm>> -> memref<1x16x1024xf32, #tpu.memory_space<hbm>>
    %dma_wait3A_485 = tpu.memref_squeeze %dma_wait3A_484 : memref<1x16x1024xf32, #tpu.memory_space<hbm>> -> memref<16x1024xf32, #tpu.memory_space<hbm>>
    %dma_wait3A_486 = arith.constant 0 : i32
    %dma_wait3A_487 = tpu.memref_slice %arg5[%dma_wait3A_482, %add3A_443, %dma_wait3A_486] : memref<4x2048x1024xf32, #tpu.memory_space<hbm>> -> memref<1x16x1024xf32, #tpu.memory_space<hbm>>
    %dma_wait3A_488 = tpu.memref_squeeze %dma_wait3A_487 : memref<1x16x1024xf32, #tpu.memory_space<hbm>> -> memref<16x1024xf32, #tpu.memory_space<hbm>>
    tpu.wait_dma2 semaphore(%arg18 : memref<!tpu.dma_semaphore, #tpu.memory_space<semaphore_mem>>) src(%arg10 : memref<16x1024xf32, #tpu.memory_space<vmem>>) dst(%dma_wait3A_488 : memref<16x1024xf32, #tpu.memory_space<hbm>>)
    %dma_start3A_489 = arith.constant 224 : i32
    %dma_start3A_490 = tpu.memref_slice %arg6[%dma_start3A_489] : memref<256xi32, #tpu.memory_space<vmem>> -> memref<16xi32, #tpu.memory_space<vmem>>
    %dma_start3A_491 = arith.constant 0 : i32
    %dma_start3A_492 = arith.constant 0 : i32
    %dma_start3A_493 = tpu.memref_slice %arg3[%dma_start3A_491, %dma_start3A_492] : memref<100000x1024xf32, #tpu.memory_space<hbm>> -> memref<100000x1024xf32, #tpu.memory_space<hbm>>
    tpu.enqueue_indirect_dma source(%dma_start3A_493 : memref<100000x1024xf32, #tpu.memory_space<hbm>>) target(%arg10 : memref<16x1024xf32, #tpu.memory_space<vmem>>) offsets(%dma_start3A_490 : memref<16xi32, #tpu.memory_space<vmem>>) semaphore(%arg15 : memref<!tpu.dma_semaphore, #tpu.memory_space<semaphore_mem>>)
    %dma_wait3A_494 = arith.constant 208 : i32
    %dma_wait3A_495 = tpu.memref_slice %arg6[%dma_wait3A_494] : memref<256xi32, #tpu.memory_space<vmem>> -> memref<16xi32, #tpu.memory_space<vmem>>
    %dma_wait3A_496 = arith.constant 0 : i32
    %dma_wait3A_497 = arith.constant 0 : i32
    %dma_wait3A_498 = tpu.memref_slice %arg3[%dma_wait3A_496, %dma_wait3A_497] : memref<100000x1024xf32, #tpu.memory_space<hbm>> -> memref<100000x1024xf32, #tpu.memory_space<hbm>>
    tpu.wait_indirect_dma semaphore(%arg14 : memref<!tpu.dma_semaphore, #tpu.memory_space<semaphore_mem>>) src(%dma_wait3A_498 : memref<100000x1024xf32, #tpu.memory_space<hbm>>) dst(%arg9 : memref<16x1024xf32, #tpu.memory_space<vmem>>)
    %parallel_loop3A_499 = arith.constant 0 : i32
    %parallel_loop3A_500 = arith.constant 1024 : i32
    %parallel_loop3A_501 = arith.constant 1 : i32
    scf.for %parallel_loop3A_584 = %parallel_loop3A_499 to %parallel_loop3A_500 step %parallel_loop3A_501  : i32 {
      %parallel_loop3A_585 = arith.constant 64 : i32
      %parallel_loop3A_586 = arith.divsi %parallel_loop3A_584, %parallel_loop3A_585 : i32
      %parallel_loop3A_587 = arith.constant 0 : i32
      %parallel_loop3A_588 = arith.cmpi sgt, %parallel_loop3A_584, %parallel_loop3A_587 : i32
      %parallel_loop3A_589 = arith.extui %parallel_loop3A_588 : i1 to i32
      %parallel_loop3A_590 = arith.constant 0 : i32
      %parallel_loop3A_591 = arith.cmpi slt, %parallel_loop3A_584, %parallel_loop3A_590 : i32
      %parallel_loop3A_592 = arith.extui %parallel_loop3A_591 : i1 to i32
      %parallel_loop3A_593 = arith.subi %parallel_loop3A_589, %parallel_loop3A_592 : i32
      %parallel_loop3A_594 = arith.constant 0 : i32
      %parallel_loop3A_595 = arith.cmpi sgt, %parallel_loop3A_585, %parallel_loop3A_594 : i32
      %parallel_loop3A_596 = arith.extui %parallel_loop3A_595 : i1 to i32
      %parallel_loop3A_597 = arith.constant 0 : i32
      %parallel_loop3A_598 = arith.cmpi slt, %parallel_loop3A_585, %parallel_loop3A_597 : i32
      %parallel_loop3A_599 = arith.extui %parallel_loop3A_598 : i1 to i32
      %parallel_loop3A_600 = arith.subi %parallel_loop3A_596, %parallel_loop3A_599 : i32
      %parallel_loop3A_601 = arith.cmpi ne, %parallel_loop3A_593, %parallel_loop3A_600 : i32
      %parallel_loop3A_602 = arith.remsi %parallel_loop3A_584, %parallel_loop3A_585 : i32
      %parallel_loop3A_603 = arith.constant 0 : i32
      %parallel_loop3A_604 = arith.cmpi ne, %parallel_loop3A_602, %parallel_loop3A_603 : i32
      %parallel_loop3A_605 = arith.andi %parallel_loop3A_601, %parallel_loop3A_604 : i1
      %parallel_loop3A_606 = arith.constant 1 : i32
      %parallel_loop3A_607 = arith.subi %parallel_loop3A_586, %parallel_loop3A_606 : i32
      %parallel_loop3A_608 = arith.select %parallel_loop3A_605, %parallel_loop3A_607, %parallel_loop3A_586 : i32
      %parallel_loop3A_609 = arith.constant 64 : i32
      %parallel_loop3A_610 = arith.constant 0 : i32
      %parallel_loop3A_611 = arith.cmpi eq, %parallel_loop3A_609, %parallel_loop3A_610 : i32
      %parallel_loop3A_612 = arith.constant 1 : i32
      %parallel_loop3A_613 = arith.select %parallel_loop3A_611, %parallel_loop3A_612, %parallel_loop3A_609 : i32
      %parallel_loop3A_614 = arith.remsi %parallel_loop3A_584, %parallel_loop3A_613 : i32
      %parallel_loop3A_615 = arith.constant 0 : i32
      %parallel_loop3A_616 = arith.cmpi ne, %parallel_loop3A_614, %parallel_loop3A_615 : i32
      %parallel_loop3A_617 = arith.constant 0 : i32
      %parallel_loop3A_618 = arith.cmpi slt, %parallel_loop3A_614, %parallel_loop3A_617 : i32
      %parallel_loop3A_619 = arith.constant 0 : i32
      %parallel_loop3A_620 = arith.cmpi slt, %parallel_loop3A_613, %parallel_loop3A_619 : i32
      %parallel_loop3A_621 = arith.xori %parallel_loop3A_618, %parallel_loop3A_620 : i1
      %parallel_loop3A_622 = arith.andi %parallel_loop3A_621, %parallel_loop3A_616 : i1
      %parallel_loop3A_623 = arith.addi %parallel_loop3A_614, %parallel_loop3A_613 : i32
      %parallel_loop3A_624 = arith.select %parallel_loop3A_622, %parallel_loop3A_623, %parallel_loop3A_614 : i32
      %parallel_loop3A_625 = arith.constant 16 : i32
      %parallel_loop3A_626 = arith.muli %parallel_loop3A_624, %parallel_loop3A_625 : i32
      %parallel_loop3A_627 = arith.constant 16 : i32
      %parallel_loop3A_628 = arith.addi %parallel_loop3A_627, %parallel_loop3A_608 : i32
      %parallel_loop3A_629 = arith.index_cast %parallel_loop3A_628 : i32 to index
      %parallel_loop3A_630 = arith.index_cast %parallel_loop3A_626 : i32 to index
      %parallel_loop3A_631 = tpu.vector_load %arg7[%parallel_loop3A_629, %parallel_loop3A_630] {strides = array<i32>} : memref<64x1024xf32, #tpu.memory_space<vmem>>, vector<1x16xf32>,
      %parallel_loop3A_632 = vector.shape_cast %parallel_loop3A_631 : vector<1x16xf32> to vector<16xf32>
      %parallel_loop3A_633 = arith.index_cast %parallel_loop3A_608 : i32 to index
      %parallel_loop3A_634 = arith.index_cast %parallel_loop3A_626 : i32 to index
      %parallel_loop3A_635 = tpu.vector_load %arg9[%parallel_loop3A_633, %parallel_loop3A_634] {strides = array<i32>} : memref<16x1024xf32, #tpu.memory_space<vmem>>, vector<1x16xf32>,
      %parallel_loop3A_636 = vector.shape_cast %parallel_loop3A_635 : vector<1x16xf32> to vector<16xf32>
      %parallel_loop3A_637 = vector.shape_cast %parallel_loop3A_632 : vector<16xf32> to vector<1x16xf32>
      tpu.vector_store %arg9[%parallel_loop3A_633, %parallel_loop3A_634], %parallel_loop3A_637 {add = true, strides = array<i32>} : memref<16x1024xf32, #tpu.memory_space<vmem>>, vector<1x16xf32>,
    } {sc.loop_unroll_factor = 8 : i64, sc.parallel_access}
    %mul3A_502 = arith.constant 64 : i32
    %mul3A_503 = arith.muli %add3A, %mul3A_502 : i32
    %add3A_504 = arith.constant 16 : i32
    %add3A_505 = arith.addi %mul3A_503, %add3A_504 : i32
    %dma_start3A_506 = arith.constant 3 : i32
    %dma_start3A_507 = arith.constant 0 : i32
    %dma_start3A_508 = tpu.memref_slice %arg5[%dma_start3A_506, %add3A_505, %dma_start3A_507] : memref<4x2048x1024xf32, #tpu.memory_space<hbm>> -> memref<1x16x1024xf32, #tpu.memory_space<hbm>>
    %dma_start3A_509 = tpu.memref_squeeze %dma_start3A_508 : memref<1x16x1024xf32, #tpu.memory_space<hbm>> -> memref<16x1024xf32, #tpu.memory_space<hbm>>
    %dma_start3A_510 = arith.constant 0 : i32
    %dma_start3A_511 = tpu.memref_slice %arg5[%dma_start3A_506, %add3A_505, %dma_start3A_510] : memref<4x2048x1024xf32, #tpu.memory_space<hbm>> -> memref<1x16x1024xf32, #tpu.memory_space<hbm>>
    %dma_start3A_512 = tpu.memref_squeeze %dma_start3A_511 : memref<1x16x1024xf32, #tpu.memory_space<hbm>> -> memref<16x1024xf32, #tpu.memory_space<hbm>>
    tpu.enqueue_dma source(%arg9 : memref<16x1024xf32, #tpu.memory_space<vmem>>) target(%dma_start3A_512 : memref<16x1024xf32, #tpu.memory_space<hbm>>) target_semaphore(%arg17 : memref<!tpu.dma_semaphore, #tpu.memory_space<semaphore_mem>>)
    %dma_wait3A_513 = arith.constant 3 : i32
    %dma_wait3A_514 = arith.constant 0 : i32
    %dma_wait3A_515 = tpu.memref_slice %arg5[%dma_wait3A_513, %add3A_474, %dma_wait3A_514] : memref<4x2048x1024xf32, #tpu.memory_space<hbm>> -> memref<1x16x1024xf32, #tpu.memory_space<hbm>>
    %dma_wait3A_516 = tpu.memref_squeeze %dma_wait3A_515 : memref<1x16x1024xf32, #tpu.memory_space<hbm>> -> memref<16x1024xf32, #tpu.memory_space<hbm>>
    %dma_wait3A_517 = arith.constant 0 : i32
    %dma_wait3A_518 = tpu.memref_slice %arg5[%dma_wait3A_513, %add3A_474, %dma_wait3A_517] : memref<4x2048x1024xf32, #tpu.memory_space<hbm>> -> memref<1x16x1024xf32, #tpu.memory_space<hbm>>
    %dma_wait3A_519 = tpu.memref_squeeze %dma_wait3A_518 : memref<1x16x1024xf32, #tpu.memory_space<hbm>> -> memref<16x1024xf32, #tpu.memory_space<hbm>>
    tpu.wait_dma2 semaphore(%arg16 : memref<!tpu.dma_semaphore, #tpu.memory_space<semaphore_mem>>) src(%arg8 : memref<16x1024xf32, #tpu.memory_space<vmem>>) dst(%dma_wait3A_519 : memref<16x1024xf32, #tpu.memory_space<hbm>>)
    %dma_start3A_520 = arith.constant 240 : i32
    %dma_start3A_521 = tpu.memref_slice %arg6[%dma_start3A_520] : memref<256xi32, #tpu.memory_space<vmem>> -> memref<16xi32, #tpu.memory_space<vmem>>
    %dma_start3A_522 = arith.constant 0 : i32
    %dma_start3A_523 = arith.constant 0 : i32
    %dma_start3A_524 = tpu.memref_slice %arg3[%dma_start3A_522, %dma_start3A_523] : memref<100000x1024xf32, #tpu.memory_space<hbm>> -> memref<100000x1024xf32, #tpu.memory_space<hbm>>
    tpu.enqueue_indirect_dma source(%dma_start3A_524 : memref<100000x1024xf32, #tpu.memory_space<hbm>>) target(%arg8 : memref<16x1024xf32, #tpu.memory_space<vmem>>) offsets(%dma_start3A_521 : memref<16xi32, #tpu.memory_space<vmem>>) semaphore(%arg13 : memref<!tpu.dma_semaphore, #tpu.memory_space<semaphore_mem>>)
    %dma_wait3A_525 = arith.constant 224 : i32
    %dma_wait3A_526 = tpu.memref_slice %arg6[%dma_wait3A_525] : memref<256xi32, #tpu.memory_space<vmem>> -> memref<16xi32, #tpu.memory_space<vmem>>
    %dma_wait3A_527 = arith.constant 0 : i32
    %dma_wait3A_528 = arith.constant 0 : i32
    %dma_wait3A_529 = tpu.memref_slice %arg3[%dma_wait3A_527, %dma_wait3A_528] : memref<100000x1024xf32, #tpu.memory_space<hbm>> -> memref<100000x1024xf32, #tpu.memory_space<hbm>>
    tpu.wait_indirect_dma semaphore(%arg15 : memref<!tpu.dma_semaphore, #tpu.memory_space<semaphore_mem>>) src(%dma_wait3A_529 : memref<100000x1024xf32, #tpu.memory_space<hbm>>) dst(%arg10 : memref<16x1024xf32, #tpu.memory_space<vmem>>)
    %parallel_loop3A_530 = arith.constant 0 : i32
    %parallel_loop3A_531 = arith.constant 1024 : i32
    %parallel_loop3A_532 = arith.constant 1 : i32
    scf.for %parallel_loop3A_584 = %parallel_loop3A_530 to %parallel_loop3A_531 step %parallel_loop3A_532  : i32 {
      %parallel_loop3A_585 = arith.constant 64 : i32
      %parallel_loop3A_586 = arith.divsi %parallel_loop3A_584, %parallel_loop3A_585 : i32
      %parallel_loop3A_587 = arith.constant 0 : i32
      %parallel_loop3A_588 = arith.cmpi sgt, %parallel_loop3A_584, %parallel_loop3A_587 : i32
      %parallel_loop3A_589 = arith.extui %parallel_loop3A_588 : i1 to i32
      %parallel_loop3A_590 = arith.constant 0 : i32
      %parallel_loop3A_591 = arith.cmpi slt, %parallel_loop3A_584, %parallel_loop3A_590 : i32
      %parallel_loop3A_592 = arith.extui %parallel_loop3A_591 : i1 to i32
      %parallel_loop3A_593 = arith.subi %parallel_loop3A_589, %parallel_loop3A_592 : i32
      %parallel_loop3A_594 = arith.constant 0 : i32
      %parallel_loop3A_595 = arith.cmpi sgt, %parallel_loop3A_585, %parallel_loop3A_594 : i32
      %parallel_loop3A_596 = arith.extui %parallel_loop3A_595 : i1 to i32
      %parallel_loop3A_597 = arith.constant 0 : i32
      %parallel_loop3A_598 = arith.cmpi slt, %parallel_loop3A_585, %parallel_loop3A_597 : i32
      %parallel_loop3A_599 = arith.extui %parallel_loop3A_598 : i1 to i32
      %parallel_loop3A_600 = arith.subi %parallel_loop3A_596, %parallel_loop3A_599 : i32
      %parallel_loop3A_601 = arith.cmpi ne, %parallel_loop3A_593, %parallel_loop3A_600 : i32
      %parallel_loop3A_602 = arith.remsi %parallel_loop3A_584, %parallel_loop3A_585 : i32
      %parallel_loop3A_603 = arith.constant 0 : i32
      %parallel_loop3A_604 = arith.cmpi ne, %parallel_loop3A_602, %parallel_loop3A_603 : i32
      %parallel_loop3A_605 = arith.andi %parallel_loop3A_601, %parallel_loop3A_604 : i1
      %parallel_loop3A_606 = arith.constant 1 : i32
      %parallel_loop3A_607 = arith.subi %parallel_loop3A_586, %parallel_loop3A_606 : i32
      %parallel_loop3A_608 = arith.select %parallel_loop3A_605, %parallel_loop3A_607, %parallel_loop3A_586 : i32
      %parallel_loop3A_609 = arith.constant 64 : i32
      %parallel_loop3A_610 = arith.constant 0 : i32
      %parallel_loop3A_611 = arith.cmpi eq, %parallel_loop3A_609, %parallel_loop3A_610 : i32
      %parallel_loop3A_612 = arith.constant 1 : i32
      %parallel_loop3A_613 = arith.select %parallel_loop3A_611, %parallel_loop3A_612, %parallel_loop3A_609 : i32
      %parallel_loop3A_614 = arith.remsi %parallel_loop3A_584, %parallel_loop3A_613 : i32
      %parallel_loop3A_615 = arith.constant 0 : i32
      %parallel_loop3A_616 = arith.cmpi ne, %parallel_loop3A_614, %parallel_loop3A_615 : i32
      %parallel_loop3A_617 = arith.constant 0 : i32
      %parallel_loop3A_618 = arith.cmpi slt, %parallel_loop3A_614, %parallel_loop3A_617 : i32
      %parallel_loop3A_619 = arith.constant 0 : i32
      %parallel_loop3A_620 = arith.cmpi slt, %parallel_loop3A_613, %parallel_loop3A_619 : i32
      %parallel_loop3A_621 = arith.xori %parallel_loop3A_618, %parallel_loop3A_620 : i1
      %parallel_loop3A_622 = arith.andi %parallel_loop3A_621, %parallel_loop3A_616 : i1
      %parallel_loop3A_623 = arith.addi %parallel_loop3A_614, %parallel_loop3A_613 : i32
      %parallel_loop3A_624 = arith.select %parallel_loop3A_622, %parallel_loop3A_623, %parallel_loop3A_614 : i32
      %parallel_loop3A_625 = arith.constant 16 : i32
      %parallel_loop3A_626 = arith.muli %parallel_loop3A_624, %parallel_loop3A_625 : i32
      %parallel_loop3A_627 = arith.constant 32 : i32
      %parallel_loop3A_628 = arith.addi %parallel_loop3A_627, %parallel_loop3A_608 : i32
      %parallel_loop3A_629 = arith.index_cast %parallel_loop3A_628 : i32 to index
      %parallel_loop3A_630 = arith.index_cast %parallel_loop3A_626 : i32 to index
      %parallel_loop3A_631 = tpu.vector_load %arg7[%parallel_loop3A_629, %parallel_loop3A_630] {strides = array<i32>} : memref<64x1024xf32, #tpu.memory_space<vmem>>, vector<1x16xf32>,
      %parallel_loop3A_632 = vector.shape_cast %parallel_loop3A_631 : vector<1x16xf32> to vector<16xf32>
      %parallel_loop3A_633 = arith.index_cast %parallel_loop3A_608 : i32 to index
      %parallel_loop3A_634 = arith.index_cast %parallel_loop3A_626 : i32 to index
      %parallel_loop3A_635 = tpu.vector_load %arg10[%parallel_loop3A_633, %parallel_loop3A_634] {strides = array<i32>} : memref<16x1024xf32, #tpu.memory_space<vmem>>, vector<1x16xf32>,
      %parallel_loop3A_636 = vector.shape_cast %parallel_loop3A_635 : vector<1x16xf32> to vector<16xf32>
      %parallel_loop3A_637 = vector.shape_cast %parallel_loop3A_632 : vector<16xf32> to vector<1x16xf32>
      tpu.vector_store %arg10[%parallel_loop3A_633, %parallel_loop3A_634], %parallel_loop3A_637 {add = true, strides = array<i32>} : memref<16x1024xf32, #tpu.memory_space<vmem>>, vector<1x16xf32>,
    } {sc.loop_unroll_factor = 8 : i64, sc.parallel_access}
    %mul3A_533 = arith.constant 64 : i32
    %mul3A_534 = arith.muli %add3A, %mul3A_533 : i32
    %add3A_535 = arith.constant 32 : i32
    %add3A_536 = arith.addi %mul3A_534, %add3A_535 : i32
    %dma_start3A_537 = arith.constant 3 : i32
    %dma_start3A_538 = arith.constant 0 : i32
    %dma_start3A_539 = tpu.memref_slice %arg5[%dma_start3A_537, %add3A_536, %dma_start3A_538] : memref<4x2048x1024xf32, #tpu.memory_space<hbm>> -> memref<1x16x1024xf32, #tpu.memory_space<hbm>>
    %dma_start3A_540 = tpu.memref_squeeze %dma_start3A_539 : memref<1x16x1024xf32, #tpu.memory_space<hbm>> -> memref<16x1024xf32, #tpu.memory_space<hbm>>
    %dma_start3A_541 = arith.constant 0 : i32
    %dma_start3A_542 = tpu.memref_slice %arg5[%dma_start3A_537, %add3A_536, %dma_start3A_541] : memref<4x2048x1024xf32, #tpu.memory_space<hbm>> -> memref<1x16x1024xf32, #tpu.memory_space<hbm>>
    %dma_start3A_543 = tpu.memref_squeeze %dma_start3A_542 : memref<1x16x1024xf32, #tpu.memory_space<hbm>> -> memref<16x1024xf32, #tpu.memory_space<hbm>>
    tpu.enqueue_dma source(%arg10 : memref<16x1024xf32, #tpu.memory_space<vmem>>) target(%dma_start3A_543 : memref<16x1024xf32, #tpu.memory_space<hbm>>) target_semaphore(%arg18 : memref<!tpu.dma_semaphore, #tpu.memory_space<semaphore_mem>>)
    %dma_wait3A_544 = arith.constant 240 : i32
    %dma_wait3A_545 = tpu.memref_slice %arg6[%dma_wait3A_544] : memref<256xi32, #tpu.memory_space<vmem>> -> memref<16xi32, #tpu.memory_space<vmem>>
    %dma_wait3A_546 = arith.constant 0 : i32
    %dma_wait3A_547 = arith.constant 0 : i32
    %dma_wait3A_548 = tpu.memref_slice %arg3[%dma_wait3A_546, %dma_wait3A_547] : memref<100000x1024xf32, #tpu.memory_space<hbm>> -> memref<100000x1024xf32, #tpu.memory_space<hbm>>
    tpu.wait_indirect_dma semaphore(%arg13 : memref<!tpu.dma_semaphore, #tpu.memory_space<semaphore_mem>>) src(%dma_wait3A_548 : memref<100000x1024xf32, #tpu.memory_space<hbm>>) dst(%arg8 : memref<16x1024xf32, #tpu.memory_space<vmem>>)
    %parallel_loop3A_549 = arith.constant 0 : i32
    %parallel_loop3A_550 = arith.constant 1024 : i32
    %parallel_loop3A_551 = arith.constant 1 : i32
    scf.for %parallel_loop3A_584 = %parallel_loop3A_549 to %parallel_loop3A_550 step %parallel_loop3A_551  : i32 {
      %parallel_loop3A_585 = arith.constant 64 : i32
      %parallel_loop3A_586 = arith.divsi %parallel_loop3A_584, %parallel_loop3A_585 : i32
      %parallel_loop3A_587 = arith.constant 0 : i32
      %parallel_loop3A_588 = arith.cmpi sgt, %parallel_loop3A_584, %parallel_loop3A_587 : i32
      %parallel_loop3A_589 = arith.extui %parallel_loop3A_588 : i1 to i32
      %parallel_loop3A_590 = arith.constant 0 : i32
      %parallel_loop3A_591 = arith.cmpi slt, %parallel_loop3A_584, %parallel_loop3A_590 : i32
      %parallel_loop3A_592 = arith.extui %parallel_loop3A_591 : i1 to i32
      %parallel_loop3A_593 = arith.subi %parallel_loop3A_589, %parallel_loop3A_592 : i32
      %parallel_loop3A_594 = arith.constant 0 : i32
      %parallel_loop3A_595 = arith.cmpi sgt, %parallel_loop3A_585, %parallel_loop3A_594 : i32
      %parallel_loop3A_596 = arith.extui %parallel_loop3A_595 : i1 to i32
      %parallel_loop3A_597 = arith.constant 0 : i32
      %parallel_loop3A_598 = arith.cmpi slt, %parallel_loop3A_585, %parallel_loop3A_597 : i32
      %parallel_loop3A_599 = arith.extui %parallel_loop3A_598 : i1 to i32
      %parallel_loop3A_600 = arith.subi %parallel_loop3A_596, %parallel_loop3A_599 : i32
      %parallel_loop3A_601 = arith.cmpi ne, %parallel_loop3A_593, %parallel_loop3A_600 : i32
      %parallel_loop3A_602 = arith.remsi %parallel_loop3A_584, %parallel_loop3A_585 : i32
      %parallel_loop3A_603 = arith.constant 0 : i32
      %parallel_loop3A_604 = arith.cmpi ne, %parallel_loop3A_602, %parallel_loop3A_603 : i32
      %parallel_loop3A_605 = arith.andi %parallel_loop3A_601, %parallel_loop3A_604 : i1
      %parallel_loop3A_606 = arith.constant 1 : i32
      %parallel_loop3A_607 = arith.subi %parallel_loop3A_586, %parallel_loop3A_606 : i32
      %parallel_loop3A_608 = arith.select %parallel_loop3A_605, %parallel_loop3A_607, %parallel_loop3A_586 : i32
      %parallel_loop3A_609 = arith.constant 64 : i32
      %parallel_loop3A_610 = arith.constant 0 : i32
      %parallel_loop3A_611 = arith.cmpi eq, %parallel_loop3A_609, %parallel_loop3A_610 : i32
      %parallel_loop3A_612 = arith.constant 1 : i32
      %parallel_loop3A_613 = arith.select %parallel_loop3A_611, %parallel_loop3A_612, %parallel_loop3A_609 : i32
      %parallel_loop3A_614 = arith.remsi %parallel_loop3A_584, %parallel_loop3A_613 : i32
      %parallel_loop3A_615 = arith.constant 0 : i32
      %parallel_loop3A_616 = arith.cmpi ne, %parallel_loop3A_614, %parallel_loop3A_615 : i32
      %parallel_loop3A_617 = arith.constant 0 : i32
      %parallel_loop3A_618 = arith.cmpi slt, %parallel_loop3A_614, %parallel_loop3A_617 : i32
      %parallel_loop3A_619 = arith.constant 0 : i32
      %parallel_loop3A_620 = arith.cmpi slt, %parallel_loop3A_613, %parallel_loop3A_619 : i32
      %parallel_loop3A_621 = arith.xori %parallel_loop3A_618, %parallel_loop3A_620 : i1
      %parallel_loop3A_622 = arith.andi %parallel_loop3A_621, %parallel_loop3A_616 : i1
      %parallel_loop3A_623 = arith.addi %parallel_loop3A_614, %parallel_loop3A_613 : i32
      %parallel_loop3A_624 = arith.select %parallel_loop3A_622, %parallel_loop3A_623, %parallel_loop3A_614 : i32
      %parallel_loop3A_625 = arith.constant 16 : i32
      %parallel_loop3A_626 = arith.muli %parallel_loop3A_624, %parallel_loop3A_625 : i32
      %parallel_loop3A_627 = arith.constant 48 : i32
      %parallel_loop3A_628 = arith.addi %parallel_loop3A_627, %parallel_loop3A_608 : i32
      %parallel_loop3A_629 = arith.index_cast %parallel_loop3A_628 : i32 to index
      %parallel_loop3A_630 = arith.index_cast %parallel_loop3A_626 : i32 to index
      %parallel_loop3A_631 = tpu.vector_load %arg7[%parallel_loop3A_629, %parallel_loop3A_630] {strides = array<i32>} : memref<64x1024xf32, #tpu.memory_space<vmem>>, vector<1x16xf32>,
      %parallel_loop3A_632 = vector.shape_cast %parallel_loop3A_631 : vector<1x16xf32> to vector<16xf32>
      %parallel_loop3A_633 = arith.index_cast %parallel_loop3A_608 : i32 to index
      %parallel_loop3A_634 = arith.index_cast %parallel_loop3A_626 : i32 to index
      %parallel_loop3A_635 = tpu.vector_load %arg8[%parallel_loop3A_633, %parallel_loop3A_634] {strides = array<i32>} : memref<16x1024xf32, #tpu.memory_space<vmem>>, vector<1x16xf32>,
      %parallel_loop3A_636 = vector.shape_cast %parallel_loop3A_635 : vector<1x16xf32> to vector<16xf32>
      %parallel_loop3A_637 = vector.shape_cast %parallel_loop3A_632 : vector<16xf32> to vector<1x16xf32>
      tpu.vector_store %arg8[%parallel_loop3A_633, %parallel_loop3A_634], %parallel_loop3A_637 {add = true, strides = array<i32>} : memref<16x1024xf32, #tpu.memory_space<vmem>>, vector<1x16xf32>,
    } {sc.loop_unroll_factor = 8 : i64, sc.parallel_access}
    %mul3A_552 = arith.constant 64 : i32
    %mul3A_553 = arith.muli %add3A, %mul3A_552 : i32
    %add3A_554 = arith.constant 48 : i32
    %add3A_555 = arith.addi %mul3A_553, %add3A_554 : i32
    %dma_start3A_556 = arith.constant 3 : i32
    %dma_start3A_557 = arith.constant 0 : i32
    %dma_start3A_558 = tpu.memref_slice %arg5[%dma_start3A_556, %add3A_555, %dma_start3A_557] : memref<4x2048x1024xf32, #tpu.memory_space<hbm>> -> memref<1x16x1024xf32, #tpu.memory_space<hbm>>
    %dma_start3A_559 = tpu.memref_squeeze %dma_start3A_558 : memref<1x16x1024xf32, #tpu.memory_space<hbm>> -> memref<16x1024xf32, #tpu.memory_space<hbm>>
    %dma_start3A_560 = arith.constant 0 : i32
    %dma_start3A_561 = tpu.memref_slice %arg5[%dma_start3A_556, %add3A_555, %dma_start3A_560] : memref<4x2048x1024xf32, #tpu.memory_space<hbm>> -> memref<1x16x1024xf32, #tpu.memory_space<hbm>>
    %dma_start3A_562 = tpu.memref_squeeze %dma_start3A_561 : memref<1x16x1024xf32, #tpu.memory_space<hbm>> -> memref<16x1024xf32, #tpu.memory_space<hbm>>
    tpu.enqueue_dma source(%arg8 : memref<16x1024xf32, #tpu.memory_space<vmem>>) target(%dma_start3A_562 : memref<16x1024xf32, #tpu.memory_space<hbm>>) target_semaphore(%arg16 : memref<!tpu.dma_semaphore, #tpu.memory_space<semaphore_mem>>)
    %dma_wait3A_563 = arith.constant 3 : i32
    %dma_wait3A_564 = arith.constant 0 : i32
    %dma_wait3A_565 = tpu.memref_slice %arg5[%dma_wait3A_563, %add3A_555, %dma_wait3A_564] : memref<4x2048x1024xf32, #tpu.memory_space<hbm>> -> memref<1x16x1024xf32, #tpu.memory_space<hbm>>
    %dma_wait3A_566 = tpu.memref_squeeze %dma_wait3A_565 : memref<1x16x1024xf32, #tpu.memory_space<hbm>> -> memref<16x1024xf32, #tpu.memory_space<hbm>>
    %dma_wait3A_567 = arith.constant 0 : i32
    %dma_wait3A_568 = tpu.memref_slice %arg5[%dma_wait3A_563, %add3A_555, %dma_wait3A_567] : memref<4x2048x1024xf32, #tpu.memory_space<hbm>> -> memref<1x16x1024xf32, #tpu.memory_space<hbm>>
    %dma_wait3A_569 = tpu.memref_squeeze %dma_wait3A_568 : memref<1x16x1024xf32, #tpu.memory_space<hbm>> -> memref<16x1024xf32, #tpu.memory_space<hbm>>
    tpu.wait_dma2 semaphore(%arg16 : memref<!tpu.dma_semaphore, #tpu.memory_space<semaphore_mem>>) src(%arg8 : memref<16x1024xf32, #tpu.memory_space<vmem>>) dst(%dma_wait3A_569 : memref<16x1024xf32, #tpu.memory_space<hbm>>)
    %dma_wait3A_570 = arith.constant 3 : i32
    %dma_wait3A_571 = arith.constant 0 : i32
    %dma_wait3A_572 = tpu.memref_slice %arg5[%dma_wait3A_570, %add3A_505, %dma_wait3A_571] : memref<4x2048x1024xf32, #tpu.memory_space<hbm>> -> memref<1x16x1024xf32, #tpu.memory_space<hbm>>
    %dma_wait3A_573 = tpu.memref_squeeze %dma_wait3A_572 : memref<1x16x1024xf32, #tpu.memory_space<hbm>> -> memref<16x1024xf32, #tpu.memory_space<hbm>>
    %dma_wait3A_574 = arith.constant 0 : i32
    %dma_wait3A_575 = tpu.memref_slice %arg5[%dma_wait3A_570, %add3A_505, %dma_wait3A_574] : memref<4x2048x1024xf32, #tpu.memory_space<hbm>> -> memref<1x16x1024xf32, #tpu.memory_space<hbm>>
    %dma_wait3A_576 = tpu.memref_squeeze %dma_wait3A_575 : memref<1x16x1024xf32, #tpu.memory_space<hbm>> -> memref<16x1024xf32, #tpu.memory_space<hbm>>
    tpu.wait_dma2 semaphore(%arg17 : memref<!tpu.dma_semaphore, #tpu.memory_space<semaphore_mem>>) src(%arg9 : memref<16x1024xf32, #tpu.memory_space<vmem>>) dst(%dma_wait3A_576 : memref<16x1024xf32, #tpu.memory_space<hbm>>)
    %dma_wait3A_577 = arith.constant 3 : i32
    %dma_wait3A_578 = arith.constant 0 : i32
    %dma_wait3A_579 = tpu.memref_slice %arg5[%dma_wait3A_577, %add3A_536, %dma_wait3A_578] : memref<4x2048x1024xf32, #tpu.memory_space<hbm>> -> memref<1x16x1024xf32, #tpu.memory_space<hbm>>
    %dma_wait3A_580 = tpu.memref_squeeze %dma_wait3A_579 : memref<1x16x1024xf32, #tpu.memory_space<hbm>> -> memref<16x1024xf32, #tpu.memory_space<hbm>>
    %dma_wait3A_581 = arith.constant 0 : i32
    %dma_wait3A_582 = tpu.memref_slice %arg5[%dma_wait3A_577, %add3A_536, %dma_wait3A_581] : memref<4x2048x1024xf32, #tpu.memory_space<hbm>> -> memref<1x16x1024xf32, #tpu.memory_space<hbm>>
    %dma_wait3A_583 = tpu.memref_squeeze %dma_wait3A_582 : memref<1x16x1024xf32, #tpu.memory_space<hbm>> -> memref<16x1024xf32, #tpu.memory_space<hbm>>
    tpu.wait_dma2 semaphore(%arg18 : memref<!tpu.dma_semaphore, #tpu.memory_space<semaphore_mem>>) src(%arg10 : memref<16x1024xf32, #tpu.memory_space<vmem>>) dst(%dma_wait3A_583 : memref<16x1024xf32, #tpu.memory_space<hbm>>)
    return
  }
}

</mosaic_0001>

<sc_bundles>
// kernel: _emb.3.cloned.1.call-start
scs
__scs_entry_jumppad:
0x0: {  	(pc) =	sbr.rel $0x88, $3  }
0x1: {  	(tag) =	ssettag $0x0;
	lr =	simm.s32 $0x1  }
0x2: {  	[smem:$0x3F9E] =	sst lr;
	_ =	strace $0xD0000000  }
0x3: {  	_ = 	snop  }
0x4: {  	_ = 	snop  }
0x5: {  	_ = 	snop  }
0x6: {  	_ = 	snop  }
0x7: {  	_ = 	snop  }
__scs_overlays_trampoline_lowered:
0x8: {  	[smem:$0x3FAD] =	sst s0  }
0x9: {  	[smem:$0x3FAE] =	sst s1  }
0xa: {  	[smem:$0x3FAF] =	sst s2  }
0xb: {  	[smem:$0x3FB0] =	sst s3  }
0xc: {  	[smem:$0x3FB1] =	sst s4  }
0xd: {  	[smem:$0x3FB2] =	sst s5  }
0xe: {  	[smem:$0x3FB3] =	sst s6  }
0xf: {  	[smem:$0x3FB4] =	sst s7  }
0x10: {  	[smem:$0x3FB5] =	sst s8  }
0x11: {  	[smem:$0x3FB6] =	sst s9;
	s0 =	simm.s32 @!p0 $0x0  }
0x12: {  	s1 =	sld [smem:$0x3F9C];
	s0 =	simm.s32 @p0 $0x1  }
0x13: {  	[smem:$0x3FB7] =	sst s0;
	s0 =	simm.s32 @!p1 $0x0  }
0x14: {  	s2 =	sld [smem:$0x3F9B];
	s0 =	simm.s32 @p1 $0x1  }
0x15: {  	[smem:$0x3FB8] =	sst s0;
	s0 =	simm.s32 @!p2 $0x0  }
0x16: {  	s3 =	sld [smem:$0x3FDB];
	s0 =	simm.s32 @p2 $0x1  }
0x17: {  	s4 =	simm.s32 $0x1BF5;
	[smem:$0x3FBA] =	sst s0  }
0x18: {  	s0 =	sld [smem:$0x3F9D];
	_ =	swait.ge [sflag:s4], $0x0  }
0x19: {  	s7 =	sld [smem:$0x3F9E]  }
0x1a: {  	s8 =	sadd.s32 $0xFFFFE003, lr  }
0x1b: {  	s9 =	sadd.s32 $0xFFFFFEF7, lr;
	s5 =	simm.s32 $0xFFFFFFFF;
	p2 =	slt.u32 s8, $0xFFFFF086  }
0x1c: {  	p1 =	slt.u32 s9, $0xF7A;
	s5 =	simm.s32 @!p2 $0x0  }
0x1d: {  	s5 =	simm.s32 @p1 $0x1;
	p0 =	seq.s32 s7, s2  }
0x1e: {  	s7 =	smul.u32 @!p0 $0xF7A, s2;
	p2 =	seq.s32 @!p0 s5, $0x0  }
0x1f: {  	s9 =	smul.u32 $0xF7A, s1;
	s8 =	simm.s32 @!p0 $0x1BF5;
	p2 =	por !p2, p0  }
0x20: {  	[sflag:s8] =	ssyncset.s32 @!p0 $0xFFFFF086;
	s6 =	sadd.s32 @!p0 s3, s7;
	s7 =	simm.s32 @!p0 $0x108  }
0x21: {  	s3 =	sadd.s32 s3, s9;
	s6 =	sadd.s32 @!p0 $0x88, s6;
	s7 =	simm.s32 @p2 $0x1082  }
0x22: {  	[simem:s7], [sflag:s8] =	dma.local @!p0 [hbm:s6], $0xF7A  }
0x23: {  	s9 =	sor.u32 $0xD0000000, s2;
	s6 =	simm.s32 $0x108;
	_ =	swait.ge @!p0 [sflag:s8], $0x0  }
0x24: {  	s3 =	sadd.s32 $0x88, s3;
	s6 =	simm.s32 @!p1 $0x1082;
	[sflag:s4] =	ssyncset.s32 $0xFFFFF086  }
0x25: {  	[simem:s6], [sflag:s4] =	dma.local [hbm:s3], $0xF7A  }
0x26: {  	[smem:$0x3F9E] =	sst s1;
	(tag) =	ssettag s2;
	_ =	strace s9  }
0x27: {  	s1 =	sld [smem:$0x3FAE]  }
0x28: {  	s2 =	sld [smem:$0x3FAF]  }
0x29: {  	s4 =	sld [smem:$0x3FB1]  }
0x2a: {  	p0 =	seq.s32 s5, $0x0;
	s5 =	sld [smem:$0x3FB2]  }
0x2b: {  	s6 =	sld [smem:$0x3FB3]  }
0x2c: {  	s7 =	sld [smem:$0x3FB4]  }
0x2d: {  	s3 =	simm.s32 $0x108;
	s8 =	sld [smem:$0x3FB5]  }
0x2e: {  	s3 =	simm.s32 @!p0 $0x1082;
	s9 =	sld [smem:$0x3FB6]  }
0x2f: {  	lr =	sadd.s32 s0, s3;
	s0 =	sld [smem:$0x3FAD]  }
0x30: {  	s3 =	sld [smem:$0x3FB0]  }
0x31: {  	[smem:$0x3FB9] =	sst s10  }
0x32: {  	s10 =	sld [smem:$0x3FB7];
	_ =	sdelay $0x3  }
0x33: {  	p0 =	seq.s32 s10, $0x1;
	s10 =	sld [smem:$0x3FB9];
	_ =	sdelay $0x3  }
0x34: {  	[smem:$0x3FB9] =	sst s10  }
0x35: {  	s10 =	sld [smem:$0x3FB8];
	_ =	sdelay $0x3  }
0x36: {  	p1 =	seq.s32 s10, $0x1;
	s10 =	sld [smem:$0x3FB9];
	_ =	sdelay $0x3  }
0x37: {  	[smem:$0x3FB9] =	sst s10  }
0x38: {  	s10 =	sld [smem:$0x3FBA]  }
0x39: {  	_ = 	snop;
	(pc) =	sbr.ind lr, $3  }
0x3a: {  	_ = 	snop  }
0x3b: {  	_ = 	snop  }
0x3c: {  	p2 =	seq.s32 s10, $0x1;
	s10 =	sld [smem:$0x3FB9]  }
0x3d: {  	_ =	shalt  }
0x3e: {  	_ =	shalt  }
0x3f: {  	_ =	shalt  }
0x40: {  	_ =	shalt  }
0x41: {  	_ =	shalt  }
0x42: {  	_ =	shalt  }
0x43: {  	_ =	shalt  }
0x44: {  	_ =	shalt  }
0x45: {  	_ =	shalt  }
0x46: {  	_ =	shalt  }
0x47: {  	_ =	shalt  }
0x48: {  	_ =	shalt  }
0x49: {  	_ =	shalt  }
0x4a: {  	_ =	shalt  }
0x4b: {  	_ =	shalt  }
0x4c: {  	_ =	shalt  }
0x4d: {  	_ =	shalt  }
0x4e: {  	_ =	shalt  }
0x4f: {  	_ =	shalt  }
0x50: {  	_ =	shalt  }
0x51: {  	_ =	shalt  }
0x52: {  	_ =	shalt  }
0x53: {  	_ =	shalt  }
0x54: {  	_ =	shalt  }
0x55: {  	_ =	shalt  }
0x56: {  	_ =	shalt  }
0x57: {  	_ =	shalt  }
0x58: {  	_ =	shalt  }
0x59: {  	_ =	shalt  }
0x5a: {  	_ =	shalt  }
0x5b: {  	_ =	shalt  }
0x5c: {  	_ =	shalt  }
0x5d: {  	_ =	shalt  }
0x5e: {  	_ =	shalt  }
0x5f: {  	_ =	shalt  }
0x60: {  	_ =	shalt  }
0x61: {  	_ =	shalt  }
0x62: {  	_ =	shalt  }
0x63: {  	_ =	shalt  }
0x64: {  	_ =	shalt  }
0x65: {  	_ =	shalt  }
0x66: {  	_ =	shalt  }
0x67: {  	_ =	shalt  }
0x68: {  	_ =	shalt  }
0x69: {  	_ =	shalt  }
0x6a: {  	_ =	shalt  }
0x6b: {  	_ =	shalt  }
0x6c: {  	_ =	shalt  }
0x6d: {  	_ =	shalt  }
0x6e: {  	_ =	shalt  }
0x6f: {  	_ =	shalt  }
0x70: {  	_ =	shalt  }
0x71: {  	_ =	shalt  }
0x72: {  	_ =	shalt  }
0x73: {  	_ =	shalt  }
0x74: {  	_ =	shalt  }
0x75: {  	_ =	shalt  }
0x76: {  	_ =	shalt  }
0x77: {  	_ =	shalt  }
0x78: {  	_ =	shalt  }
0x79: {  	_ =	shalt  }
0x7a: {  	_ =	shalt  }
0x7b: {  	_ =	shalt  }
0x7c: {  	_ =	shalt  }
0x7d: {  	_ =	shalt  }
0x7e: {  	_ =	shalt  }
0x7f: {  	_ =	shalt  }
0x80: {  	_ =	shalt  }
0x81: {  	_ =	shalt  }
0x82: {  	_ =	shalt  }
0x83: {  	_ =	shalt  }
0x84: {  	_ =	shalt  }
0x85: {  	_ =	shalt  }
0x86: {  	_ =	shalt  }
0x87: {  	_ =	shalt  }
.Lfunc_end0:
.L_simem_size_0:
called_computation_lowered:
.L_overlay_start_0:
0x88: {  	s2 =	sld [smem:$0x3FD9]  }
0x89: {  	s3 =	sld [smem:$0x3FFE];
	_ =	sdelay $0x1  }
0x8a: {  	s1 =	srdreg.scid  }
0x8b: {  	s0 =	sand.u32 $0x1, s1  }
0x8c: {  	s18 =	sshll.u32 s0, $0xA;
	s2 =	sadd.s32 s3, s2  }
0x8d: {  	s2 =	sadd.s32 s2, s18  }
0x8e: {  	[smem:$0x3FC5] =	sst s2  }
0x8f: {  	_ = 	snop  }
0x90: {  	s2 =	sld [smem:$0x3FC9]  }
0x91: {  	s19 =	sld [smem:$0x3FC8]  }
0x92: {  	s4 =	sld [smem:$0x3FC7]  }
0x93: {  	s5 =	sld [smem:$0x3FD0];
	(tm) =	ssettm $0x1  }
0x94: {  	s6 =	sld [smem:$0x3FFB];
	_ =	sdelay $0x3  }
0x95: {  	_ =	strace s6  }
0x96: {  	s6 =	sld [smem:$0x3FFC];
	_ =	sdelay $0x3  }
0x97: {  	_ =	strace s6  }
0x98: {  	s6 =	sld [smem:$0x3FFD];
	_ =	sdelay $0x3  }
0x99: {  	_ =	strace s6  }
0x9a: {  	_ =	strace $0x8FFFFFFF  }
0x9b: {  	s20 =	sld [smem:$0x3FDB];
	_ =	sdelay $0x1  }
0x9c: {  	s7 =	simm.s32 $_scs_section_size  }
0x9d: {  	s8 =	simm.s32 $_size__tile_overlayer_lowered;
	s9 =	simm.s32 $_tile_overlayer_lowered  }
0x9e: {  	s23 =	simm.s32 $0x1BFF;
	s22 =	sshll.u32 s9, $0x1;
	s6 =	sadd.s32 s7, s20  }
0x9f: {  	s10 =	simm.s32 $0x0;
	s21 =	sshll.u32 s8, $0x1;
	s8 =	sadd.s32 s22, s6  }
0xa0: {  	[timem:s10], [sflag:s23] =	dma.local [hbm:s8], s21  }
0xa1: {  	_ =	swait.ge [sflag:s23], s21  }
0xa2: {  	s7 =	ssub.s32 $0x0, s21;
	[sflag:s23] =	ssyncset.done $0x0  }
0xa3: {  	[sflag:s23] =	ssyncadd.s32 s7;
	_ =	sdelay $0x1  }
0xa4: {  	s24 =	simm.s32 $0x1B8B  }
0xa5: {  	_ =	swait.ge [sflag:s24], $0x1  }
0xa6: {  	[sflag:s24] =	ssyncset.done $0x0  }
0xa7: {  	s25 =	simm.s32 $0x1B8E;
	[sflag:s24] =	ssyncadd.s32 $0xFFFFFFFF  }
0xa8: {  	s26 =	simm.s32 $execute0_lowered;
	[smem:$0x3FD2] =	sst s25  }
0xa9: {  	s7 =	sshll.u32 s26, $0x1;
	_ =	strace $0x80000046;
	[dreg:$0x1] =	wrdreg $0xFFFFFFFF  }
0xaa: {  	s28 =	simm.s32 $_size_execute0_lowered;
	s6 =	sadd.s32 s6, s7;
	[dreg:$0x0] =	wrdreg $0x0  }
0xab: {  	s7 =	sshll.u32 s28, $0x1;
	[dreg:$0x2] =	wrdreg s6  }
0xac: {  	[dreg:$0x3] =	wrdreg s7  }
0xad: {  	[dreg:$0x4] =	wrdreg $0xC0  }
0xae: {  	_ =	task [dreg:s10], $0x5FFFF  }
0xaf: {  	[dreg:$0x1] =	wrdreg $0xFFFFFFFF  }
0xb0: {  	[dreg:$0x0] =	wrdreg $0x60  }
0xb1: {  	[dreg:$0x2] =	wrdreg s2  }
0xb2: {  	[dreg:$0x3] =	wrdreg s19  }
0xb3: {  	[dreg:$0x4] =	wrdreg s4  }
0xb4: {  	[dreg:$0x5] =	wrdreg s5  }
0xb5: {  	[dreg:$0x6] =	wrdreg $0x9  }
0xb6: {  	_ =	task.clear_ibuf [dreg:s10], $0x7FFFF;
	_ =	strace $0x90000046  }
0xb7: {  	s29 =	simm.s32 $0x9;
	_ =	strace $0x80000048  }
0xb8: {  	_ =	swait.ge [sflag:s29], $0x1  }
0xb9: {  	[sflag:s29] =	ssyncadd.s32 $0xFFFFFFFF  }
0xba: {  	_ =	strace $0x90000048  }
0xbb: {  	_ =	sfence  }
0xbc: {  	s30 =	sld [smem:$0x0];
	_ =	sdelay $0x2  }
0xbd: {  	s31 =	sshll.u32 s1, $0xD;
	s1 =	sshrl.u32 s1, $0x2  }
0xbe: {  	s3 =	sand.u32 $0x4000, s31;
	s1 =	sadd.s32 s1, s30  }
0xbf: {  	s0 =	sor.u32 s3, s0;
	s1 =	sshll.u32 s1, $0x11  }
0xc0: {  	s0 =	sor.u32 s1, s0  }
0xc1: {  	s0 =	sadd.s32 $0x8F2B, s0  }
0xc2: {  	[sflag:s0] =	ssyncadd.remote.s32 $0x1  }
0xc3: {  	_ =	sfence.sel $0xFFFF  }
0xc4: {  	[dreg:$0x0] =	wrdreg $0xFFFFFFFF;
	(pc) =	sbr.abs _section_cstart, $3  }
0xc5: {  	[dreg:$0x1] =	wrdreg $0xFFFFFFFF  }
0xc6: {  	_ =	task.clear_ibuf [dreg:s10], $0x2FFFF;
	_ =	strace $0x9FFFFFFF  }
0xc7: {  	(tm) =	ssettm $0x7FFFFFFF  }
tec
execute0_lowered:
.L_overlay_start_1:
0x0: {  	(tag) =	ssettag $0x1  }
0x1: {  	s0 =	rddreg [dreg:$0x0]  }
0x2: {  	s2 =	rddreg [dreg:$0x1];
	s3 =	srdreg.scid  }
0x3: {  	s1 =	rddreg [dreg:$0x2];
	s6 =	stileid.u32;
	s5 =	sand.u32 $0x1, s3  }
0x4: {  	s4 =	rddreg [dreg:$0x3];
	s6 =	sshll.u32 s6, $0x7;
	s7 =	sshll.u32 s5, $0x6  }
0x5: {  	s3 =	simm.s32 $0x0;
	s5 =	ssub.s32 $0x2, s5;
	s6 =	sor.u32 s7, s6  }
0x6: {  	s8 =	sshrl.u32 s5, $0x1;
	s9 =	sshll.u32 s6, $0x2;
	s6 =	sshll.u32 s6, $0x7  }
0x7: {  	[smem:$0x7FF] =	sst s3;
	s5 =	ssub.s32 s5, s8;
	s1 =	sadd.s32 s1, s6  }
0x8: {  	_ =	strace $0x80000047;
	s26 =	smax.u32 s5, $0x1;
	[dreg:$0x5] =	wrdreg s1  }
0x9: {  	s13 =	sadd.s32 s4, s6;
	[dreg:$0x17] =	wrdreg s26  }
0xa: {  	s14 =	sadd.s32 $0x800, s13;
	[dreg:$0xa] =	wrdreg s13  }
0xb: {  	s15 =	sadd.s32 $0x1000, s13;
	[dreg:$0xb] =	wrdreg s14  }
0xc: {  	s16 =	sadd.s32 $0x1800, s13;
	[dreg:$0xc] =	wrdreg s15  }
0xd: {  	s17 =	sadd.s32 $0x40000, s13;
	[dreg:$0xd] =	wrdreg s16  }
0xe: {  	s30 =	simm.s32 $0x2;
	s18 =	sadd.s32 $0x40800, s13;
	[dreg:$0xe] =	wrdreg s17  }
0xf: {  	s31 =	simm.s32 $0x10100;
	s19 =	sadd.s32 $0x41000, s13;
	[dreg:$0xf] =	wrdreg s18  }
0x10: {  	s10 =	sand.u32 $0x1E00, s9;
	s20 =	sadd.s32 $0x41800, s13;
	[dreg:$0x10] =	wrdreg s19  }
0x11: {  	s4 =	simm.s32 $0x11900;
	s21 =	sadd.s32 $0x80000, s13;
	[dreg:$0x11] =	wrdreg s20  }
0x12: {  	s6 =	simm.s32 $0x12100;
	s22 =	sadd.s32 $0x80800, s13;
	[dreg:$0x12] =	wrdreg s21  }
0x13: {  	s8 =	sor.u32 s7, s10;
	s23 =	sadd.s32 $0x81000, s13;
	[dreg:$0x13] =	wrdreg s22  }
0x14: {  	s7 =	sor.u32 s7, s9;
	s24 =	sadd.s32 $0x81800, s13;
	[dreg:$0x14] =	wrdreg s23  }
0x15: {  	s9 =	sadd.s32 $0x100, s2;
	s25 =	sadd.s32 $0xC0000, s13;
	[dreg:$0x15] =	wrdreg s24  }
0x16: {  	s10 =	sadd.s32 $0x200, s2;
	s28 =	sadd.s32 $0xC0800, s13;
	[dreg:$0x16] =	wrdreg s25  }
0x17: {  	s29 =	sadd.s32 $0xC1000, s13;
	s11 =	sshrl.u32 s8, $0x3;
	[dreg:$0x18] =	wrdreg s28  }
0x18: {  	s7 =	sshrl.u32 s7, $0x3;
	[dreg:$0x19] =	wrdreg s29;
	s14 =	simm.s32 $0x14100  }
0x19: {  	s22 =	simm.s32 $0x3;
	s24 =	simm.s32 $0x18100;
	s15 =	simm.s32 $0x4  }
0x1a: {  	s16 =	simm.s32 $0x6;
	s17 =	simm.s32 $0x5;
	s18 =	simm.s32 $0x7  }
0x1b: {  	s19 =	simm.s32 $0x8;
	s20 =	simm.s32 $0x0;
	s8 =	sadd.s32 s0, s11  }
0x1c: {  	s12 =	sor.u32 $0x20, s7;
	[dreg:$0x6] =	wrdreg s8;
	s8 =	sadd.s32 $0x10, s8  }
0x1d: {  	s7 =	sor.u32 $0x30, s7;
	s1 =	sadd.s32 s0, s12;
	[dreg:$0x7] =	wrdreg s8  }
0x1e: {  	v2 =	vlaneseq.u32;
	s0 =	sadd.s32 s0, s7;
	s12 =	sadd.s32 $0x300, s2;
	[dreg:$0x8] =	wrdreg s1  }
0x1f: {  	vm0 =	vmmov $0xffff;
	v1 =	vshrl.u32 v2, $0x3;
	s7 =	simm.s32 $0x12900;
	[dreg:$0x9] =	wrdreg s0;
	s0 =	sadd.s32 $0xC1800, s13  }
0x20: {  	v0 =	vand.u32 $0x7, v2;
	v2 =	vor.u32 $0x8, v2;
	v1 =	vmul.u32 $0x8, v1;
	s8 =	simm.s32 $0x13100;
	s13 =	simm.s32 $0x13900;
	[dreg:$0x1a] =	wrdreg s0  }
.LBB2_1:
0x21: {  	s0 =	rddreg [dreg:$0x5];
	s1 =	simm.s32 $0x100  }
0x22: {  	[tilespmem:s1], [sflag:$0x1] =	stream.linear.gather [hbm4b:s0+s3], $0x10000, $0x38;
	[tilespmem:$0x1C100] =	vst v63  }
0x23: {  	s1 =	rddreg [dreg:$0x6]  }
0x24: {  	[tilespmem:s3], [sflag:$0x2] =	stream.linear.gather [hbm4b:s1+s3], $0x40, $0x38;
	[tilespmem:$0x1C100] =	vst v63  }
0x25: {  	s5 =	rddreg [dreg:$0x7];
	s11 =	simm.s32 $0x40  }
0x26: {  	[tilespmem:s11], [sflag:$0x2] =	stream.linear.gather [hbm4b:s5+s3], $0x40, $0x38;
	[tilespmem:$0x1C100] =	vst v63  }
0x27: {  	s21 =	rddreg [dreg:$0x8];
	s23 =	simm.s32 $0x80  }
0x28: {  	[tilespmem:s23], [sflag:$0x2] =	stream.linear.gather [hbm4b:s21+s3], $0x40, $0x38;
	[tilespmem:$0x1C100] =	vst v63  }
0x29: {  	s25 =	rddreg [dreg:$0x9];
	s26 =	simm.s32 $0xC0  }
0x2a: {  	[tilespmem:s26], [sflag:$0x2] =	stream.linear.gather [hbm4b:s25+s3], $0x40, $0x38;
	[tilespmem:$0x1C100] =	vst v63  }
0x2b: {  	_ =	swait.ge [sflag:s30], $0x40  }
0x2c: {  	[sflag:s30] =	ssyncset.done $0x0  }
0x2d: {  	[sflag:s30] =	ssyncadd.s32 $0xFFFFFFC0  }
0x2e: {  	_ =	swait.ge [sflag:s30], $0x40  }
0x2f: {  	[sflag:s30] =	ssyncset.done $0x0  }
0x30: {  	[sflag:s30] =	ssyncadd.s32 $0xFFFFFFC0  }
0x31: {  	_ =	swait.ge [sflag:s30], $0x40  }
0x32: {  	[sflag:s30] =	ssyncset.done $0x0  }
0x33: {  	[sflag:s30] =	ssyncadd.s32 $0xFFFFFFC0  }
0x34: {  	_ =	swait.ge [sflag:s30], $0x40  }
0x35: {  	[sflag:s30] =	ssyncset.done $0x0  }
0x36: {  	[sflag:s30] =	ssyncadd.s32 $0xFFFFFFC0  }
0x37: {  	v3 =	vld [tilespmem:$0x0];
	_ =	sdelay $0x4  }
0x38: {  	v4 =	vshll.u32 v3, $0x3  }
0x39: {  	v3 =	vand.u32 $0x7, v3;
	v4 =	vand.u32 $0xFFFFFFC0, v4  }
0x3a: {  	v3 =	vor.u32 v3, v4  }
0x3b: {  	v4 =	vperm.xlane v3, v0;
	_ =	sdelay $0x1  }
0x3c: {  	v4 =	vadd.s32 v1, v4;
	_ =	sdelay $0x4  }
0x3d: {  	[tilespmem:s31], [sflag:$0x3] =	stream.indirect_vreg.gather [hbm4b:s2+s3], $0x80, v4, vm0, $0xb8;
	[tilespmem:$0x1C100] =	vst v63  }
0x3e: {  	s28 =	simm.s32 $0x10900;
	v3 =	vperm.xlane v3, v2  }
0x3f: {  	[tilespmem:s28], [sflag:$0x3] =	stream.indirect_vreg.gather [hbm4b:s9+s3], $0x80, v4, vm0, $0xb8;
	[tilespmem:$0x1C100] =	vst v63  }
0x40: {  	s29 =	simm.s32 $0x11100;
	v3 =	vadd.s32 v1, v3  }
0x41: {  	[tilespmem:s29], [sflag:$0x3] =	stream.indirect_vreg.gather [hbm4b:s10+s3], $0x80, v4, vm0, $0xb8;
	[tilespmem:$0x1C100] =	vst v63  }
0x42: {  	_ = 	snop  }
0x43: {  	[tilespmem:s4], [sflag:$0x3] =	stream.indirect_vreg.gather [hbm4b:s12+s3], $0x80, v4, vm0, $0xb8;
	[tilespmem:$0x1C100] =	vst v63  }
0x44: {  	_ = 	snop  }
0x45: {  	[tilespmem:s6], [sflag:$0x3] =	stream.indirect_vreg.gather [hbm4b:s2+s3], $0x80, v3, vm0, $0xb8;
	[tilespmem:$0x1C100] =	vst v63  }
0x46: {  	_ = 	snop  }
0x47: {  	[tilespmem:s7], [sflag:$0x3] =	stream.indirect_vreg.gather [hbm4b:s9+s3], $0x80, v3, vm0, $0xb8;
	[tilespmem:$0x1C100] =	vst v63  }
0x48: {  	_ = 	snop  }
0x49: {  	[tilespmem:s8], [sflag:$0x3] =	stream.indirect_vreg.gather [hbm4b:s10+s3], $0x80, v3, vm0, $0xb8;
	[tilespmem:$0x1C100] =	vst v63  }
0x4a: {  	_ = 	snop  }
0x4b: {  	[tilespmem:s13], [sflag:$0x3] =	stream.indirect_vreg.gather [hbm4b:s12+s3], $0x80, v3, vm0, $0xb8;
	[tilespmem:$0x1C100] =	vst v63  }
0x4c: {  	v3 =	vld [tilespmem:$0x10];
	_ =	sdelay $0x4  }
0x4d: {  	v4 =	vshll.u32 v3, $0x3  }
0x4e: {  	v3 =	vand.u32 $0x7, v3;
	v4 =	vand.u32 $0xFFFFFFC0, v4  }
0x4f: {  	v3 =	vor.u32 v3, v4  }
0x50: {  	v4 =	vperm.xlane v3, v0;
	_ =	sdelay $0x1  }
0x51: {  	v4 =	vadd.s32 v1, v4;
	_ =	sdelay $0x4  }
0x52: {  	[tilespmem:s14], [sflag:$0x4] =	stream.indirect_vreg.gather [hbm4b:s2+s3], $0x80, v4, vm0, $0xb8;
	[tilespmem:$0x1C100] =	vst v63  }
0x53: {  	s1 =	simm.s32 $0x14900;
	v3 =	vperm.xlane v3, v2  }
0x54: {  	[tilespmem:s1], [sflag:$0x4] =	stream.indirect_vreg.gather [hbm4b:s9+s3], $0x80, v4, vm0, $0xb8;
	[tilespmem:$0x1C100] =	vst v63  }
0x55: {  	s5 =	simm.s32 $0x15100;
	v3 =	vadd.s32 v1, v3  }
0x56: {  	[tilespmem:s5], [sflag:$0x4] =	stream.indirect_vreg.gather [hbm4b:s10+s3], $0x80, v4, vm0, $0xb8;
	[tilespmem:$0x1C100] =	vst v63  }
0x57: {  	s11 =	simm.s32 $0x15900  }
0x58: {  	[tilespmem:s11], [sflag:$0x4] =	stream.indirect_vreg.gather [hbm4b:s12+s3], $0x80, v4, vm0, $0xb8;
	[tilespmem:$0x1C100] =	vst v63  }
0x59: {  	s21 =	simm.s32 $0x16100  }
0x5a: {  	[tilespmem:s21], [sflag:$0x4] =	stream.indirect_vreg.gather [hbm4b:s2+s3], $0x80, v3, vm0, $0xb8;
	[tilespmem:$0x1C100] =	vst v63  }
0x5b: {  	s23 =	simm.s32 $0x16900  }
0x5c: {  	[tilespmem:s23], [sflag:$0x4] =	stream.indirect_vreg.gather [hbm4b:s9+s3], $0x80, v3, vm0, $0xb8;
	[tilespmem:$0x1C100] =	vst v63  }
0x5d: {  	s25 =	simm.s32 $0x17100  }
0x5e: {  	[tilespmem:s25], [sflag:$0x4] =	stream.indirect_vreg.gather [hbm4b:s10+s3], $0x80, v3, vm0, $0xb8;
	[tilespmem:$0x1C100] =	vst v63  }
0x5f: {  	s26 =	simm.s32 $0x17900  }
0x60: {  	[tilespmem:s26], [sflag:$0x4] =	stream.indirect_vreg.gather [hbm4b:s12+s3], $0x80, v3, vm0, $0xb8;
	[tilespmem:$0x1C100] =	vst v63  }
0x61: {  	_ =	swait.ge [sflag:s22], $0x4000  }
0x62: {  	s5 =	simm.s32 $0x0;
	[sflag:s22] =	ssyncset.done $0x0  }
0x63: {  	s28 =	simm.s32 $0x1;
	s5 =	sand.u32 $0x2000, s5;
	[sflag:s22] =	ssyncadd.s32 $0xFFFFC000  }
0x64: {  	s11 =	sand.u32 $0x1C00, s3;
	s21 =	simm.s32 $0x0;
	_ =	swait.ge [sflag:s28], $0x10000  }
0x65: {  	s5 =	sor.u32 s11, s5;
	s29 =	sand.u32 $0x380, s21;
	[sflag:s28] =	ssyncset.done $0x0  }
0x66: {  	s21 =	sor.u32 s29, s5;
	[sflag:s28] =	ssyncadd.s32 $0xFFFF0000  }
0x67: {  	v3 =	vld [tilespmem:s21+$0x170]  }
0x68: {  	v8 =	vld [tilespmem:s21+$0x100]  }
0x69: {  	v9 =	vld [tilespmem:s21+$0x110]  }
0x6a: {  	v7 =	vld [tilespmem:s21+$0x120]  }
0x6b: {  	v6 =	vld [tilespmem:s21+$0x130]  }
0x6c: {  	v5 =	vld [tilespmem:s21+$0x140]  }
0x6d: {  	v4 =	vld [tilespmem:s21+$0x160]  }
0x6e: {  	[tilespmem:s21+$0x10170] =	vst.add.f32.msk $0xffff, v3  }
0x6f: {  	v3 =	vld [tilespmem:s21+$0x150]  }
0x70: {  	[tilespmem:s21+$0x10100] =	vst.add.f32.msk $0xffff, v8  }
0x71: {  	s25 =	simm.s32 $0x0;
	s26 =	simm.s32 $0x0;
	[tilespmem:s21+$0x10110] =	vst.add.f32.msk $0xffff, v9  }
.LBB2_2:
0x72: {  	s25 =	sadd.s32 $0x8, s25;
	[tilespmem:s21+$0x10120] =	vst.add.f32.msk $0xffff, v7  }
0x73: {  	s26 =	sadd.s32 $0x400, s26;
	s5 =	sshll.u32 s25, $0x4;
	p0 =	slt.u32 s25, $0x3F8;
	[tilespmem:s21+$0x10130] =	vst.add.f32.msk $0xffff, v6  }
0x74: {  	s11 =	sand.u32 $0x1C00, s26;
	s28 =	sshll.u32 s25, $0x1;
	s5 =	sand.u32 $0x2000, s5;
	[tilespmem:s21+$0x10140] =	vst.add.f32.msk $0xffff, v5  }
0x75: {  	s5 =	sor.u32 s11, s5;
	s11 =	sand.u32 $0x380, s28;
	[tilespmem:s21+$0x10150] =	vst.add.f32.msk $0xffff, v3  }
0x76: {  	[tilespmem:s21+$0x10160] =	vst.add.f32.msk $0xffff, v4;
	s21 =	sor.u32 s11, s5  }
0x77: {  	v3 =	vld [tilespmem:s21+$0x170]  }
0x78: {  	v8 =	vld [tilespmem:s21+$0x100]  }
0x79: {  	v9 =	vld [tilespmem:s21+$0x110]  }
0x7a: {  	v7 =	vld [tilespmem:s21+$0x120]  }
0x7b: {  	v6 =	vld [tilespmem:s21+$0x130]  }
0x7c: {  	[tilespmem:s21+$0x10170] =	vst.add.f32.msk $0xffff, v3  }
.Ltmp0:
0x7d: {  	v5 =	vld [tilespmem:s21+$0x140];
	(pc) =	sbr.rel @p0 .LBB2_2-.Ltmp0, $4  }
0x7e: {  	v3 =	vld [tilespmem:s21+$0x150]  }
0x7f: {  	v4 =	vld [tilespmem:s21+$0x160]  }
0x80: {  	[tilespmem:s21+$0x10100] =	vst.add.f32.msk $0xffff, v8  }
0x81: {  	[tilespmem:s21+$0x10110] =	vst.add.f32.msk $0xffff, v9  }
0x82: {  	[tilespmem:s21+$0x10120] =	vst.add.f32.msk $0xffff, v7  }
0x83: {  	[tilespmem:s21+$0x10130] =	vst.add.f32.msk $0xffff, v6  }
0x84: {  	[tilespmem:s21+$0x10140] =	vst.add.f32.msk $0xffff, v5  }
0x85: {  	[tilespmem:s21+$0x10150] =	vst.add.f32.msk $0xffff, v3  }
0x86: {  	[tilespmem:s21+$0x10160] =	vst.add.f32.msk $0xffff, v4  }
0x87: {  	s21 =	simm.s32 $0x0;
	s0 =	rddreg [dreg:$0xa]  }
0x88: {  	[hbm4b:s0+s21] =	stream.linear.scatter [tilespmem:s31], [sflag:$0x6], $0x4000, $0x38;
	[tilespmem:$0x1C100] =	vst v63  }
0x89: {  	v3 =	vld [tilespmem:$0x20];
	_ =	sdelay $0x4  }
0x8a: {  	v4 =	vshll.u32 v3, $0x3  }
0x8b: {  	v3 =	vand.u32 $0x7, v3;
	v4 =	vand.u32 $0xFFFFFFC0, v4  }
0x8c: {  	v3 =	vor.u32 v3, v4  }
0x8d: {  	v4 =	vperm.xlane v3, v0;
	_ =	sdelay $0x1  }
0x8e: {  	v4 =	vadd.s32 v1, v4;
	_ =	sdelay $0x4  }
0x8f: {  	[tilespmem:s24], [sflag:$0x5] =	stream.indirect_vreg.gather [hbm4b:s2+s21], $0x80, v4, vm0, $0xb8;
	[tilespmem:$0x1C100] =	vst v63  }
0x90: {  	s23 =	simm.s32 $0x18900;
	v3 =	vperm.xlane v3, v2  }
0x91: {  	[tilespmem:s23], [sflag:$0x5] =	stream.indirect_vreg.gather [hbm4b:s9+s21], $0x80, v4, vm0, $0xb8;
	[tilespmem:$0x1C100] =	vst v63  }
0x92: {  	s25 =	simm.s32 $0x19100;
	v3 =	vadd.s32 v1, v3  }
0x93: {  	[tilespmem:s25], [sflag:$0x5] =	stream.indirect_vreg.gather [hbm4b:s10+s21], $0x80, v4, vm0, $0xb8;
	[tilespmem:$0x1C100] =	vst v63  }
0x94: {  	s26 =	simm.s32 $0x19900  }
0x95: {  	[tilespmem:s26], [sflag:$0x5] =	stream.indirect_vreg.gather [hbm4b:s12+s21], $0x80, v4, vm0, $0xb8;
	[tilespmem:$0x1C100] =	vst v63  }
0x96: {  	s1 =	simm.s32 $0x1A100  }
0x97: {  	[tilespmem:s1], [sflag:$0x5] =	stream.indirect_vreg.gather [hbm4b:s2+s21], $0x80, v3, vm0, $0xb8;
	[tilespmem:$0x1C100] =	vst v63  }
0x98: {  	s5 =	simm.s32 $0x1A900  }
0x99: {  	[tilespmem:s5], [sflag:$0x5] =	stream.indirect_vreg.gather [hbm4b:s9+s21], $0x80, v3, vm0, $0xb8;
	[tilespmem:$0x1C100] =	vst v63  }
0x9a: {  	s11 =	simm.s32 $0x1B100  }
0x9b: {  	[tilespmem:s11], [sflag:$0x5] =	stream.indirect_vreg.gather [hbm4b:s10+s21], $0x80, v3, vm0, $0xb8;
	[tilespmem:$0x1C100] =	vst v63  }
0x9c: {  	s23 =	simm.s32 $0x1B900;
	s5 =	simm.s32 $0x0;
	s11 =	simm.s32 $0x0  }
0x9d: {  	[tilespmem:s23], [sflag:$0x5] =	stream.indirect_vreg.gather [hbm4b:s12+s21], $0x80, v3, vm0, $0xb8;
	[tilespmem:$0x1C100] =	vst v63  }
0x9e: {  	s5 =	sand.u32 $0x2000, s5;
	s11 =	sand.u32 $0x380, s11;
	_ =	swait.ge [sflag:s15], $0x4000  }
0x9f: {  	s25 =	sand.u32 $0x1C00, s21;
	s5 =	sor.u32 s11, s5;
	[sflag:s15] =	ssyncset.done $0x0  }
0xa0: {  	s26 =	sor.u32 s25, s5;
	[sflag:s15] =	ssyncadd.s32 $0xFFFFC000  }
0xa1: {  	v5 =	vld [tilespmem:s26+$0x4170]  }
0xa2: {  	v8 =	vld [tilespmem:s26+$0x4100]  }
0xa3: {  	v9 =	vld [tilespmem:s26+$0x4110]  }
0xa4: {  	v4 =	vld [tilespmem:s26+$0x4120]  }
0xa5: {  	v3 =	vld [tilespmem:s26+$0x4130]  }
0xa6: {  	s28 =	sadd.s32 $0x14100, s26;
	v7 =	vld [tilespmem:s26+$0x4140]  }
0xa7: {  	s25 =	sor.u32 $0x70, s28;
	v6 =	vld [tilespmem:s26+$0x4160]  }
0xa8: {  	[tilespmem:s25+$0x0] =	vst.add.f32.msk $0xffff, v5  }
0xa9: {  	s23 =	sor.u32 $0x10, s28;
	v5 =	vld [tilespmem:s26+$0x4150]  }
0xaa: {  	s11 =	sor.u32 $0x20, s28;
	s5 =	sor.u32 $0x30, s28;
	s29 =	sor.u32 $0x40, s28;
	[tilespmem:s26+$0x14100] =	vst.add.f32.msk $0xffff, v8  }
0xab: {  	s25 =	simm.s32 $0x0;
	s26 =	sor.u32 $0x50, s28;
	s28 =	sor.u32 $0x60, s28;
	[tilespmem:s23+$0x0] =	vst.add.f32.msk $0xffff, v9  }
.LBB2_4:
0xac: {  	s25 =	sadd.s32 $0x8, s25;
	[tilespmem:s11+$0x0] =	vst.add.f32.msk $0xffff, v4  }
0xad: {  	s11 =	sshll.u32 s25, $0x4;
	s23 =	sshll.u32 s25, $0x1;
	p0 =	slt.u32 s25, $0x3F8;
	[tilespmem:s5+$0x0] =	vst.add.f32.msk $0xffff, v3  }
0xae: {  	s21 =	sadd.s32 $0x400, s21;
	s5 =	sand.u32 $0x2000, s11;
	s11 =	sand.u32 $0x380, s23;
	[tilespmem:s29+$0x0] =	vst.add.f32.msk $0xffff, v7  }
0xaf: {  	s23 =	sand.u32 $0x1C00, s21;
	s5 =	sor.u32 s11, s5;
	[tilespmem:s26+$0x0] =	vst.add.f32.msk $0xffff, v5  }
0xb0: {  	s23 =	sor.u32 s23, s5;
	[tilespmem:s28+$0x0] =	vst.add.f32.msk $0xffff, v6  }
0xb1: {  	v5 =	vld [tilespmem:s23+$0x4170]  }
0xb2: {  	v8 =	vld [tilespmem:s23+$0x4100]  }
0xb3: {  	v9 =	vld [tilespmem:s23+$0x4110]  }
0xb4: {  	s28 =	sadd.s32 $0x14100, s23;
	v4 =	vld [tilespmem:s23+$0x4120]  }
0xb5: {  	s0 =	sor.u32 $0x10, s28;
	s11 =	sor.u32 $0x20, s28;
	s1 =	sor.u32 $0x70, s28;
	v3 =	vld [tilespmem:s23+$0x4130]  }
0xb6: {  	s5 =	sor.u32 $0x30, s28;
	s29 =	sor.u32 $0x40, s28;
	s26 =	sor.u32 $0x50, s28;
	[tilespmem:s1+$0x0] =	vst.add.f32.msk $0xffff, v5  }
.Ltmp1:
0xb7: {  	s28 =	sor.u32 $0x60, s28;
	v7 =	vld [tilespmem:s23+$0x4140];
	(pc) =	sbr.rel @p0 .LBB2_4-.Ltmp1, $4  }
0xb8: {  	v5 =	vld [tilespmem:s23+$0x4150]  }
0xb9: {  	v6 =	vld [tilespmem:s23+$0x4160]  }
0xba: {  	[tilespmem:s23+$0x14100] =	vst.add.f32.msk $0xffff, v8  }
0xbb: {  	[tilespmem:s0+$0x0] =	vst.add.f32.msk $0xffff, v9  }
0xbc: {  	[tilespmem:s11+$0x0] =	vst.add.f32.msk $0xffff, v4  }
0xbd: {  	[tilespmem:s5+$0x0] =	vst.add.f32.msk $0xffff, v3  }
0xbe: {  	[tilespmem:s29+$0x0] =	vst.add.f32.msk $0xffff, v7  }
0xbf: {  	[tilespmem:s26+$0x0] =	vst.add.f32.msk $0xffff, v5  }
0xc0: {  	[tilespmem:s28+$0x0] =	vst.add.f32.msk $0xffff, v6  }
0xc1: {  	s21 =	simm.s32 $0x0;
	s0 =	rddreg [dreg:$0xb]  }
0xc2: {  	[hbm4b:s0+s21] =	stream.linear.scatter [tilespmem:s14], [sflag:$0x7], $0x4000, $0x38;
	[tilespmem:$0x1C100] =	vst v63  }
0xc3: {  	_ =	swait.ge [sflag:s16], $0x4000  }
0xc4: {  	[sflag:s16] =	ssyncset.done $0x0  }
0xc5: {  	[sflag:s16] =	ssyncadd.s32 $0xFFFFC000  }
0xc6: {  	v3 =	vld [tilespmem:$0x30];
	_ =	sdelay $0x4  }
0xc7: {  	v4 =	vshll.u32 v3, $0x3  }
0xc8: {  	v3 =	vand.u32 $0x7, v3;
	v4 =	vand.u32 $0xFFFFFFC0, v4  }
0xc9: {  	v3 =	vor.u32 v3, v4  }
0xca: {  	v4 =	vperm.xlane v3, v0;
	_ =	sdelay $0x1  }
0xcb: {  	v4 =	vadd.s32 v1, v4;
	_ =	sdelay $0x4  }
0xcc: {  	[tilespmem:s31], [sflag:$0x3] =	stream.indirect_vreg.gather [hbm4b:s2+s21], $0x80, v4, vm0, $0xb8;
	[tilespmem:$0x1C100] =	vst v63  }
0xcd: {  	s5 =	simm.s32 $0x10900;
	v3 =	vperm.xlane v3, v2  }
0xce: {  	[tilespmem:s5], [sflag:$0x3] =	stream.indirect_vreg.gather [hbm4b:s9+s21], $0x80, v4, vm0, $0xb8;
	[tilespmem:$0x1C100] =	vst v63  }
0xcf: {  	s11 =	simm.s32 $0x11100;
	v3 =	vadd.s32 v1, v3  }
0xd0: {  	[tilespmem:s11], [sflag:$0x3] =	stream.indirect_vreg.gather [hbm4b:s10+s21], $0x80, v4, vm0, $0xb8;
	[tilespmem:$0x1C100] =	vst v63  }
0xd1: {  	_ = 	snop  }
0xd2: {  	[tilespmem:s4], [sflag:$0x3] =	stream.indirect_vreg.gather [hbm4b:s12+s21], $0x80, v4, vm0, $0xb8;
	[tilespmem:$0x1C100] =	vst v63  }
0xd3: {  	_ = 	snop  }
0xd4: {  	[tilespmem:s6], [sflag:$0x3] =	stream.indirect_vreg.gather [hbm4b:s2+s21], $0x80, v3, vm0, $0xb8;
	[tilespmem:$0x1C100] =	vst v63  }
0xd5: {  	_ = 	snop  }
0xd6: {  	[tilespmem:s7], [sflag:$0x3] =	stream.indirect_vreg.gather [hbm4b:s9+s21], $0x80, v3, vm0, $0xb8;
	[tilespmem:$0x1C100] =	vst v63  }
0xd7: {  	_ = 	snop  }
0xd8: {  	[tilespmem:s8], [sflag:$0x3] =	stream.indirect_vreg.gather [hbm4b:s10+s21], $0x80, v3, vm0, $0xb8;
	[tilespmem:$0x1C100] =	vst v63  }
0xd9: {  	s23 =	simm.s32 $0x0;
	s1 =	simm.s32 $0x0  }
0xda: {  	[tilespmem:s13], [sflag:$0x3] =	stream.indirect_vreg.gather [hbm4b:s12+s21], $0x80, v3, vm0, $0xb8;
	[tilespmem:$0x1C100] =	vst v63  }
0xdb: {  	s1 =	sand.u32 $0x380, s1;
	s0 =	sand.u32 $0x2000, s23;
	_ =	swait.ge [sflag:s17], $0x4000  }
0xdc: {  	s25 =	sand.u32 $0x1C00, s21;
	s0 =	sor.u32 s1, s0;
	[sflag:s17] =	ssyncset.done $0x0  }
0xdd: {  	s0 =	sor.u32 s25, s0;
	[sflag:s17] =	ssyncadd.s32 $0xFFFFC000  }
0xde: {  	v5 =	vld [tilespmem:s0+$0x8170]  }
0xdf: {  	v8 =	vld [tilespmem:s0+$0x8100]  }
0xe0: {  	v9 =	vld [tilespmem:s0+$0x8110]  }
0xe1: {  	v4 =	vld [tilespmem:s0+$0x8120]  }
0xe2: {  	v3 =	vld [tilespmem:s0+$0x8130]  }
0xe3: {  	s1 =	sadd.s32 $0x18100, s0;
	v7 =	vld [tilespmem:s0+$0x8140]  }
0xe4: {  	s26 =	sor.u32 $0x70, s1;
	v6 =	vld [tilespmem:s0+$0x8160]  }
0xe5: {  	[tilespmem:s26+$0x0] =	vst.add.f32.msk $0xffff, v5  }
0xe6: {  	s25 =	simm.s32 $0x0;
	v5 =	vld [tilespmem:s0+$0x8150]  }
0xe7: {  	s23 =	sor.u32 $0x10, s1;
	s29 =	sor.u32 $0x40, s1;
	s28 =	sor.u32 $0x60, s1;
	[tilespmem:s0+$0x18100] =	vst.add.f32.msk $0xffff, v8  }
0xe8: {  	s5 =	sor.u32 $0x30, s1;
	s11 =	sor.u32 $0x20, s1;
	s26 =	sor.u32 $0x50, s1;
	[tilespmem:s23+$0x0] =	vst.add.f32.msk $0xffff, v9  }
.LBB2_6:
0xe9: {  	s25 =	sadd.s32 $0x8, s25;
	[tilespmem:s11+$0x0] =	vst.add.f32.msk $0xffff, v4  }
0xea: {  	s0 =	sshll.u32 s25, $0x4;
	s1 =	sshll.u32 s25, $0x1;
	p0 =	slt.u32 s25, $0x3F8;
	[tilespmem:s5+$0x0] =	vst.add.f32.msk $0xffff, v3  }
0xeb: {  	s21 =	sadd.s32 $0x400, s21;
	s0 =	sand.u32 $0x2000, s0;
	s1 =	sand.u32 $0x380, s1;
	[tilespmem:s29+$0x0] =	vst.add.f32.msk $0xffff, v7  }
0xec: {  	s5 =	sand.u32 $0x1C00, s21;
	s0 =	sor.u32 s1, s0;
	[tilespmem:s26+$0x0] =	vst.add.f32.msk $0xffff, v5  }
0xed: {  	s0 =	sor.u32 s5, s0;
	[tilespmem:s28+$0x0] =	vst.add.f32.msk $0xffff, v6  }
0xee: {  	v5 =	vld [tilespmem:s0+$0x8170]  }
0xef: {  	v8 =	vld [tilespmem:s0+$0x8100]  }
0xf0: {  	v9 =	vld [tilespmem:s0+$0x8110]  }
0xf1: {  	s1 =	sadd.s32 $0x18100, s0;
	v4 =	vld [tilespmem:s0+$0x8120]  }
0xf2: {  	s23 =	sor.u32 $0x10, s1;
	s11 =	sor.u32 $0x20, s1;
	s28 =	sor.u32 $0x70, s1;
	v3 =	vld [tilespmem:s0+$0x8130]  }
0xf3: {  	s5 =	sor.u32 $0x30, s1;
	s29 =	sor.u32 $0x40, s1;
	s26 =	sor.u32 $0x50, s1;
	[tilespmem:s28+$0x0] =	vst.add.f32.msk $0xffff, v5  }
.Ltmp2:
0xf4: {  	s28 =	sor.u32 $0x60, s1;
	v7 =	vld [tilespmem:s0+$0x8140];
	(pc) =	sbr.rel @p0 .LBB2_6-.Ltmp2, $4  }
0xf5: {  	v5 =	vld [tilespmem:s0+$0x8150]  }
0xf6: {  	v6 =	vld [tilespmem:s0+$0x8160]  }
0xf7: {  	[tilespmem:s0+$0x18100] =	vst.add.f32.msk $0xffff, v8  }
0xf8: {  	[tilespmem:s23+$0x0] =	vst.add.f32.msk $0xffff, v9  }
0xf9: {  	[tilespmem:s11+$0x0] =	vst.add.f32.msk $0xffff, v4  }
0xfa: {  	[tilespmem:s5+$0x0] =	vst.add.f32.msk $0xffff, v3  }
0xfb: {  	[tilespmem:s29+$0x0] =	vst.add.f32.msk $0xffff, v7  }
0xfc: {  	[tilespmem:s26+$0x0] =	vst.add.f32.msk $0xffff, v5  }
0xfd: {  	[tilespmem:s28+$0x0] =	vst.add.f32.msk $0xffff, v6  }
0xfe: {  	s21 =	simm.s32 $0x0;
	s0 =	rddreg [dreg:$0xc]  }
0xff: {  	[hbm4b:s0+s21] =	stream.linear.scatter [tilespmem:s24], [sflag:$0x8], $0x4000, $0x38;
	[tilespmem:$0x1C100] =	vst v63  }
0x100: {  	_ =	swait.ge [sflag:s18], $0x4000  }
0x101: {  	[sflag:s18] =	ssyncset.done $0x0  }
0x102: {  	[sflag:s18] =	ssyncadd.s32 $0xFFFFC000  }
0x103: {  	v3 =	vld [tilespmem:$0x40];
	_ =	sdelay $0x4  }
0x104: {  	v4 =	vshll.u32 v3, $0x3  }
0x105: {  	v3 =	vand.u32 $0x7, v3;
	v4 =	vand.u32 $0xFFFFFFC0, v4  }
0x106: {  	v3 =	vor.u32 v3, v4  }
0x107: {  	v4 =	vperm.xlane v3, v0;
	_ =	sdelay $0x1  }
0x108: {  	v4 =	vadd.s32 v1, v4;
	_ =	sdelay $0x4  }
0x109: {  	[tilespmem:s14], [sflag:$0x4] =	stream.indirect_vreg.gather [hbm4b:s2+s21], $0x80, v4, vm0, $0xb8;
	[tilespmem:$0x1C100] =	vst v63  }
0x10a: {  	s11 =	simm.s32 $0x14900;
	v3 =	vperm.xlane v3, v2  }
0x10b: {  	[tilespmem:s11], [sflag:$0x4] =	stream.indirect_vreg.gather [hbm4b:s9+s21], $0x80, v4, vm0, $0xb8;
	[tilespmem:$0x1C100] =	vst v63  }
0x10c: {  	s23 =	simm.s32 $0x15100;
	v3 =	vadd.s32 v1, v3  }
0x10d: {  	[tilespmem:s23], [sflag:$0x4] =	stream.indirect_vreg.gather [hbm4b:s10+s21], $0x80, v4, vm0, $0xb8;
	[tilespmem:$0x1C100] =	vst v63  }
0x10e: {  	s25 =	simm.s32 $0x15900  }
0x10f: {  	[tilespmem:s25], [sflag:$0x4] =	stream.indirect_vreg.gather [hbm4b:s12+s21], $0x80, v4, vm0, $0xb8;
	[tilespmem:$0x1C100] =	vst v63  }
0x110: {  	s26 =	simm.s32 $0x16100  }
0x111: {  	[tilespmem:s26], [sflag:$0x4] =	stream.indirect_vreg.gather [hbm4b:s2+s21], $0x80, v3, vm0, $0xb8;
	[tilespmem:$0x1C100] =	vst v63  }
0x112: {  	s1 =	simm.s32 $0x16900  }
0x113: {  	[tilespmem:s1], [sflag:$0x4] =	stream.indirect_vreg.gather [hbm4b:s9+s21], $0x80, v3, vm0, $0xb8;
	[tilespmem:$0x1C100] =	vst v63  }
0x114: {  	s5 =	simm.s32 $0x17100  }
0x115: {  	[tilespmem:s5], [sflag:$0x4] =	stream.indirect_vreg.gather [hbm4b:s10+s21], $0x80, v3, vm0, $0xb8;
	[tilespmem:$0x1C100] =	vst v63  }
0x116: {  	s11 =	simm.s32 $0x17900;
	s23 =	simm.s32 $0x0;
	s1 =	simm.s32 $0x0  }
0x117: {  	[tilespmem:s11], [sflag:$0x4] =	stream.indirect_vreg.gather [hbm4b:s12+s21], $0x80, v3, vm0, $0xb8;
	[tilespmem:$0x1C100] =	vst v63  }
0x118: {  	s0 =	sand.u32 $0x2000, s23;
	s1 =	sand.u32 $0x380, s1;
	_ =	swait.ge [sflag:s22], $0x4000  }
0x119: {  	s25 =	sand.u32 $0x1C00, s21;
	s0 =	sor.u32 s1, s0;
	[sflag:s22] =	ssyncset.done $0x0  }
0x11a: {  	s0 =	sor.u32 s25, s0;
	[sflag:s22] =	ssyncadd.s32 $0xFFFFC000  }
0x11b: {  	v5 =	vld [tilespmem:s0+$0xC170]  }
0x11c: {  	v8 =	vld [tilespmem:s0+$0xC100]  }
0x11d: {  	v9 =	vld [tilespmem:s0+$0xC110]  }
0x11e: {  	v4 =	vld [tilespmem:s0+$0xC120]  }
0x11f: {  	v3 =	vld [tilespmem:s0+$0xC130]  }
0x120: {  	s1 =	sadd.s32 $0x10100, s0;
	v7 =	vld [tilespmem:s0+$0xC140]  }
0x121: {  	s26 =	sor.u32 $0x70, s1;
	v6 =	vld [tilespmem:s0+$0xC160]  }
0x122: {  	[tilespmem:s26+$0x0] =	vst.add.f32.msk $0xffff, v5  }
0x123: {  	s25 =	simm.s32 $0x0;
	v5 =	vld [tilespmem:s0+$0xC150]  }
0x124: {  	s23 =	sor.u32 $0x10, s1;
	s11 =	sor.u32 $0x20, s1;
	s5 =	sor.u32 $0x30, s1;
	[tilespmem:s0+$0x10100] =	vst.add.f32.msk $0xffff, v8  }
0x125: {  	s29 =	sor.u32 $0x40, s1;
	s28 =	sor.u32 $0x60, s1;
	s26 =	sor.u32 $0x50, s1;
	[tilespmem:s23+$0x0] =	vst.add.f32.msk $0xffff, v9  }
.LBB2_8:
0x126: {  	s25 =	sadd.s32 $0x8, s25;
	[tilespmem:s11+$0x0] =	vst.add.f32.msk $0xffff, v4  }
0x127: {  	s0 =	sshll.u32 s25, $0x4;
	s1 =	sshll.u32 s25, $0x1;
	p0 =	slt.u32 s25, $0x3F8;
	[tilespmem:s5+$0x0] =	vst.add.f32.msk $0xffff, v3  }
0x128: {  	s21 =	sadd.s32 $0x400, s21;
	s0 =	sand.u32 $0x2000, s0;
	s1 =	sand.u32 $0x380, s1;
	[tilespmem:s29+$0x0] =	vst.add.f32.msk $0xffff, v7  }
0x129: {  	s5 =	sand.u32 $0x1C00, s21;
	s0 =	sor.u32 s1, s0;
	[tilespmem:s26+$0x0] =	vst.add.f32.msk $0xffff, v5  }
0x12a: {  	s0 =	sor.u32 s5, s0;
	[tilespmem:s28+$0x0] =	vst.add.f32.msk $0xffff, v6  }
0x12b: {  	v5 =	vld [tilespmem:s0+$0xC170]  }
0x12c: {  	v8 =	vld [tilespmem:s0+$0xC100]  }
0x12d: {  	v9 =	vld [tilespmem:s0+$0xC110]  }
0x12e: {  	s1 =	sadd.s32 $0x10100, s0;
	v4 =	vld [tilespmem:s0+$0xC120]  }
0x12f: {  	s23 =	sor.u32 $0x10, s1;
	s11 =	sor.u32 $0x20, s1;
	s28 =	sor.u32 $0x70, s1;
	v3 =	vld [tilespmem:s0+$0xC130]  }
0x130: {  	s5 =	sor.u32 $0x30, s1;
	s29 =	sor.u32 $0x40, s1;
	s26 =	sor.u32 $0x50, s1;
	[tilespmem:s28+$0x0] =	vst.add.f32.msk $0xffff, v5  }
.Ltmp3:
0x131: {  	s28 =	sor.u32 $0x60, s1;
	v7 =	vld [tilespmem:s0+$0xC140];
	(pc) =	sbr.rel @p0 .LBB2_8-.Ltmp3, $4  }
0x132: {  	v5 =	vld [tilespmem:s0+$0xC150]  }
0x133: {  	v6 =	vld [tilespmem:s0+$0xC160]  }
0x134: {  	[tilespmem:s0+$0x10100] =	vst.add.f32.msk $0xffff, v8  }
0x135: {  	[tilespmem:s23+$0x0] =	vst.add.f32.msk $0xffff, v9  }
0x136: {  	[tilespmem:s11+$0x0] =	vst.add.f32.msk $0xffff, v4  }
0x137: {  	[tilespmem:s5+$0x0] =	vst.add.f32.msk $0xffff, v3  }
0x138: {  	[tilespmem:s29+$0x0] =	vst.add.f32.msk $0xffff, v7  }
0x139: {  	[tilespmem:s26+$0x0] =	vst.add.f32.msk $0xffff, v5  }
0x13a: {  	[tilespmem:s28+$0x0] =	vst.add.f32.msk $0xffff, v6  }
0x13b: {  	s21 =	simm.s32 $0x0;
	s0 =	rddreg [dreg:$0xd]  }
0x13c: {  	[hbm4b:s0+s21] =	stream.linear.scatter [tilespmem:s31], [sflag:$0x6], $0x4000, $0x38;
	[tilespmem:$0x1C100] =	vst v63  }
0x13d: {  	_ =	swait.ge [sflag:s19], $0x4000  }
0x13e: {  	[sflag:s19] =	ssyncset.done $0x0  }
0x13f: {  	[sflag:s19] =	ssyncadd.s32 $0xFFFFC000  }
0x140: {  	v3 =	vld [tilespmem:$0x50];
	_ =	sdelay $0x4  }
0x141: {  	v4 =	vshll.u32 v3, $0x3  }
0x142: {  	v3 =	vand.u32 $0x7, v3;
	v4 =	vand.u32 $0xFFFFFFC0, v4  }
0x143: {  	v3 =	vor.u32 v3, v4  }
0x144: {  	v4 =	vperm.xlane v3, v0;
	_ =	sdelay $0x1  }
0x145: {  	v4 =	vadd.s32 v1, v4;
	_ =	sdelay $0x4  }
0x146: {  	[tilespmem:s24], [sflag:$0x5] =	stream.indirect_vreg.gather [hbm4b:s2+s21], $0x80, v4, vm0, $0xb8;
	[tilespmem:$0x1C100] =	vst v63  }
0x147: {  	s28 =	simm.s32 $0x18900;
	v3 =	vperm.xlane v3, v2  }
0x148: {  	[tilespmem:s28], [sflag:$0x5] =	stream.indirect_vreg.gather [hbm4b:s9+s21], $0x80, v4, vm0, $0xb8;
	[tilespmem:$0x1C100] =	vst v63  }
0x149: {  	s29 =	simm.s32 $0x19100;
	v3 =	vadd.s32 v1, v3  }
0x14a: {  	[tilespmem:s29], [sflag:$0x5] =	stream.indirect_vreg.gather [hbm4b:s10+s21], $0x80, v4, vm0, $0xb8;
	[tilespmem:$0x1C100] =	vst v63  }
0x14b: {  	s1 =	simm.s32 $0x19900  }
0x14c: {  	[tilespmem:s1], [sflag:$0x5] =	stream.indirect_vreg.gather [hbm4b:s12+s21], $0x80, v4, vm0, $0xb8;
	[tilespmem:$0x1C100] =	vst v63  }
0x14d: {  	s5 =	simm.s32 $0x1A100  }
0x14e: {  	[tilespmem:s5], [sflag:$0x5] =	stream.indirect_vreg.gather [hbm4b:s2+s21], $0x80, v3, vm0, $0xb8;
	[tilespmem:$0x1C100] =	vst v63  }
0x14f: {  	s11 =	simm.s32 $0x1A900  }
0x150: {  	[tilespmem:s11], [sflag:$0x5] =	stream.indirect_vreg.gather [hbm4b:s9+s21], $0x80, v3, vm0, $0xb8;
	[tilespmem:$0x1C100] =	vst v63  }
0x151: {  	s23 =	simm.s32 $0x1B100;
	s26 =	simm.s32 $0x0  }
0x152: {  	[tilespmem:s23], [sflag:$0x5] =	stream.indirect_vreg.gather [hbm4b:s10+s21], $0x80, v3, vm0, $0xb8;
	[tilespmem:$0x1C100] =	vst v63  }
0x153: {  	s25 =	simm.s32 $0x1B900;
	s0 =	sand.u32 $0x2000, s26  }
0x154: {  	[tilespmem:s25], [sflag:$0x5] =	stream.indirect_vreg.gather [hbm4b:s12+s21], $0x80, v3, vm0, $0xb8;
	[tilespmem:$0x1C100] =	vst v63  }
0x155: {  	s28 =	simm.s32 $0x0;
	s1 =	sand.u32 $0x1C00, s21;
	_ =	swait.ge [sflag:s15], $0x4000  }
0x156: {  	s29 =	sand.u32 $0x380, s28;
	s0 =	sor.u32 s1, s0;
	[sflag:s15] =	ssyncset.done $0x0  }
0x157: {  	s25 =	sor.u32 s29, s0;
	[sflag:s15] =	ssyncadd.s32 $0xFFFFC000  }
0x158: {  	v3 =	vld [tilespmem:s25+$0x170]  }
0x159: {  	v8 =	vld [tilespmem:s25+$0x100]  }
0x15a: {  	v9 =	vld [tilespmem:s25+$0x110]  }
0x15b: {  	v7 =	vld [tilespmem:s25+$0x120]  }
0x15c: {  	v6 =	vld [tilespmem:s25+$0x130]  }
0x15d: {  	v5 =	vld [tilespmem:s25+$0x140]  }
0x15e: {  	v4 =	vld [tilespmem:s25+$0x160]  }
0x15f: {  	[tilespmem:s25+$0x14170] =	vst.add.f32.msk $0xffff, v3  }
0x160: {  	v3 =	vld [tilespmem:s25+$0x150]  }
0x161: {  	[tilespmem:s25+$0x14100] =	vst.add.f32.msk $0xffff, v8  }
0x162: {  	s26 =	simm.s32 $0x0;
	[tilespmem:s25+$0x14110] =	vst.add.f32.msk $0xffff, v9  }
.LBB2_10:
0x163: {  	s26 =	sadd.s32 $0x8, s26;
	[tilespmem:s25+$0x14120] =	vst.add.f32.msk $0xffff, v7  }
0x164: {  	s21 =	sadd.s32 $0x400, s21;
	s0 =	sshll.u32 s26, $0x4;
	p0 =	slt.u32 s26, $0x3F8;
	[tilespmem:s25+$0x14130] =	vst.add.f32.msk $0xffff, v6  }
0x165: {  	s1 =	sand.u32 $0x1C00, s21;
	s5 =	sshll.u32 s26, $0x1;
	s0 =	sand.u32 $0x2000, s0;
	[tilespmem:s25+$0x14140] =	vst.add.f32.msk $0xffff, v5  }
0x166: {  	s0 =	sor.u32 s1, s0;
	s1 =	sand.u32 $0x380, s5;
	[tilespmem:s25+$0x14150] =	vst.add.f32.msk $0xffff, v3  }
0x167: {  	[tilespmem:s25+$0x14160] =	vst.add.f32.msk $0xffff, v4;
	s25 =	sor.u32 s1, s0  }
0x168: {  	v3 =	vld [tilespmem:s25+$0x170]  }
0x169: {  	v8 =	vld [tilespmem:s25+$0x100]  }
0x16a: {  	v9 =	vld [tilespmem:s25+$0x110]  }
0x16b: {  	v7 =	vld [tilespmem:s25+$0x120]  }
0x16c: {  	v6 =	vld [tilespmem:s25+$0x130]  }
0x16d: {  	[tilespmem:s25+$0x14170] =	vst.add.f32.msk $0xffff, v3  }
.Ltmp4:
0x16e: {  	v5 =	vld [tilespmem:s25+$0x140];
	(pc) =	sbr.rel @p0 .LBB2_10-.Ltmp4, $4  }
0x16f: {  	v3 =	vld [tilespmem:s25+$0x150]  }
0x170: {  	v4 =	vld [tilespmem:s25+$0x160]  }
0x171: {  	[tilespmem:s25+$0x14100] =	vst.add.f32.msk $0xffff, v8  }
0x172: {  	[tilespmem:s25+$0x14110] =	vst.add.f32.msk $0xffff, v9  }
0x173: {  	[tilespmem:s25+$0x14120] =	vst.add.f32.msk $0xffff, v7  }
0x174: {  	[tilespmem:s25+$0x14130] =	vst.add.f32.msk $0xffff, v6  }
0x175: {  	[tilespmem:s25+$0x14140] =	vst.add.f32.msk $0xffff, v5  }
0x176: {  	[tilespmem:s25+$0x14150] =	vst.add.f32.msk $0xffff, v3  }
0x177: {  	[tilespmem:s25+$0x14160] =	vst.add.f32.msk $0xffff, v4  }
0x178: {  	s21 =	simm.s32 $0x0;
	s0 =	rddreg [dreg:$0xe]  }
0x179: {  	[hbm4b:s0+s21] =	stream.linear.scatter [tilespmem:s14], [sflag:$0x7], $0x4000, $0x38;
	[tilespmem:$0x1C100] =	vst v63  }
0x17a: {  	_ =	swait.ge [sflag:s16], $0x4000  }
0x17b: {  	[sflag:s16] =	ssyncset.done $0x0  }
0x17c: {  	[sflag:s16] =	ssyncadd.s32 $0xFFFFC000  }
0x17d: {  	v3 =	vld [tilespmem:$0x60];
	_ =	sdelay $0x4  }
0x17e: {  	v4 =	vshll.u32 v3, $0x3  }
0x17f: {  	v3 =	vand.u32 $0x7, v3;
	v4 =	vand.u32 $0xFFFFFFC0, v4  }
0x180: {  	v3 =	vor.u32 v3, v4  }
0x181: {  	v4 =	vperm.xlane v3, v0;
	_ =	sdelay $0x1  }
0x182: {  	v4 =	vadd.s32 v1, v4;
	_ =	sdelay $0x4  }
0x183: {  	[tilespmem:s31], [sflag:$0x3] =	stream.indirect_vreg.gather [hbm4b:s2+s21], $0x80, v4, vm0, $0xb8;
	[tilespmem:$0x1C100] =	vst v63  }
0x184: {  	s11 =	simm.s32 $0x10900;
	v3 =	vperm.xlane v3, v2  }
0x185: {  	[tilespmem:s11], [sflag:$0x3] =	stream.indirect_vreg.gather [hbm4b:s9+s21], $0x80, v4, vm0, $0xb8;
	[tilespmem:$0x1C100] =	vst v63  }
0x186: {  	s23 =	simm.s32 $0x11100;
	v3 =	vadd.s32 v1, v3  }
0x187: {  	[tilespmem:s23], [sflag:$0x3] =	stream.indirect_vreg.gather [hbm4b:s10+s21], $0x80, v4, vm0, $0xb8;
	[tilespmem:$0x1C100] =	vst v63  }
0x188: {  	_ = 	snop  }
0x189: {  	[tilespmem:s4], [sflag:$0x3] =	stream.indirect_vreg.gather [hbm4b:s12+s21], $0x80, v4, vm0, $0xb8;
	[tilespmem:$0x1C100] =	vst v63  }
0x18a: {  	_ = 	snop  }
0x18b: {  	[tilespmem:s6], [sflag:$0x3] =	stream.indirect_vreg.gather [hbm4b:s2+s21], $0x80, v3, vm0, $0xb8;
	[tilespmem:$0x1C100] =	vst v63  }
0x18c: {  	_ = 	snop  }
0x18d: {  	[tilespmem:s7], [sflag:$0x3] =	stream.indirect_vreg.gather [hbm4b:s9+s21], $0x80, v3, vm0, $0xb8;
	[tilespmem:$0x1C100] =	vst v63  }
0x18e: {  	_ = 	snop  }
0x18f: {  	[tilespmem:s8], [sflag:$0x3] =	stream.indirect_vreg.gather [hbm4b:s10+s21], $0x80, v3, vm0, $0xb8;
	[tilespmem:$0x1C100] =	vst v63  }
0x190: {  	s1 =	simm.s32 $0x0;
	s25 =	simm.s32 $0x0  }
0x191: {  	[tilespmem:s13], [sflag:$0x3] =	stream.indirect_vreg.gather [hbm4b:s12+s21], $0x80, v3, vm0, $0xb8;
	[tilespmem:$0x1C100] =	vst v63  }
0x192: {  	s1 =	sand.u32 $0x380, s1;
	s0 =	sand.u32 $0x2000, s25;
	_ =	swait.ge [sflag:s17], $0x4000  }
0x193: {  	s5 =	sand.u32 $0x1C00, s21;
	s0 =	sor.u32 s1, s0;
	[sflag:s17] =	ssyncset.done $0x0  }
0x194: {  	s0 =	sor.u32 s5, s0;
	[sflag:s17] =	ssyncadd.s32 $0xFFFFC000  }
0x195: {  	v5 =	vld [tilespmem:s0+$0x4170]  }
0x196: {  	v8 =	vld [tilespmem:s0+$0x4100]  }
0x197: {  	v9 =	vld [tilespmem:s0+$0x4110]  }
0x198: {  	v4 =	vld [tilespmem:s0+$0x4120]  }
0x199: {  	v3 =	vld [tilespmem:s0+$0x4130]  }
0x19a: {  	s1 =	sadd.s32 $0x18100, s0;
	v7 =	vld [tilespmem:s0+$0x4140]  }
0x19b: {  	s26 =	sor.u32 $0x70, s1;
	v6 =	vld [tilespmem:s0+$0x4160]  }
0x19c: {  	[tilespmem:s26+$0x0] =	vst.add.f32.msk $0xffff, v5  }
0x19d: {  	s25 =	simm.s32 $0x0;
	v5 =	vld [tilespmem:s0+$0x4150]  }
0x19e: {  	s5 =	sor.u32 $0x30, s1;
	s29 =	sor.u32 $0x40, s1;
	s23 =	sor.u32 $0x10, s1;
	[tilespmem:s0+$0x18100] =	vst.add.f32.msk $0xffff, v8  }
0x19f: {  	s28 =	sor.u32 $0x60, s1;
	s11 =	sor.u32 $0x20, s1;
	s26 =	sor.u32 $0x50, s1;
	[tilespmem:s23+$0x0] =	vst.add.f32.msk $0xffff, v9  }
.LBB2_12:
0x1a0: {  	s25 =	sadd.s32 $0x8, s25;
	[tilespmem:s11+$0x0] =	vst.add.f32.msk $0xffff, v4  }
0x1a1: {  	s0 =	sshll.u32 s25, $0x4;
	s1 =	sshll.u32 s25, $0x1;
	p0 =	slt.u32 s25, $0x3F8;
	[tilespmem:s5+$0x0] =	vst.add.f32.msk $0xffff, v3  }
0x1a2: {  	s21 =	sadd.s32 $0x400, s21;
	s0 =	sand.u32 $0x2000, s0;
	s1 =	sand.u32 $0x380, s1;
	[tilespmem:s29+$0x0] =	vst.add.f32.msk $0xffff, v7  }
0x1a3: {  	s5 =	sand.u32 $0x1C00, s21;
	s0 =	sor.u32 s1, s0;
	[tilespmem:s26+$0x0] =	vst.add.f32.msk $0xffff, v5  }
0x1a4: {  	s0 =	sor.u32 s5, s0;
	[tilespmem:s28+$0x0] =	vst.add.f32.msk $0xffff, v6  }
0x1a5: {  	v5 =	vld [tilespmem:s0+$0x4170]  }
0x1a6: {  	v8 =	vld [tilespmem:s0+$0x4100]  }
0x1a7: {  	v9 =	vld [tilespmem:s0+$0x4110]  }
0x1a8: {  	s1 =	sadd.s32 $0x18100, s0;
	v4 =	vld [tilespmem:s0+$0x4120]  }
0x1a9: {  	s23 =	sor.u32 $0x10, s1;
	s11 =	sor.u32 $0x20, s1;
	s28 =	sor.u32 $0x70, s1;
	v3 =	vld [tilespmem:s0+$0x4130]  }
0x1aa: {  	s5 =	sor.u32 $0x30, s1;
	s29 =	sor.u32 $0x40, s1;
	s26 =	sor.u32 $0x50, s1;
	[tilespmem:s28+$0x0] =	vst.add.f32.msk $0xffff, v5  }
.Ltmp5:
0x1ab: {  	s28 =	sor.u32 $0x60, s1;
	v7 =	vld [tilespmem:s0+$0x4140];
	(pc) =	sbr.rel @p0 .LBB2_12-.Ltmp5, $4  }
0x1ac: {  	v5 =	vld [tilespmem:s0+$0x4150]  }
0x1ad: {  	v6 =	vld [tilespmem:s0+$0x4160]  }
0x1ae: {  	[tilespmem:s0+$0x18100] =	vst.add.f32.msk $0xffff, v8  }
0x1af: {  	[tilespmem:s23+$0x0] =	vst.add.f32.msk $0xffff, v9  }
0x1b0: {  	[tilespmem:s11+$0x0] =	vst.add.f32.msk $0xffff, v4  }
0x1b1: {  	[tilespmem:s5+$0x0] =	vst.add.f32.msk $0xffff, v3  }
0x1b2: {  	[tilespmem:s29+$0x0] =	vst.add.f32.msk $0xffff, v7  }
0x1b3: {  	[tilespmem:s26+$0x0] =	vst.add.f32.msk $0xffff, v5  }
0x1b4: {  	[tilespmem:s28+$0x0] =	vst.add.f32.msk $0xffff, v6  }
0x1b5: {  	s21 =	simm.s32 $0x0;
	s0 =	rddreg [dreg:$0xf]  }
0x1b6: {  	[hbm4b:s0+s21] =	stream.linear.scatter [tilespmem:s24], [sflag:$0x8], $0x4000, $0x38;
	[tilespmem:$0x1C100] =	vst v63  }
0x1b7: {  	_ =	swait.ge [sflag:s18], $0x4000  }
0x1b8: {  	[sflag:s18] =	ssyncset.done $0x0  }
0x1b9: {  	[sflag:s18] =	ssyncadd.s32 $0xFFFFC000  }
0x1ba: {  	v3 =	vld [tilespmem:$0x70];
	_ =	sdelay $0x4  }
0x1bb: {  	v4 =	vshll.u32 v3, $0x3  }
0x1bc: {  	v3 =	vand.u32 $0x7, v3;
	v4 =	vand.u32 $0xFFFFFFC0, v4  }
0x1bd: {  	v3 =	vor.u32 v3, v4  }
0x1be: {  	v4 =	vperm.xlane v3, v0;
	_ =	sdelay $0x1  }
0x1bf: {  	v4 =	vadd.s32 v1, v4;
	_ =	sdelay $0x4  }
0x1c0: {  	[tilespmem:s14], [sflag:$0x4] =	stream.indirect_vreg.gather [hbm4b:s2+s21], $0x80, v4, vm0, $0xb8;
	[tilespmem:$0x1C100] =	vst v63  }
0x1c1: {  	s11 =	simm.s32 $0x14900;
	v3 =	vperm.xlane v3, v2  }
0x1c2: {  	[tilespmem:s11], [sflag:$0x4] =	stream.indirect_vreg.gather [hbm4b:s9+s21], $0x80, v4, vm0, $0xb8;
	[tilespmem:$0x1C100] =	vst v63  }
0x1c3: {  	s23 =	simm.s32 $0x15100;
	v3 =	vadd.s32 v1, v3  }
0x1c4: {  	[tilespmem:s23], [sflag:$0x4] =	stream.indirect_vreg.gather [hbm4b:s10+s21], $0x80, v4, vm0, $0xb8;
	[tilespmem:$0x1C100] =	vst v63  }
0x1c5: {  	s25 =	simm.s32 $0x15900  }
0x1c6: {  	[tilespmem:s25], [sflag:$0x4] =	stream.indirect_vreg.gather [hbm4b:s12+s21], $0x80, v4, vm0, $0xb8;
	[tilespmem:$0x1C100] =	vst v63  }
0x1c7: {  	s26 =	simm.s32 $0x16100  }
0x1c8: {  	[tilespmem:s26], [sflag:$0x4] =	stream.indirect_vreg.gather [hbm4b:s2+s21], $0x80, v3, vm0, $0xb8;
	[tilespmem:$0x1C100] =	vst v63  }
0x1c9: {  	s1 =	simm.s32 $0x16900  }
0x1ca: {  	[tilespmem:s1], [sflag:$0x4] =	stream.indirect_vreg.gather [hbm4b:s9+s21], $0x80, v3, vm0, $0xb8;
	[tilespmem:$0x1C100] =	vst v63  }
0x1cb: {  	s5 =	simm.s32 $0x17100  }
0x1cc: {  	[tilespmem:s5], [sflag:$0x4] =	stream.indirect_vreg.gather [hbm4b:s10+s21], $0x80, v3, vm0, $0xb8;
	[tilespmem:$0x1C100] =	vst v63  }
0x1cd: {  	s11 =	simm.s32 $0x17900;
	s23 =	simm.s32 $0x0;
	s1 =	simm.s32 $0x0  }
0x1ce: {  	[tilespmem:s11], [sflag:$0x4] =	stream.indirect_vreg.gather [hbm4b:s12+s21], $0x80, v3, vm0, $0xb8;
	[tilespmem:$0x1C100] =	vst v63  }
0x1cf: {  	s0 =	sand.u32 $0x2000, s23;
	s1 =	sand.u32 $0x380, s1;
	_ =	swait.ge [sflag:s22], $0x4000  }
0x1d0: {  	s25 =	sand.u32 $0x1C00, s21;
	s0 =	sor.u32 s1, s0;
	[sflag:s22] =	ssyncset.done $0x0  }
0x1d1: {  	s0 =	sor.u32 s25, s0;
	[sflag:s22] =	ssyncadd.s32 $0xFFFFC000  }
0x1d2: {  	v5 =	vld [tilespmem:s0+$0x8170]  }
0x1d3: {  	v8 =	vld [tilespmem:s0+$0x8100]  }
0x1d4: {  	v9 =	vld [tilespmem:s0+$0x8110]  }
0x1d5: {  	v4 =	vld [tilespmem:s0+$0x8120]  }
0x1d6: {  	v3 =	vld [tilespmem:s0+$0x8130]  }
0x1d7: {  	s1 =	sadd.s32 $0x10100, s0;
	v7 =	vld [tilespmem:s0+$0x8140]  }
0x1d8: {  	s26 =	sor.u32 $0x70, s1;
	v6 =	vld [tilespmem:s0+$0x8160]  }
0x1d9: {  	[tilespmem:s26+$0x0] =	vst.add.f32.msk $0xffff, v5  }
0x1da: {  	s25 =	simm.s32 $0x0;
	v5 =	vld [tilespmem:s0+$0x8150]  }
0x1db: {  	s23 =	sor.u32 $0x10, s1;
	s11 =	sor.u32 $0x20, s1;
	s5 =	sor.u32 $0x30, s1;
	[tilespmem:s0+$0x10100] =	vst.add.f32.msk $0xffff, v8  }
0x1dc: {  	s29 =	sor.u32 $0x40, s1;
	s28 =	sor.u32 $0x60, s1;
	s26 =	sor.u32 $0x50, s1;
	[tilespmem:s23+$0x0] =	vst.add.f32.msk $0xffff, v9  }
.LBB2_14:
0x1dd: {  	s25 =	sadd.s32 $0x8, s25;
	[tilespmem:s11+$0x0] =	vst.add.f32.msk $0xffff, v4  }
0x1de: {  	s0 =	sshll.u32 s25, $0x4;
	s1 =	sshll.u32 s25, $0x1;
	p0 =	slt.u32 s25, $0x3F8;
	[tilespmem:s5+$0x0] =	vst.add.f32.msk $0xffff, v3  }
0x1df: {  	s21 =	sadd.s32 $0x400, s21;
	s0 =	sand.u32 $0x2000, s0;
	s1 =	sand.u32 $0x380, s1;
	[tilespmem:s29+$0x0] =	vst.add.f32.msk $0xffff, v7  }
0x1e0: {  	s5 =	sand.u32 $0x1C00, s21;
	s0 =	sor.u32 s1, s0;
	[tilespmem:s26+$0x0] =	vst.add.f32.msk $0xffff, v5  }
0x1e1: {  	s0 =	sor.u32 s5, s0;
	[tilespmem:s28+$0x0] =	vst.add.f32.msk $0xffff, v6  }
0x1e2: {  	v5 =	vld [tilespmem:s0+$0x8170]  }
0x1e3: {  	v8 =	vld [tilespmem:s0+$0x8100]  }
0x1e4: {  	v9 =	vld [tilespmem:s0+$0x8110]  }
0x1e5: {  	s1 =	sadd.s32 $0x10100, s0;
	v4 =	vld [tilespmem:s0+$0x8120]  }
0x1e6: {  	s23 =	sor.u32 $0x10, s1;
	s11 =	sor.u32 $0x20, s1;
	s28 =	sor.u32 $0x70, s1;
	v3 =	vld [tilespmem:s0+$0x8130]  }
0x1e7: {  	s5 =	sor.u32 $0x30, s1;
	s29 =	sor.u32 $0x40, s1;
	s26 =	sor.u32 $0x50, s1;
	[tilespmem:s28+$0x0] =	vst.add.f32.msk $0xffff, v5  }
.Ltmp6:
0x1e8: {  	s28 =	sor.u32 $0x60, s1;
	v7 =	vld [tilespmem:s0+$0x8140];
	(pc) =	sbr.rel @p0 .LBB2_14-.Ltmp6, $4  }
0x1e9: {  	v5 =	vld [tilespmem:s0+$0x8150]  }
0x1ea: {  	v6 =	vld [tilespmem:s0+$0x8160]  }
0x1eb: {  	[tilespmem:s0+$0x10100] =	vst.add.f32.msk $0xffff, v8  }
0x1ec: {  	[tilespmem:s23+$0x0] =	vst.add.f32.msk $0xffff, v9  }
0x1ed: {  	[tilespmem:s11+$0x0] =	vst.add.f32.msk $0xffff, v4  }
0x1ee: {  	[tilespmem:s5+$0x0] =	vst.add.f32.msk $0xffff, v3  }
0x1ef: {  	[tilespmem:s29+$0x0] =	vst.add.f32.msk $0xffff, v7  }
0x1f0: {  	[tilespmem:s26+$0x0] =	vst.add.f32.msk $0xffff, v5  }
0x1f1: {  	[tilespmem:s28+$0x0] =	vst.add.f32.msk $0xffff, v6  }
0x1f2: {  	s21 =	simm.s32 $0x0;
	s0 =	rddreg [dreg:$0x10]  }
0x1f3: {  	[hbm4b:s0+s21] =	stream.linear.scatter [tilespmem:s31], [sflag:$0x6], $0x4000, $0x38;
	[tilespmem:$0x1C100] =	vst v63  }
0x1f4: {  	_ =	swait.ge [sflag:s19], $0x4000  }
0x1f5: {  	[sflag:s19] =	ssyncset.done $0x0  }
0x1f6: {  	[sflag:s19] =	ssyncadd.s32 $0xFFFFC000  }
0x1f7: {  	v3 =	vld [tilespmem:$0x80];
	_ =	sdelay $0x4  }
0x1f8: {  	v4 =	vshll.u32 v3, $0x3  }
0x1f9: {  	v3 =	vand.u32 $0x7, v3;
	v4 =	vand.u32 $0xFFFFFFC0, v4  }
0x1fa: {  	v3 =	vor.u32 v3, v4  }
0x1fb: {  	v4 =	vperm.xlane v3, v0;
	_ =	sdelay $0x1  }
0x1fc: {  	v4 =	vadd.s32 v1, v4;
	_ =	sdelay $0x4  }
0x1fd: {  	[tilespmem:s24], [sflag:$0x5] =	stream.indirect_vreg.gather [hbm4b:s2+s21], $0x80, v4, vm0, $0xb8;
	[tilespmem:$0x1C100] =	vst v63  }
0x1fe: {  	s11 =	simm.s32 $0x18900;
	v3 =	vperm.xlane v3, v2  }
0x1ff: {  	[tilespmem:s11], [sflag:$0x5] =	stream.indirect_vreg.gather [hbm4b:s9+s21], $0x80, v4, vm0, $0xb8;
	[tilespmem:$0x1C100] =	vst v63  }
0x200: {  	s23 =	simm.s32 $0x19100;
	v3 =	vadd.s32 v1, v3  }
0x201: {  	[tilespmem:s23], [sflag:$0x5] =	stream.indirect_vreg.gather [hbm4b:s10+s21], $0x80, v4, vm0, $0xb8;
	[tilespmem:$0x1C100] =	vst v63  }
0x202: {  	s25 =	simm.s32 $0x19900  }
0x203: {  	[tilespmem:s25], [sflag:$0x5] =	stream.indirect_vreg.gather [hbm4b:s12+s21], $0x80, v4, vm0, $0xb8;
	[tilespmem:$0x1C100] =	vst v63  }
0x204: {  	s26 =	simm.s32 $0x1A100  }
0x205: {  	[tilespmem:s26], [sflag:$0x5] =	stream.indirect_vreg.gather [hbm4b:s2+s21], $0x80, v3, vm0, $0xb8;
	[tilespmem:$0x1C100] =	vst v63  }
0x206: {  	s1 =	simm.s32 $0x1A900  }
0x207: {  	[tilespmem:s1], [sflag:$0x5] =	stream.indirect_vreg.gather [hbm4b:s9+s21], $0x80, v3, vm0, $0xb8;
	[tilespmem:$0x1C100] =	vst v63  }
0x208: {  	s5 =	simm.s32 $0x1B100  }
0x209: {  	[tilespmem:s5], [sflag:$0x5] =	stream.indirect_vreg.gather [hbm4b:s10+s21], $0x80, v3, vm0, $0xb8;
	[tilespmem:$0x1C100] =	vst v63  }
0x20a: {  	s11 =	simm.s32 $0x1B900;
	s23 =	simm.s32 $0x0;
	s1 =	simm.s32 $0x0  }
0x20b: {  	[tilespmem:s11], [sflag:$0x5] =	stream.indirect_vreg.gather [hbm4b:s12+s21], $0x80, v3, vm0, $0xb8;
	[tilespmem:$0x1C100] =	vst v63  }
0x20c: {  	s0 =	sand.u32 $0x2000, s23;
	s1 =	sand.u32 $0x380, s1;
	_ =	swait.ge [sflag:s15], $0x4000  }
0x20d: {  	s25 =	sand.u32 $0x1C00, s21;
	s0 =	sor.u32 s1, s0;
	[sflag:s15] =	ssyncset.done $0x0  }
0x20e: {  	s0 =	sor.u32 s25, s0;
	[sflag:s15] =	ssyncadd.s32 $0xFFFFC000  }
0x20f: {  	v5 =	vld [tilespmem:s0+$0xC170]  }
0x210: {  	v8 =	vld [tilespmem:s0+$0xC100]  }
0x211: {  	v9 =	vld [tilespmem:s0+$0xC110]  }
0x212: {  	v4 =	vld [tilespmem:s0+$0xC120]  }
0x213: {  	v3 =	vld [tilespmem:s0+$0xC130]  }
0x214: {  	s1 =	sadd.s32 $0x14100, s0;
	v7 =	vld [tilespmem:s0+$0xC140]  }
0x215: {  	s26 =	sor.u32 $0x70, s1;
	v6 =	vld [tilespmem:s0+$0xC160]  }
0x216: {  	[tilespmem:s26+$0x0] =	vst.add.f32.msk $0xffff, v5  }
0x217: {  	s25 =	simm.s32 $0x0;
	v5 =	vld [tilespmem:s0+$0xC150]  }
0x218: {  	s23 =	sor.u32 $0x10, s1;
	s11 =	sor.u32 $0x20, s1;
	s5 =	sor.u32 $0x30, s1;
	[tilespmem:s0+$0x14100] =	vst.add.f32.msk $0xffff, v8  }
0x219: {  	s29 =	sor.u32 $0x40, s1;
	s28 =	sor.u32 $0x60, s1;
	s26 =	sor.u32 $0x50, s1;
	[tilespmem:s23+$0x0] =	vst.add.f32.msk $0xffff, v9  }
.LBB2_16:
0x21a: {  	s25 =	sadd.s32 $0x8, s25;
	[tilespmem:s11+$0x0] =	vst.add.f32.msk $0xffff, v4  }
0x21b: {  	s0 =	sshll.u32 s25, $0x4;
	s1 =	sshll.u32 s25, $0x1;
	p0 =	slt.u32 s25, $0x3F8;
	[tilespmem:s5+$0x0] =	vst.add.f32.msk $0xffff, v3  }
0x21c: {  	s21 =	sadd.s32 $0x400, s21;
	s0 =	sand.u32 $0x2000, s0;
	s1 =	sand.u32 $0x380, s1;
	[tilespmem:s29+$0x0] =	vst.add.f32.msk $0xffff, v7  }
0x21d: {  	s5 =	sand.u32 $0x1C00, s21;
	s0 =	sor.u32 s1, s0;
	[tilespmem:s26+$0x0] =	vst.add.f32.msk $0xffff, v5  }
0x21e: {  	s0 =	sor.u32 s5, s0;
	[tilespmem:s28+$0x0] =	vst.add.f32.msk $0xffff, v6  }
0x21f: {  	v5 =	vld [tilespmem:s0+$0xC170]  }
0x220: {  	v8 =	vld [tilespmem:s0+$0xC100]  }
0x221: {  	v9 =	vld [tilespmem:s0+$0xC110]  }
0x222: {  	s1 =	sadd.s32 $0x14100, s0;
	v4 =	vld [tilespmem:s0+$0xC120]  }
0x223: {  	s23 =	sor.u32 $0x10, s1;
	s11 =	sor.u32 $0x20, s1;
	s28 =	sor.u32 $0x70, s1;
	v3 =	vld [tilespmem:s0+$0xC130]  }
0x224: {  	s5 =	sor.u32 $0x30, s1;
	s29 =	sor.u32 $0x40, s1;
	s26 =	sor.u32 $0x50, s1;
	[tilespmem:s28+$0x0] =	vst.add.f32.msk $0xffff, v5  }
.Ltmp7:
0x225: {  	s28 =	sor.u32 $0x60, s1;
	v7 =	vld [tilespmem:s0+$0xC140];
	(pc) =	sbr.rel @p0 .LBB2_16-.Ltmp7, $4  }
0x226: {  	v5 =	vld [tilespmem:s0+$0xC150]  }
0x227: {  	v6 =	vld [tilespmem:s0+$0xC160]  }
0x228: {  	[tilespmem:s0+$0x14100] =	vst.add.f32.msk $0xffff, v8  }
0x229: {  	[tilespmem:s23+$0x0] =	vst.add.f32.msk $0xffff, v9  }
0x22a: {  	[tilespmem:s11+$0x0] =	vst.add.f32.msk $0xffff, v4  }
0x22b: {  	[tilespmem:s5+$0x0] =	vst.add.f32.msk $0xffff, v3  }
0x22c: {  	[tilespmem:s29+$0x0] =	vst.add.f32.msk $0xffff, v7  }
0x22d: {  	[tilespmem:s26+$0x0] =	vst.add.f32.msk $0xffff, v5  }
0x22e: {  	[tilespmem:s28+$0x0] =	vst.add.f32.msk $0xffff, v6  }
0x22f: {  	s21 =	simm.s32 $0x0;
	s0 =	rddreg [dreg:$0x11]  }
0x230: {  	[hbm4b:s0+s21] =	stream.linear.scatter [tilespmem:s14], [sflag:$0x7], $0x4000, $0x38;
	[tilespmem:$0x1C100] =	vst v63  }
0x231: {  	_ =	swait.ge [sflag:s16], $0x4000  }
0x232: {  	[sflag:s16] =	ssyncset.done $0x0  }
0x233: {  	[sflag:s16] =	ssyncadd.s32 $0xFFFFC000  }
0x234: {  	v3 =	vld [tilespmem:$0x90];
	_ =	sdelay $0x4  }
0x235: {  	v4 =	vshll.u32 v3, $0x3  }
0x236: {  	v3 =	vand.u32 $0x7, v3;
	v4 =	vand.u32 $0xFFFFFFC0, v4  }
0x237: {  	v3 =	vor.u32 v3, v4  }
0x238: {  	v4 =	vperm.xlane v3, v0;
	_ =	sdelay $0x1  }
0x239: {  	v4 =	vadd.s32 v1, v4;
	_ =	sdelay $0x4  }
0x23a: {  	[tilespmem:s31], [sflag:$0x3] =	stream.indirect_vreg.gather [hbm4b:s2+s21], $0x80, v4, vm0, $0xb8;
	[tilespmem:$0x1C100] =	vst v63  }
0x23b: {  	s23 =	simm.s32 $0x10900;
	v3 =	vperm.xlane v3, v2  }
0x23c: {  	[tilespmem:s23], [sflag:$0x3] =	stream.indirect_vreg.gather [hbm4b:s9+s21], $0x80, v4, vm0, $0xb8;
	[tilespmem:$0x1C100] =	vst v63  }
0x23d: {  	s25 =	simm.s32 $0x11100;
	v3 =	vadd.s32 v1, v3  }
0x23e: {  	[tilespmem:s25], [sflag:$0x3] =	stream.indirect_vreg.gather [hbm4b:s10+s21], $0x80, v4, vm0, $0xb8;
	[tilespmem:$0x1C100] =	vst v63  }
0x23f: {  	_ = 	snop  }
0x240: {  	[tilespmem:s4], [sflag:$0x3] =	stream.indirect_vreg.gather [hbm4b:s12+s21], $0x80, v4, vm0, $0xb8;
	[tilespmem:$0x1C100] =	vst v63  }
0x241: {  	_ = 	snop  }
0x242: {  	[tilespmem:s6], [sflag:$0x3] =	stream.indirect_vreg.gather [hbm4b:s2+s21], $0x80, v3, vm0, $0xb8;
	[tilespmem:$0x1C100] =	vst v63  }
0x243: {  	_ = 	snop  }
0x244: {  	[tilespmem:s7], [sflag:$0x3] =	stream.indirect_vreg.gather [hbm4b:s9+s21], $0x80, v3, vm0, $0xb8;
	[tilespmem:$0x1C100] =	vst v63  }
0x245: {  	_ = 	snop  }
0x246: {  	[tilespmem:s8], [sflag:$0x3] =	stream.indirect_vreg.gather [hbm4b:s10+s21], $0x80, v3, vm0, $0xb8;
	[tilespmem:$0x1C100] =	vst v63  }
0x247: {  	s26 =	simm.s32 $0x0;
	s1 =	sand.u32 $0x1C00, s21  }
0x248: {  	[tilespmem:s13], [sflag:$0x3] =	stream.indirect_vreg.gather [hbm4b:s12+s21], $0x80, v3, vm0, $0xb8;
	[tilespmem:$0x1C100] =	vst v63  }
0x249: {  	s28 =	simm.s32 $0x0;
	s0 =	sand.u32 $0x2000, s26;
	_ =	swait.ge [sflag:s17], $0x4000  }
0x24a: {  	s29 =	sand.u32 $0x380, s28;
	s0 =	sor.u32 s1, s0;
	[sflag:s17] =	ssyncset.done $0x0  }
0x24b: {  	s25 =	sor.u32 s29, s0;
	[sflag:s17] =	ssyncadd.s32 $0xFFFFC000  }
0x24c: {  	v3 =	vld [tilespmem:s25+$0x170]  }
0x24d: {  	v8 =	vld [tilespmem:s25+$0x100]  }
0x24e: {  	v9 =	vld [tilespmem:s25+$0x110]  }
0x24f: {  	v7 =	vld [tilespmem:s25+$0x120]  }
0x250: {  	v6 =	vld [tilespmem:s25+$0x130]  }
0x251: {  	v5 =	vld [tilespmem:s25+$0x140]  }
0x252: {  	v4 =	vld [tilespmem:s25+$0x160]  }
0x253: {  	[tilespmem:s25+$0x18170] =	vst.add.f32.msk $0xffff, v3  }
0x254: {  	v3 =	vld [tilespmem:s25+$0x150]  }
0x255: {  	[tilespmem:s25+$0x18100] =	vst.add.f32.msk $0xffff, v8  }
0x256: {  	s26 =	simm.s32 $0x0;
	[tilespmem:s25+$0x18110] =	vst.add.f32.msk $0xffff, v9  }
.LBB2_18:
0x257: {  	s26 =	sadd.s32 $0x8, s26;
	[tilespmem:s25+$0x18120] =	vst.add.f32.msk $0xffff, v7  }
0x258: {  	s21 =	sadd.s32 $0x400, s21;
	s0 =	sshll.u32 s26, $0x4;
	p0 =	slt.u32 s26, $0x3F8;
	[tilespmem:s25+$0x18130] =	vst.add.f32.msk $0xffff, v6  }
0x259: {  	s1 =	sand.u32 $0x1C00, s21;
	s5 =	sshll.u32 s26, $0x1;
	s0 =	sand.u32 $0x2000, s0;
	[tilespmem:s25+$0x18140] =	vst.add.f32.msk $0xffff, v5  }
0x25a: {  	s0 =	sor.u32 s1, s0;
	s1 =	sand.u32 $0x380, s5;
	[tilespmem:s25+$0x18150] =	vst.add.f32.msk $0xffff, v3  }
0x25b: {  	[tilespmem:s25+$0x18160] =	vst.add.f32.msk $0xffff, v4;
	s25 =	sor.u32 s1, s0  }
0x25c: {  	v3 =	vld [tilespmem:s25+$0x170]  }
0x25d: {  	v8 =	vld [tilespmem:s25+$0x100]  }
0x25e: {  	v9 =	vld [tilespmem:s25+$0x110]  }
0x25f: {  	v7 =	vld [tilespmem:s25+$0x120]  }
0x260: {  	v6 =	vld [tilespmem:s25+$0x130]  }
0x261: {  	[tilespmem:s25+$0x18170] =	vst.add.f32.msk $0xffff, v3  }
.Ltmp8:
0x262: {  	v5 =	vld [tilespmem:s25+$0x140];
	(pc) =	sbr.rel @p0 .LBB2_18-.Ltmp8, $4  }
0x263: {  	v3 =	vld [tilespmem:s25+$0x150]  }
0x264: {  	v4 =	vld [tilespmem:s25+$0x160]  }
0x265: {  	[tilespmem:s25+$0x18100] =	vst.add.f32.msk $0xffff, v8  }
0x266: {  	[tilespmem:s25+$0x18110] =	vst.add.f32.msk $0xffff, v9  }
0x267: {  	[tilespmem:s25+$0x18120] =	vst.add.f32.msk $0xffff, v7  }
0x268: {  	[tilespmem:s25+$0x18130] =	vst.add.f32.msk $0xffff, v6  }
0x269: {  	[tilespmem:s25+$0x18140] =	vst.add.f32.msk $0xffff, v5  }
0x26a: {  	[tilespmem:s25+$0x18150] =	vst.add.f32.msk $0xffff, v3  }
0x26b: {  	[tilespmem:s25+$0x18160] =	vst.add.f32.msk $0xffff, v4  }
0x26c: {  	s21 =	simm.s32 $0x0;
	s0 =	rddreg [dreg:$0x12]  }
0x26d: {  	[hbm4b:s0+s21] =	stream.linear.scatter [tilespmem:s24], [sflag:$0x8], $0x4000, $0x38;
	[tilespmem:$0x1C100] =	vst v63  }
0x26e: {  	_ =	swait.ge [sflag:s18], $0x4000  }
0x26f: {  	[sflag:s18] =	ssyncset.done $0x0  }
0x270: {  	[sflag:s18] =	ssyncadd.s32 $0xFFFFC000  }
0x271: {  	v3 =	vld [tilespmem:$0xA0];
	_ =	sdelay $0x4  }
0x272: {  	v4 =	vshll.u32 v3, $0x3  }
0x273: {  	v3 =	vand.u32 $0x7, v3;
	v4 =	vand.u32 $0xFFFFFFC0, v4  }
0x274: {  	v3 =	vor.u32 v3, v4  }
0x275: {  	v4 =	vperm.xlane v3, v0;
	_ =	sdelay $0x1  }
0x276: {  	v4 =	vadd.s32 v1, v4;
	_ =	sdelay $0x4  }
0x277: {  	[tilespmem:s14], [sflag:$0x4] =	stream.indirect_vreg.gather [hbm4b:s2+s21], $0x80, v4, vm0, $0xb8;
	[tilespmem:$0x1C100] =	vst v63  }
0x278: {  	s23 =	simm.s32 $0x14900;
	v3 =	vperm.xlane v3, v2  }
0x279: {  	[tilespmem:s23], [sflag:$0x4] =	stream.indirect_vreg.gather [hbm4b:s9+s21], $0x80, v4, vm0, $0xb8;
	[tilespmem:$0x1C100] =	vst v63  }
0x27a: {  	s25 =	simm.s32 $0x15100;
	v3 =	vadd.s32 v1, v3  }
0x27b: {  	[tilespmem:s25], [sflag:$0x4] =	stream.indirect_vreg.gather [hbm4b:s10+s21], $0x80, v4, vm0, $0xb8;
	[tilespmem:$0x1C100] =	vst v63  }
0x27c: {  	s26 =	simm.s32 $0x15900  }
0x27d: {  	[tilespmem:s26], [sflag:$0x4] =	stream.indirect_vreg.gather [hbm4b:s12+s21], $0x80, v4, vm0, $0xb8;
	[tilespmem:$0x1C100] =	vst v63  }
0x27e: {  	s1 =	simm.s32 $0x16100  }
0x27f: {  	[tilespmem:s1], [sflag:$0x4] =	stream.indirect_vreg.gather [hbm4b:s2+s21], $0x80, v3, vm0, $0xb8;
	[tilespmem:$0x1C100] =	vst v63  }
0x280: {  	s5 =	simm.s32 $0x16900  }
0x281: {  	[tilespmem:s5], [sflag:$0x4] =	stream.indirect_vreg.gather [hbm4b:s9+s21], $0x80, v3, vm0, $0xb8;
	[tilespmem:$0x1C100] =	vst v63  }
0x282: {  	s11 =	simm.s32 $0x17100  }
0x283: {  	[tilespmem:s11], [sflag:$0x4] =	stream.indirect_vreg.gather [hbm4b:s10+s21], $0x80, v3, vm0, $0xb8;
	[tilespmem:$0x1C100] =	vst v63  }
0x284: {  	s23 =	simm.s32 $0x17900;
	s25 =	simm.s32 $0x0;
	s1 =	simm.s32 $0x0  }
0x285: {  	[tilespmem:s23], [sflag:$0x4] =	stream.indirect_vreg.gather [hbm4b:s12+s21], $0x80, v3, vm0, $0xb8;
	[tilespmem:$0x1C100] =	vst v63  }
0x286: {  	s0 =	sand.u32 $0x2000, s25;
	s1 =	sand.u32 $0x380, s1;
	_ =	swait.ge [sflag:s22], $0x4000  }
0x287: {  	s5 =	sand.u32 $0x1C00, s21;
	s0 =	sor.u32 s1, s0;
	[sflag:s22] =	ssyncset.done $0x0  }
0x288: {  	s0 =	sor.u32 s5, s0;
	[sflag:s22] =	ssyncadd.s32 $0xFFFFC000  }
0x289: {  	v5 =	vld [tilespmem:s0+$0x4170]  }
0x28a: {  	v8 =	vld [tilespmem:s0+$0x4100]  }
0x28b: {  	v9 =	vld [tilespmem:s0+$0x4110]  }
0x28c: {  	v4 =	vld [tilespmem:s0+$0x4120]  }
0x28d: {  	v3 =	vld [tilespmem:s0+$0x4130]  }
0x28e: {  	s1 =	sadd.s32 $0x10100, s0;
	v7 =	vld [tilespmem:s0+$0x4140]  }
0x28f: {  	s26 =	sor.u32 $0x70, s1;
	v6 =	vld [tilespmem:s0+$0x4160]  }
0x290: {  	[tilespmem:s26+$0x0] =	vst.add.f32.msk $0xffff, v5  }
0x291: {  	s25 =	simm.s32 $0x0;
	v5 =	vld [tilespmem:s0+$0x4150]  }
0x292: {  	s11 =	sor.u32 $0x20, s1;
	s5 =	sor.u32 $0x30, s1;
	s23 =	sor.u32 $0x10, s1;
	[tilespmem:s0+$0x10100] =	vst.add.f32.msk $0xffff, v8  }
0x293: {  	s29 =	sor.u32 $0x40, s1;
	s28 =	sor.u32 $0x60, s1;
	s26 =	sor.u32 $0x50, s1;
	[tilespmem:s23+$0x0] =	vst.add.f32.msk $0xffff, v9  }
.LBB2_20:
0x294: {  	s25 =	sadd.s32 $0x8, s25;
	[tilespmem:s11+$0x0] =	vst.add.f32.msk $0xffff, v4  }
0x295: {  	s0 =	sshll.u32 s25, $0x4;
	s1 =	sshll.u32 s25, $0x1;
	p0 =	slt.u32 s25, $0x3F8;
	[tilespmem:s5+$0x0] =	vst.add.f32.msk $0xffff, v3  }
0x296: {  	s21 =	sadd.s32 $0x400, s21;
	s0 =	sand.u32 $0x2000, s0;
	s1 =	sand.u32 $0x380, s1;
	[tilespmem:s29+$0x0] =	vst.add.f32.msk $0xffff, v7  }
0x297: {  	s5 =	sand.u32 $0x1C00, s21;
	s0 =	sor.u32 s1, s0;
	[tilespmem:s26+$0x0] =	vst.add.f32.msk $0xffff, v5  }
0x298: {  	s0 =	sor.u32 s5, s0;
	[tilespmem:s28+$0x0] =	vst.add.f32.msk $0xffff, v6  }
0x299: {  	v5 =	vld [tilespmem:s0+$0x4170]  }
0x29a: {  	v8 =	vld [tilespmem:s0+$0x4100]  }
0x29b: {  	v9 =	vld [tilespmem:s0+$0x4110]  }
0x29c: {  	s1 =	sadd.s32 $0x10100, s0;
	v4 =	vld [tilespmem:s0+$0x4120]  }
0x29d: {  	s23 =	sor.u32 $0x10, s1;
	s11 =	sor.u32 $0x20, s1;
	s28 =	sor.u32 $0x70, s1;
	v3 =	vld [tilespmem:s0+$0x4130]  }
0x29e: {  	s5 =	sor.u32 $0x30, s1;
	s29 =	sor.u32 $0x40, s1;
	s26 =	sor.u32 $0x50, s1;
	[tilespmem:s28+$0x0] =	vst.add.f32.msk $0xffff, v5  }
.Ltmp9:
0x29f: {  	s28 =	sor.u32 $0x60, s1;
	v7 =	vld [tilespmem:s0+$0x4140];
	(pc) =	sbr.rel @p0 .LBB2_20-.Ltmp9, $4  }
0x2a0: {  	v5 =	vld [tilespmem:s0+$0x4150]  }
0x2a1: {  	v6 =	vld [tilespmem:s0+$0x4160]  }
0x2a2: {  	[tilespmem:s0+$0x10100] =	vst.add.f32.msk $0xffff, v8  }
0x2a3: {  	[tilespmem:s23+$0x0] =	vst.add.f32.msk $0xffff, v9  }
0x2a4: {  	[tilespmem:s11+$0x0] =	vst.add.f32.msk $0xffff, v4  }
0x2a5: {  	[tilespmem:s5+$0x0] =	vst.add.f32.msk $0xffff, v3  }
0x2a6: {  	[tilespmem:s29+$0x0] =	vst.add.f32.msk $0xffff, v7  }
0x2a7: {  	[tilespmem:s26+$0x0] =	vst.add.f32.msk $0xffff, v5  }
0x2a8: {  	[tilespmem:s28+$0x0] =	vst.add.f32.msk $0xffff, v6  }
0x2a9: {  	s21 =	simm.s32 $0x0;
	s0 =	rddreg [dreg:$0x13]  }
0x2aa: {  	[hbm4b:s0+s21] =	stream.linear.scatter [tilespmem:s31], [sflag:$0x6], $0x4000, $0x38;
	[tilespmem:$0x1C100] =	vst v63  }
0x2ab: {  	_ =	swait.ge [sflag:s19], $0x4000  }
0x2ac: {  	[sflag:s19] =	ssyncset.done $0x0  }
0x2ad: {  	[sflag:s19] =	ssyncadd.s32 $0xFFFFC000  }
0x2ae: {  	v3 =	vld [tilespmem:$0xB0];
	_ =	sdelay $0x4  }
0x2af: {  	v4 =	vshll.u32 v3, $0x3  }
0x2b0: {  	v3 =	vand.u32 $0x7, v3;
	v4 =	vand.u32 $0xFFFFFFC0, v4  }
0x2b1: {  	v3 =	vor.u32 v3, v4  }
0x2b2: {  	v4 =	vperm.xlane v3, v0;
	_ =	sdelay $0x1  }
0x2b3: {  	v4 =	vadd.s32 v1, v4;
	_ =	sdelay $0x4  }
0x2b4: {  	[tilespmem:s24], [sflag:$0x5] =	stream.indirect_vreg.gather [hbm4b:s2+s21], $0x80, v4, vm0, $0xb8;
	[tilespmem:$0x1C100] =	vst v63  }
0x2b5: {  	s11 =	simm.s32 $0x18900;
	v3 =	vperm.xlane v3, v2  }
0x2b6: {  	[tilespmem:s11], [sflag:$0x5] =	stream.indirect_vreg.gather [hbm4b:s9+s21], $0x80, v4, vm0, $0xb8;
	[tilespmem:$0x1C100] =	vst v63  }
0x2b7: {  	s23 =	simm.s32 $0x19100;
	v3 =	vadd.s32 v1, v3  }
0x2b8: {  	[tilespmem:s23], [sflag:$0x5] =	stream.indirect_vreg.gather [hbm4b:s10+s21], $0x80, v4, vm0, $0xb8;
	[tilespmem:$0x1C100] =	vst v63  }
0x2b9: {  	s25 =	simm.s32 $0x19900  }
0x2ba: {  	[tilespmem:s25], [sflag:$0x5] =	stream.indirect_vreg.gather [hbm4b:s12+s21], $0x80, v4, vm0, $0xb8;
	[tilespmem:$0x1C100] =	vst v63  }
0x2bb: {  	s26 =	simm.s32 $0x1A100  }
0x2bc: {  	[tilespmem:s26], [sflag:$0x5] =	stream.indirect_vreg.gather [hbm4b:s2+s21], $0x80, v3, vm0, $0xb8;
	[tilespmem:$0x1C100] =	vst v63  }
0x2bd: {  	s1 =	simm.s32 $0x1A900  }
0x2be: {  	[tilespmem:s1], [sflag:$0x5] =	stream.indirect_vreg.gather [hbm4b:s9+s21], $0x80, v3, vm0, $0xb8;
	[tilespmem:$0x1C100] =	vst v63  }
0x2bf: {  	s5 =	simm.s32 $0x1B100  }
0x2c0: {  	[tilespmem:s5], [sflag:$0x5] =	stream.indirect_vreg.gather [hbm4b:s10+s21], $0x80, v3, vm0, $0xb8;
	[tilespmem:$0x1C100] =	vst v63  }
0x2c1: {  	s11 =	simm.s32 $0x1B900;
	s23 =	simm.s32 $0x0;
	s1 =	simm.s32 $0x0  }
0x2c2: {  	[tilespmem:s11], [sflag:$0x5] =	stream.indirect_vreg.gather [hbm4b:s12+s21], $0x80, v3, vm0, $0xb8;
	[tilespmem:$0x1C100] =	vst v63  }
0x2c3: {  	s0 =	sand.u32 $0x2000, s23;
	s1 =	sand.u32 $0x380, s1;
	_ =	swait.ge [sflag:s15], $0x4000  }
0x2c4: {  	s25 =	sand.u32 $0x1C00, s21;
	s0 =	sor.u32 s1, s0;
	[sflag:s15] =	ssyncset.done $0x0  }
0x2c5: {  	s0 =	sor.u32 s25, s0;
	[sflag:s15] =	ssyncadd.s32 $0xFFFFC000  }
0x2c6: {  	v5 =	vld [tilespmem:s0+$0x8170]  }
0x2c7: {  	v8 =	vld [tilespmem:s0+$0x8100]  }
0x2c8: {  	v9 =	vld [tilespmem:s0+$0x8110]  }
0x2c9: {  	v4 =	vld [tilespmem:s0+$0x8120]  }
0x2ca: {  	v3 =	vld [tilespmem:s0+$0x8130]  }
0x2cb: {  	s1 =	sadd.s32 $0x14100, s0;
	v7 =	vld [tilespmem:s0+$0x8140]  }
0x2cc: {  	s26 =	sor.u32 $0x70, s1;
	v6 =	vld [tilespmem:s0+$0x8160]  }
0x2cd: {  	[tilespmem:s26+$0x0] =	vst.add.f32.msk $0xffff, v5  }
0x2ce: {  	s25 =	simm.s32 $0x0;
	v5 =	vld [tilespmem:s0+$0x8150]  }
0x2cf: {  	s23 =	sor.u32 $0x10, s1;
	s11 =	sor.u32 $0x20, s1;
	s5 =	sor.u32 $0x30, s1;
	[tilespmem:s0+$0x14100] =	vst.add.f32.msk $0xffff, v8  }
0x2d0: {  	s29 =	sor.u32 $0x40, s1;
	s28 =	sor.u32 $0x60, s1;
	s26 =	sor.u32 $0x50, s1;
	[tilespmem:s23+$0x0] =	vst.add.f32.msk $0xffff, v9  }
.LBB2_22:
0x2d1: {  	s25 =	sadd.s32 $0x8, s25;
	[tilespmem:s11+$0x0] =	vst.add.f32.msk $0xffff, v4  }
0x2d2: {  	s0 =	sshll.u32 s25, $0x4;
	s1 =	sshll.u32 s25, $0x1;
	p0 =	slt.u32 s25, $0x3F8;
	[tilespmem:s5+$0x0] =	vst.add.f32.msk $0xffff, v3  }
0x2d3: {  	s21 =	sadd.s32 $0x400, s21;
	s0 =	sand.u32 $0x2000, s0;
	s1 =	sand.u32 $0x380, s1;
	[tilespmem:s29+$0x0] =	vst.add.f32.msk $0xffff, v7  }
0x2d4: {  	s5 =	sand.u32 $0x1C00, s21;
	s0 =	sor.u32 s1, s0;
	[tilespmem:s26+$0x0] =	vst.add.f32.msk $0xffff, v5  }
0x2d5: {  	s0 =	sor.u32 s5, s0;
	[tilespmem:s28+$0x0] =	vst.add.f32.msk $0xffff, v6  }
0x2d6: {  	v5 =	vld [tilespmem:s0+$0x8170]  }
0x2d7: {  	v8 =	vld [tilespmem:s0+$0x8100]  }
0x2d8: {  	v9 =	vld [tilespmem:s0+$0x8110]  }
0x2d9: {  	s1 =	sadd.s32 $0x14100, s0;
	v4 =	vld [tilespmem:s0+$0x8120]  }
0x2da: {  	s23 =	sor.u32 $0x10, s1;
	s11 =	sor.u32 $0x20, s1;
	s28 =	sor.u32 $0x70, s1;
	v3 =	vld [tilespmem:s0+$0x8130]  }
0x2db: {  	s5 =	sor.u32 $0x30, s1;
	s29 =	sor.u32 $0x40, s1;
	s26 =	sor.u32 $0x50, s1;
	[tilespmem:s28+$0x0] =	vst.add.f32.msk $0xffff, v5  }
.Ltmp10:
0x2dc: {  	s28 =	sor.u32 $0x60, s1;
	v7 =	vld [tilespmem:s0+$0x8140];
	(pc) =	sbr.rel @p0 .LBB2_22-.Ltmp10, $4  }
0x2dd: {  	v5 =	vld [tilespmem:s0+$0x8150]  }
0x2de: {  	v6 =	vld [tilespmem:s0+$0x8160]  }
0x2df: {  	[tilespmem:s0+$0x14100] =	vst.add.f32.msk $0xffff, v8  }
0x2e0: {  	[tilespmem:s23+$0x0] =	vst.add.f32.msk $0xffff, v9  }
0x2e1: {  	[tilespmem:s11+$0x0] =	vst.add.f32.msk $0xffff, v4  }
0x2e2: {  	[tilespmem:s5+$0x0] =	vst.add.f32.msk $0xffff, v3  }
0x2e3: {  	[tilespmem:s29+$0x0] =	vst.add.f32.msk $0xffff, v7  }
0x2e4: {  	[tilespmem:s26+$0x0] =	vst.add.f32.msk $0xffff, v5  }
0x2e5: {  	[tilespmem:s28+$0x0] =	vst.add.f32.msk $0xffff, v6  }
0x2e6: {  	s21 =	simm.s32 $0x0;
	s0 =	rddreg [dreg:$0x14]  }
0x2e7: {  	[hbm4b:s0+s21] =	stream.linear.scatter [tilespmem:s14], [sflag:$0x7], $0x4000, $0x38;
	[tilespmem:$0x1C100] =	vst v63  }
0x2e8: {  	_ =	swait.ge [sflag:s16], $0x4000  }
0x2e9: {  	[sflag:s16] =	ssyncset.done $0x0  }
0x2ea: {  	[sflag:s16] =	ssyncadd.s32 $0xFFFFC000  }
0x2eb: {  	v3 =	vld [tilespmem:$0xC0];
	_ =	sdelay $0x4  }
0x2ec: {  	v4 =	vshll.u32 v3, $0x3  }
0x2ed: {  	v3 =	vand.u32 $0x7, v3;
	v4 =	vand.u32 $0xFFFFFFC0, v4  }
0x2ee: {  	v3 =	vor.u32 v3, v4  }
0x2ef: {  	v4 =	vperm.xlane v3, v0;
	_ =	sdelay $0x1  }
0x2f0: {  	v4 =	vadd.s32 v1, v4;
	_ =	sdelay $0x4  }
0x2f1: {  	[tilespmem:s31], [sflag:$0x3] =	stream.indirect_vreg.gather [hbm4b:s2+s21], $0x80, v4, vm0, $0xb8;
	[tilespmem:$0x1C100] =	vst v63  }
0x2f2: {  	s5 =	simm.s32 $0x10900;
	v3 =	vperm.xlane v3, v2  }
0x2f3: {  	[tilespmem:s5], [sflag:$0x3] =	stream.indirect_vreg.gather [hbm4b:s9+s21], $0x80, v4, vm0, $0xb8;
	[tilespmem:$0x1C100] =	vst v63  }
0x2f4: {  	s11 =	simm.s32 $0x11100;
	v3 =	vadd.s32 v1, v3  }
0x2f5: {  	[tilespmem:s11], [sflag:$0x3] =	stream.indirect_vreg.gather [hbm4b:s10+s21], $0x80, v4, vm0, $0xb8;
	[tilespmem:$0x1C100] =	vst v63  }
0x2f6: {  	_ = 	snop  }
0x2f7: {  	[tilespmem:s4], [sflag:$0x3] =	stream.indirect_vreg.gather [hbm4b:s12+s21], $0x80, v4, vm0, $0xb8;
	[tilespmem:$0x1C100] =	vst v63  }
0x2f8: {  	_ = 	snop  }
0x2f9: {  	[tilespmem:s6], [sflag:$0x3] =	stream.indirect_vreg.gather [hbm4b:s2+s21], $0x80, v3, vm0, $0xb8;
	[tilespmem:$0x1C100] =	vst v63  }
0x2fa: {  	_ = 	snop  }
0x2fb: {  	[tilespmem:s7], [sflag:$0x3] =	stream.indirect_vreg.gather [hbm4b:s9+s21], $0x80, v3, vm0, $0xb8;
	[tilespmem:$0x1C100] =	vst v63  }
0x2fc: {  	_ = 	snop  }
0x2fd: {  	[tilespmem:s8], [sflag:$0x3] =	stream.indirect_vreg.gather [hbm4b:s10+s21], $0x80, v3, vm0, $0xb8;
	[tilespmem:$0x1C100] =	vst v63  }
0x2fe: {  	s23 =	simm.s32 $0x0;
	s1 =	simm.s32 $0x0  }
0x2ff: {  	[tilespmem:s13], [sflag:$0x3] =	stream.indirect_vreg.gather [hbm4b:s12+s21], $0x80, v3, vm0, $0xb8;
	[tilespmem:$0x1C100] =	vst v63  }
0x300: {  	s1 =	sand.u32 $0x380, s1;
	s0 =	sand.u32 $0x2000, s23;
	_ =	swait.ge [sflag:s17], $0x4000  }
0x301: {  	s25 =	sand.u32 $0x1C00, s21;
	s0 =	sor.u32 s1, s0;
	[sflag:s17] =	ssyncset.done $0x0  }
0x302: {  	s0 =	sor.u32 s25, s0;
	[sflag:s17] =	ssyncadd.s32 $0xFFFFC000  }
0x303: {  	v5 =	vld [tilespmem:s0+$0xC170]  }
0x304: {  	v8 =	vld [tilespmem:s0+$0xC100]  }
0x305: {  	v9 =	vld [tilespmem:s0+$0xC110]  }
0x306: {  	v4 =	vld [tilespmem:s0+$0xC120]  }
0x307: {  	v3 =	vld [tilespmem:s0+$0xC130]  }
0x308: {  	s1 =	sadd.s32 $0x18100, s0;
	v7 =	vld [tilespmem:s0+$0xC140]  }
0x309: {  	s26 =	sor.u32 $0x70, s1;
	v6 =	vld [tilespmem:s0+$0xC160]  }
0x30a: {  	[tilespmem:s26+$0x0] =	vst.add.f32.msk $0xffff, v5  }
0x30b: {  	s25 =	simm.s32 $0x0;
	v5 =	vld [tilespmem:s0+$0xC150]  }
0x30c: {  	s23 =	sor.u32 $0x10, s1;
	s29 =	sor.u32 $0x40, s1;
	s28 =	sor.u32 $0x60, s1;
	[tilespmem:s0+$0x18100] =	vst.add.f32.msk $0xffff, v8  }
0x30d: {  	s5 =	sor.u32 $0x30, s1;
	s11 =	sor.u32 $0x20, s1;
	s26 =	sor.u32 $0x50, s1;
	[tilespmem:s23+$0x0] =	vst.add.f32.msk $0xffff, v9  }
.LBB2_24:
0x30e: {  	s25 =	sadd.s32 $0x8, s25;
	[tilespmem:s11+$0x0] =	vst.add.f32.msk $0xffff, v4  }
0x30f: {  	s0 =	sshll.u32 s25, $0x4;
	s1 =	sshll.u32 s25, $0x1;
	p0 =	slt.u32 s25, $0x3F8;
	[tilespmem:s5+$0x0] =	vst.add.f32.msk $0xffff, v3  }
0x310: {  	s21 =	sadd.s32 $0x400, s21;
	s0 =	sand.u32 $0x2000, s0;
	s1 =	sand.u32 $0x380, s1;
	[tilespmem:s29+$0x0] =	vst.add.f32.msk $0xffff, v7  }
0x311: {  	s5 =	sand.u32 $0x1C00, s21;
	s0 =	sor.u32 s1, s0;
	[tilespmem:s26+$0x0] =	vst.add.f32.msk $0xffff, v5  }
0x312: {  	s0 =	sor.u32 s5, s0;
	[tilespmem:s28+$0x0] =	vst.add.f32.msk $0xffff, v6  }
0x313: {  	v5 =	vld [tilespmem:s0+$0xC170]  }
0x314: {  	v8 =	vld [tilespmem:s0+$0xC100]  }
0x315: {  	v9 =	vld [tilespmem:s0+$0xC110]  }
0x316: {  	s1 =	sadd.s32 $0x18100, s0;
	v4 =	vld [tilespmem:s0+$0xC120]  }
0x317: {  	s23 =	sor.u32 $0x10, s1;
	s11 =	sor.u32 $0x20, s1;
	s28 =	sor.u32 $0x70, s1;
	v3 =	vld [tilespmem:s0+$0xC130]  }
0x318: {  	s5 =	sor.u32 $0x30, s1;
	s29 =	sor.u32 $0x40, s1;
	s26 =	sor.u32 $0x50, s1;
	[tilespmem:s28+$0x0] =	vst.add.f32.msk $0xffff, v5  }
.Ltmp11:
0x319: {  	s28 =	sor.u32 $0x60, s1;
	v7 =	vld [tilespmem:s0+$0xC140];
	(pc) =	sbr.rel @p0 .LBB2_24-.Ltmp11, $4  }
0x31a: {  	v5 =	vld [tilespmem:s0+$0xC150]  }
0x31b: {  	v6 =	vld [tilespmem:s0+$0xC160]  }
0x31c: {  	[tilespmem:s0+$0x18100] =	vst.add.f32.msk $0xffff, v8  }
0x31d: {  	[tilespmem:s23+$0x0] =	vst.add.f32.msk $0xffff, v9  }
0x31e: {  	[tilespmem:s11+$0x0] =	vst.add.f32.msk $0xffff, v4  }
0x31f: {  	[tilespmem:s5+$0x0] =	vst.add.f32.msk $0xffff, v3  }
0x320: {  	[tilespmem:s29+$0x0] =	vst.add.f32.msk $0xffff, v7  }
0x321: {  	[tilespmem:s26+$0x0] =	vst.add.f32.msk $0xffff, v5  }
0x322: {  	[tilespmem:s28+$0x0] =	vst.add.f32.msk $0xffff, v6  }
0x323: {  	s21 =	simm.s32 $0x0;
	s0 =	rddreg [dreg:$0x15]  }
0x324: {  	[hbm4b:s0+s21] =	stream.linear.scatter [tilespmem:s24], [sflag:$0x8], $0x4000, $0x38;
	[tilespmem:$0x1C100] =	vst v63  }
0x325: {  	_ =	swait.ge [sflag:s18], $0x4000  }
0x326: {  	[sflag:s18] =	ssyncset.done $0x0  }
0x327: {  	[sflag:s18] =	ssyncadd.s32 $0xFFFFC000  }
0x328: {  	v3 =	vld [tilespmem:$0xD0];
	_ =	sdelay $0x4  }
0x329: {  	v4 =	vshll.u32 v3, $0x3  }
0x32a: {  	v3 =	vand.u32 $0x7, v3;
	v4 =	vand.u32 $0xFFFFFFC0, v4  }
0x32b: {  	v3 =	vor.u32 v3, v4  }
0x32c: {  	v4 =	vperm.xlane v3, v0;
	_ =	sdelay $0x1  }
0x32d: {  	v4 =	vadd.s32 v1, v4;
	_ =	sdelay $0x4  }
0x32e: {  	[tilespmem:s14], [sflag:$0x4] =	stream.indirect_vreg.gather [hbm4b:s2+s21], $0x80, v4, vm0, $0xb8;
	[tilespmem:$0x1C100] =	vst v63  }
0x32f: {  	s28 =	simm.s32 $0x14900;
	v3 =	vperm.xlane v3, v2  }
0x330: {  	[tilespmem:s28], [sflag:$0x4] =	stream.indirect_vreg.gather [hbm4b:s9+s21], $0x80, v4, vm0, $0xb8;
	[tilespmem:$0x1C100] =	vst v63  }
0x331: {  	s29 =	simm.s32 $0x15100;
	v3 =	vadd.s32 v1, v3  }
0x332: {  	[tilespmem:s29], [sflag:$0x4] =	stream.indirect_vreg.gather [hbm4b:s10+s21], $0x80, v4, vm0, $0xb8;
	[tilespmem:$0x1C100] =	vst v63  }
0x333: {  	s1 =	simm.s32 $0x15900  }
0x334: {  	[tilespmem:s1], [sflag:$0x4] =	stream.indirect_vreg.gather [hbm4b:s12+s21], $0x80, v4, vm0, $0xb8;
	[tilespmem:$0x1C100] =	vst v63  }
0x335: {  	s5 =	simm.s32 $0x16100  }
0x336: {  	[tilespmem:s5], [sflag:$0x4] =	stream.indirect_vreg.gather [hbm4b:s2+s21], $0x80, v3, vm0, $0xb8;
	[tilespmem:$0x1C100] =	vst v63  }
0x337: {  	s11 =	simm.s32 $0x16900  }
0x338: {  	[tilespmem:s11], [sflag:$0x4] =	stream.indirect_vreg.gather [hbm4b:s9+s21], $0x80, v3, vm0, $0xb8;
	[tilespmem:$0x1C100] =	vst v63  }
0x339: {  	s23 =	simm.s32 $0x17100;
	s26 =	simm.s32 $0x0  }
0x33a: {  	[tilespmem:s23], [sflag:$0x4] =	stream.indirect_vreg.gather [hbm4b:s10+s21], $0x80, v3, vm0, $0xb8;
	[tilespmem:$0x1C100] =	vst v63  }
0x33b: {  	s25 =	simm.s32 $0x17900;
	s0 =	sand.u32 $0x2000, s26  }
0x33c: {  	[tilespmem:s25], [sflag:$0x4] =	stream.indirect_vreg.gather [hbm4b:s12+s21], $0x80, v3, vm0, $0xb8;
	[tilespmem:$0x1C100] =	vst v63  }
0x33d: {  	s28 =	simm.s32 $0x0;
	s1 =	sand.u32 $0x1C00, s21;
	_ =	swait.ge [sflag:s22], $0x4000  }
0x33e: {  	s29 =	sand.u32 $0x380, s28;
	s0 =	sor.u32 s1, s0;
	[sflag:s22] =	ssyncset.done $0x0  }
0x33f: {  	s25 =	sor.u32 s29, s0;
	[sflag:s22] =	ssyncadd.s32 $0xFFFFC000  }
0x340: {  	v3 =	vld [tilespmem:s25+$0x170]  }
0x341: {  	v8 =	vld [tilespmem:s25+$0x100]  }
0x342: {  	v9 =	vld [tilespmem:s25+$0x110]  }
0x343: {  	v7 =	vld [tilespmem:s25+$0x120]  }
0x344: {  	v6 =	vld [tilespmem:s25+$0x130]  }
0x345: {  	v5 =	vld [tilespmem:s25+$0x140]  }
0x346: {  	v4 =	vld [tilespmem:s25+$0x160]  }
0x347: {  	[tilespmem:s25+$0x10170] =	vst.add.f32.msk $0xffff, v3  }
0x348: {  	v3 =	vld [tilespmem:s25+$0x150]  }
0x349: {  	[tilespmem:s25+$0x10100] =	vst.add.f32.msk $0xffff, v8  }
0x34a: {  	s26 =	simm.s32 $0x0;
	[tilespmem:s25+$0x10110] =	vst.add.f32.msk $0xffff, v9  }
.LBB2_26:
0x34b: {  	s26 =	sadd.s32 $0x8, s26;
	[tilespmem:s25+$0x10120] =	vst.add.f32.msk $0xffff, v7  }
0x34c: {  	s21 =	sadd.s32 $0x400, s21;
	s0 =	sshll.u32 s26, $0x4;
	p0 =	slt.u32 s26, $0x3F8;
	[tilespmem:s25+$0x10130] =	vst.add.f32.msk $0xffff, v6  }
0x34d: {  	s1 =	sand.u32 $0x1C00, s21;
	s5 =	sshll.u32 s26, $0x1;
	s0 =	sand.u32 $0x2000, s0;
	[tilespmem:s25+$0x10140] =	vst.add.f32.msk $0xffff, v5  }
0x34e: {  	s0 =	sor.u32 s1, s0;
	s1 =	sand.u32 $0x380, s5;
	[tilespmem:s25+$0x10150] =	vst.add.f32.msk $0xffff, v3  }
0x34f: {  	[tilespmem:s25+$0x10160] =	vst.add.f32.msk $0xffff, v4;
	s25 =	sor.u32 s1, s0  }
0x350: {  	v3 =	vld [tilespmem:s25+$0x170]  }
0x351: {  	v8 =	vld [tilespmem:s25+$0x100]  }
0x352: {  	v9 =	vld [tilespmem:s25+$0x110]  }
0x353: {  	v7 =	vld [tilespmem:s25+$0x120]  }
0x354: {  	v6 =	vld [tilespmem:s25+$0x130]  }
0x355: {  	[tilespmem:s25+$0x10170] =	vst.add.f32.msk $0xffff, v3  }
.Ltmp12:
0x356: {  	v5 =	vld [tilespmem:s25+$0x140];
	(pc) =	sbr.rel @p0 .LBB2_26-.Ltmp12, $4  }
0x357: {  	v3 =	vld [tilespmem:s25+$0x150]  }
0x358: {  	v4 =	vld [tilespmem:s25+$0x160]  }
0x359: {  	[tilespmem:s25+$0x10100] =	vst.add.f32.msk $0xffff, v8  }
0x35a: {  	[tilespmem:s25+$0x10110] =	vst.add.f32.msk $0xffff, v9  }
0x35b: {  	[tilespmem:s25+$0x10120] =	vst.add.f32.msk $0xffff, v7  }
0x35c: {  	[tilespmem:s25+$0x10130] =	vst.add.f32.msk $0xffff, v6  }
0x35d: {  	[tilespmem:s25+$0x10140] =	vst.add.f32.msk $0xffff, v5  }
0x35e: {  	[tilespmem:s25+$0x10150] =	vst.add.f32.msk $0xffff, v3  }
0x35f: {  	[tilespmem:s25+$0x10160] =	vst.add.f32.msk $0xffff, v4  }
0x360: {  	s21 =	simm.s32 $0x0;
	s0 =	rddreg [dreg:$0x16]  }
0x361: {  	[hbm4b:s0+s21] =	stream.linear.scatter [tilespmem:s31], [sflag:$0x6], $0x4000, $0x38;
	[tilespmem:$0x1C100] =	vst v63  }
0x362: {  	_ =	swait.ge [sflag:s19], $0x4000  }
0x363: {  	[sflag:s19] =	ssyncset.done $0x0  }
0x364: {  	[sflag:s19] =	ssyncadd.s32 $0xFFFFC000  }
0x365: {  	v3 =	vld [tilespmem:$0xE0];
	_ =	sdelay $0x4  }
0x366: {  	v4 =	vshll.u32 v3, $0x3  }
0x367: {  	v3 =	vand.u32 $0x7, v3;
	v4 =	vand.u32 $0xFFFFFFC0, v4  }
0x368: {  	v3 =	vor.u32 v3, v4  }
0x369: {  	v4 =	vperm.xlane v3, v0;
	_ =	sdelay $0x1  }
0x36a: {  	v4 =	vadd.s32 v1, v4;
	_ =	sdelay $0x4  }
0x36b: {  	[tilespmem:s24], [sflag:$0x5] =	stream.indirect_vreg.gather [hbm4b:s2+s21], $0x80, v4, vm0, $0xb8;
	[tilespmem:$0x1C100] =	vst v63  }
0x36c: {  	s23 =	simm.s32 $0x18900;
	v3 =	vperm.xlane v3, v2  }
0x36d: {  	[tilespmem:s23], [sflag:$0x5] =	stream.indirect_vreg.gather [hbm4b:s9+s21], $0x80, v4, vm0, $0xb8;
	[tilespmem:$0x1C100] =	vst v63  }
0x36e: {  	s25 =	simm.s32 $0x19100;
	v3 =	vadd.s32 v1, v3  }
0x36f: {  	[tilespmem:s25], [sflag:$0x5] =	stream.indirect_vreg.gather [hbm4b:s10+s21], $0x80, v4, vm0, $0xb8;
	[tilespmem:$0x1C100] =	vst v63  }
0x370: {  	s26 =	simm.s32 $0x19900  }
0x371: {  	[tilespmem:s26], [sflag:$0x5] =	stream.indirect_vreg.gather [hbm4b:s12+s21], $0x80, v4, vm0, $0xb8;
	[tilespmem:$0x1C100] =	vst v63  }
0x372: {  	s1 =	simm.s32 $0x1A100  }
0x373: {  	[tilespmem:s1], [sflag:$0x5] =	stream.indirect_vreg.gather [hbm4b:s2+s21], $0x80, v3, vm0, $0xb8;
	[tilespmem:$0x1C100] =	vst v63  }
0x374: {  	s5 =	simm.s32 $0x1A900  }
0x375: {  	[tilespmem:s5], [sflag:$0x5] =	stream.indirect_vreg.gather [hbm4b:s9+s21], $0x80, v3, vm0, $0xb8;
	[tilespmem:$0x1C100] =	vst v63  }
0x376: {  	s11 =	simm.s32 $0x1B100  }
0x377: {  	[tilespmem:s11], [sflag:$0x5] =	stream.indirect_vreg.gather [hbm4b:s10+s21], $0x80, v3, vm0, $0xb8;
	[tilespmem:$0x1C100] =	vst v63  }
0x378: {  	s23 =	simm.s32 $0x1B900;
	s25 =	simm.s32 $0x0;
	s1 =	simm.s32 $0x0  }
0x379: {  	[tilespmem:s23], [sflag:$0x5] =	stream.indirect_vreg.gather [hbm4b:s12+s21], $0x80, v3, vm0, $0xb8;
	[tilespmem:$0x1C100] =	vst v63  }
0x37a: {  	s0 =	sand.u32 $0x2000, s25;
	s1 =	sand.u32 $0x380, s1;
	_ =	swait.ge [sflag:s15], $0x4000  }
0x37b: {  	s5 =	sand.u32 $0x1C00, s21;
	s0 =	sor.u32 s1, s0;
	[sflag:s15] =	ssyncset.done $0x0  }
0x37c: {  	s0 =	sor.u32 s5, s0;
	[sflag:s15] =	ssyncadd.s32 $0xFFFFC000  }
0x37d: {  	v5 =	vld [tilespmem:s0+$0x4170]  }
0x37e: {  	v8 =	vld [tilespmem:s0+$0x4100]  }
0x37f: {  	v9 =	vld [tilespmem:s0+$0x4110]  }
0x380: {  	v4 =	vld [tilespmem:s0+$0x4120]  }
0x381: {  	v3 =	vld [tilespmem:s0+$0x4130]  }
0x382: {  	s1 =	sadd.s32 $0x14100, s0;
	v7 =	vld [tilespmem:s0+$0x4140]  }
0x383: {  	s26 =	sor.u32 $0x70, s1;
	v6 =	vld [tilespmem:s0+$0x4160]  }
0x384: {  	[tilespmem:s26+$0x0] =	vst.add.f32.msk $0xffff, v5  }
0x385: {  	s25 =	simm.s32 $0x0;
	v5 =	vld [tilespmem:s0+$0x4150]  }
0x386: {  	s11 =	sor.u32 $0x20, s1;
	s5 =	sor.u32 $0x30, s1;
	s23 =	sor.u32 $0x10, s1;
	[tilespmem:s0+$0x14100] =	vst.add.f32.msk $0xffff, v8  }
0x387: {  	s29 =	sor.u32 $0x40, s1;
	s28 =	sor.u32 $0x60, s1;
	s26 =	sor.u32 $0x50, s1;
	[tilespmem:s23+$0x0] =	vst.add.f32.msk $0xffff, v9  }
.LBB2_28:
0x388: {  	s25 =	sadd.s32 $0x8, s25;
	[tilespmem:s11+$0x0] =	vst.add.f32.msk $0xffff, v4  }
0x389: {  	s0 =	sshll.u32 s25, $0x4;
	s1 =	sshll.u32 s25, $0x1;
	p0 =	slt.u32 s25, $0x3F8;
	[tilespmem:s5+$0x0] =	vst.add.f32.msk $0xffff, v3  }
0x38a: {  	s21 =	sadd.s32 $0x400, s21;
	s0 =	sand.u32 $0x2000, s0;
	s1 =	sand.u32 $0x380, s1;
	[tilespmem:s29+$0x0] =	vst.add.f32.msk $0xffff, v7  }
0x38b: {  	s5 =	sand.u32 $0x1C00, s21;
	s0 =	sor.u32 s1, s0;
	[tilespmem:s26+$0x0] =	vst.add.f32.msk $0xffff, v5  }
0x38c: {  	s0 =	sor.u32 s5, s0;
	[tilespmem:s28+$0x0] =	vst.add.f32.msk $0xffff, v6  }
0x38d: {  	v5 =	vld [tilespmem:s0+$0x4170]  }
0x38e: {  	v8 =	vld [tilespmem:s0+$0x4100]  }
0x38f: {  	v9 =	vld [tilespmem:s0+$0x4110]  }
0x390: {  	s1 =	sadd.s32 $0x14100, s0;
	v4 =	vld [tilespmem:s0+$0x4120]  }
0x391: {  	s23 =	sor.u32 $0x10, s1;
	s11 =	sor.u32 $0x20, s1;
	s28 =	sor.u32 $0x70, s1;
	v3 =	vld [tilespmem:s0+$0x4130]  }
0x392: {  	s5 =	sor.u32 $0x30, s1;
	s29 =	sor.u32 $0x40, s1;
	s26 =	sor.u32 $0x50, s1;
	[tilespmem:s28+$0x0] =	vst.add.f32.msk $0xffff, v5  }
.Ltmp13:
0x393: {  	s28 =	sor.u32 $0x60, s1;
	v7 =	vld [tilespmem:s0+$0x4140];
	(pc) =	sbr.rel @p0 .LBB2_28-.Ltmp13, $4  }
0x394: {  	v5 =	vld [tilespmem:s0+$0x4150]  }
0x395: {  	v6 =	vld [tilespmem:s0+$0x4160]  }
0x396: {  	[tilespmem:s0+$0x14100] =	vst.add.f32.msk $0xffff, v8  }
0x397: {  	[tilespmem:s23+$0x0] =	vst.add.f32.msk $0xffff, v9  }
0x398: {  	[tilespmem:s11+$0x0] =	vst.add.f32.msk $0xffff, v4  }
0x399: {  	[tilespmem:s5+$0x0] =	vst.add.f32.msk $0xffff, v3  }
0x39a: {  	[tilespmem:s29+$0x0] =	vst.add.f32.msk $0xffff, v7  }
0x39b: {  	[tilespmem:s26+$0x0] =	vst.add.f32.msk $0xffff, v5  }
0x39c: {  	[tilespmem:s28+$0x0] =	vst.add.f32.msk $0xffff, v6  }
0x39d: {  	s21 =	simm.s32 $0x0;
	s0 =	rddreg [dreg:$0x18]  }
0x39e: {  	[hbm4b:s0+s21] =	stream.linear.scatter [tilespmem:s14], [sflag:$0x7], $0x4000, $0x38;
	[tilespmem:$0x1C100] =	vst v63  }
0x39f: {  	_ =	swait.ge [sflag:s16], $0x4000  }
0x3a0: {  	[sflag:s16] =	ssyncset.done $0x0  }
0x3a1: {  	[sflag:s16] =	ssyncadd.s32 $0xFFFFC000  }
0x3a2: {  	v3 =	vld [tilespmem:$0xF0];
	_ =	sdelay $0x4  }
0x3a3: {  	v4 =	vshll.u32 v3, $0x3  }
0x3a4: {  	v3 =	vand.u32 $0x7, v3;
	v4 =	vand.u32 $0xFFFFFFC0, v4  }
0x3a5: {  	v3 =	vor.u32 v3, v4  }
0x3a6: {  	v4 =	vperm.xlane v3, v0;
	_ =	sdelay $0x1  }
0x3a7: {  	v4 =	vadd.s32 v1, v4;
	_ =	sdelay $0x4  }
0x3a8: {  	[tilespmem:s31], [sflag:$0x3] =	stream.indirect_vreg.gather [hbm4b:s2+s21], $0x80, v4, vm0, $0xb8;
	[tilespmem:$0x1C100] =	vst v63  }
0x3a9: {  	s5 =	simm.s32 $0x10900;
	v3 =	vperm.xlane v3, v2  }
0x3aa: {  	[tilespmem:s5], [sflag:$0x3] =	stream.indirect_vreg.gather [hbm4b:s9+s21], $0x80, v4, vm0, $0xb8;
	[tilespmem:$0x1C100] =	vst v63  }
0x3ab: {  	s11 =	simm.s32 $0x11100;
	v3 =	vadd.s32 v1, v3  }
0x3ac: {  	[tilespmem:s11], [sflag:$0x3] =	stream.indirect_vreg.gather [hbm4b:s10+s21], $0x80, v4, vm0, $0xb8;
	[tilespmem:$0x1C100] =	vst v63  }
0x3ad: {  	_ = 	snop  }
0x3ae: {  	[tilespmem:s4], [sflag:$0x3] =	stream.indirect_vreg.gather [hbm4b:s12+s21], $0x80, v4, vm0, $0xb8;
	[tilespmem:$0x1C100] =	vst v63  }
0x3af: {  	_ = 	snop  }
0x3b0: {  	[tilespmem:s6], [sflag:$0x3] =	stream.indirect_vreg.gather [hbm4b:s2+s21], $0x80, v3, vm0, $0xb8;
	[tilespmem:$0x1C100] =	vst v63  }
0x3b1: {  	_ = 	snop  }
0x3b2: {  	[tilespmem:s7], [sflag:$0x3] =	stream.indirect_vreg.gather [hbm4b:s9+s21], $0x80, v3, vm0, $0xb8;
	[tilespmem:$0x1C100] =	vst v63  }
0x3b3: {  	_ = 	snop  }
0x3b4: {  	[tilespmem:s8], [sflag:$0x3] =	stream.indirect_vreg.gather [hbm4b:s10+s21], $0x80, v3, vm0, $0xb8;
	[tilespmem:$0x1C100] =	vst v63  }
0x3b5: {  	s23 =	simm.s32 $0x0;
	s1 =	simm.s32 $0x0  }
0x3b6: {  	[tilespmem:s13], [sflag:$0x3] =	stream.indirect_vreg.gather [hbm4b:s12+s21], $0x80, v3, vm0, $0xb8;
	[tilespmem:$0x1C100] =	vst v63  }
0x3b7: {  	s1 =	sand.u32 $0x380, s1;
	s0 =	sand.u32 $0x2000, s23;
	_ =	swait.ge [sflag:s17], $0x4000  }
0x3b8: {  	s25 =	sand.u32 $0x1C00, s21;
	s0 =	sor.u32 s1, s0;
	[sflag:s17] =	ssyncset.done $0x0  }
0x3b9: {  	s0 =	sor.u32 s25, s0;
	[sflag:s17] =	ssyncadd.s32 $0xFFFFC000  }
0x3ba: {  	v5 =	vld [tilespmem:s0+$0x8170]  }
0x3bb: {  	v8 =	vld [tilespmem:s0+$0x8100]  }
0x3bc: {  	v9 =	vld [tilespmem:s0+$0x8110]  }
0x3bd: {  	v4 =	vld [tilespmem:s0+$0x8120]  }
0x3be: {  	v3 =	vld [tilespmem:s0+$0x8130]  }
0x3bf: {  	s1 =	sadd.s32 $0x18100, s0;
	v7 =	vld [tilespmem:s0+$0x8140]  }
0x3c0: {  	s26 =	sor.u32 $0x70, s1;
	v6 =	vld [tilespmem:s0+$0x8160]  }
0x3c1: {  	[tilespmem:s26+$0x0] =	vst.add.f32.msk $0xffff, v5  }
0x3c2: {  	s25 =	simm.s32 $0x0;
	v5 =	vld [tilespmem:s0+$0x8150]  }
0x3c3: {  	s23 =	sor.u32 $0x10, s1;
	s29 =	sor.u32 $0x40, s1;
	s28 =	sor.u32 $0x60, s1;
	[tilespmem:s0+$0x18100] =	vst.add.f32.msk $0xffff, v8  }
0x3c4: {  	s5 =	sor.u32 $0x30, s1;
	s11 =	sor.u32 $0x20, s1;
	s26 =	sor.u32 $0x50, s1;
	[tilespmem:s23+$0x0] =	vst.add.f32.msk $0xffff, v9  }
.LBB2_30:
0x3c5: {  	s25 =	sadd.s32 $0x8, s25;
	[tilespmem:s11+$0x0] =	vst.add.f32.msk $0xffff, v4  }
0x3c6: {  	s0 =	sshll.u32 s25, $0x4;
	s1 =	sshll.u32 s25, $0x1;
	p0 =	slt.u32 s25, $0x3F8;
	[tilespmem:s5+$0x0] =	vst.add.f32.msk $0xffff, v3  }
0x3c7: {  	s21 =	sadd.s32 $0x400, s21;
	s0 =	sand.u32 $0x2000, s0;
	s1 =	sand.u32 $0x380, s1;
	[tilespmem:s29+$0x0] =	vst.add.f32.msk $0xffff, v7  }
0x3c8: {  	s5 =	sand.u32 $0x1C00, s21;
	s0 =	sor.u32 s1, s0;
	[tilespmem:s26+$0x0] =	vst.add.f32.msk $0xffff, v5  }
0x3c9: {  	s0 =	sor.u32 s5, s0;
	[tilespmem:s28+$0x0] =	vst.add.f32.msk $0xffff, v6  }
0x3ca: {  	v5 =	vld [tilespmem:s0+$0x8170]  }
0x3cb: {  	v8 =	vld [tilespmem:s0+$0x8100]  }
0x3cc: {  	v9 =	vld [tilespmem:s0+$0x8110]  }
0x3cd: {  	s1 =	sadd.s32 $0x18100, s0;
	v4 =	vld [tilespmem:s0+$0x8120]  }
0x3ce: {  	s23 =	sor.u32 $0x10, s1;
	s11 =	sor.u32 $0x20, s1;
	s28 =	sor.u32 $0x70, s1;
	v3 =	vld [tilespmem:s0+$0x8130]  }
0x3cf: {  	s5 =	sor.u32 $0x30, s1;
	s29 =	sor.u32 $0x40, s1;
	s26 =	sor.u32 $0x50, s1;
	[tilespmem:s28+$0x0] =	vst.add.f32.msk $0xffff, v5  }
.Ltmp14:
0x3d0: {  	s28 =	sor.u32 $0x60, s1;
	v7 =	vld [tilespmem:s0+$0x8140];
	(pc) =	sbr.rel @p0 .LBB2_30-.Ltmp14, $4  }
0x3d1: {  	v5 =	vld [tilespmem:s0+$0x8150]  }
0x3d2: {  	v6 =	vld [tilespmem:s0+$0x8160]  }
0x3d3: {  	[tilespmem:s0+$0x18100] =	vst.add.f32.msk $0xffff, v8  }
0x3d4: {  	[tilespmem:s23+$0x0] =	vst.add.f32.msk $0xffff, v9  }
0x3d5: {  	[tilespmem:s11+$0x0] =	vst.add.f32.msk $0xffff, v4  }
0x3d6: {  	[tilespmem:s5+$0x0] =	vst.add.f32.msk $0xffff, v3  }
0x3d7: {  	[tilespmem:s29+$0x0] =	vst.add.f32.msk $0xffff, v7  }
0x3d8: {  	[tilespmem:s26+$0x0] =	vst.add.f32.msk $0xffff, v5  }
0x3d9: {  	s21 =	simm.s32 $0x0;
	[tilespmem:s28+$0x0] =	vst.add.f32.msk $0xffff, v6  }
0x3da: {  	s23 =	simm.s32 $0x0;
	s1 =	simm.s32 $0x0;
	s0 =	rddreg [dreg:$0x19]  }
0x3db: {  	[hbm4b:s0+s21] =	stream.linear.scatter [tilespmem:s24], [sflag:$0x8], $0x4000, $0x38;
	[tilespmem:$0x1C100] =	vst v63  }
0x3dc: {  	s1 =	sand.u32 $0x380, s1;
	s0 =	sand.u32 $0x2000, s23;
	_ =	swait.ge [sflag:s22], $0x4000  }
0x3dd: {  	s25 =	sand.u32 $0x1C00, s21;
	s0 =	sor.u32 s1, s0;
	[sflag:s22] =	ssyncset.done $0x0  }
0x3de: {  	s0 =	sor.u32 s25, s0;
	[sflag:s22] =	ssyncadd.s32 $0xFFFFC000  }
0x3df: {  	v5 =	vld [tilespmem:s0+$0xC170]  }
0x3e0: {  	v8 =	vld [tilespmem:s0+$0xC100]  }
0x3e1: {  	v9 =	vld [tilespmem:s0+$0xC110]  }
0x3e2: {  	v4 =	vld [tilespmem:s0+$0xC120]  }
0x3e3: {  	v3 =	vld [tilespmem:s0+$0xC130]  }
0x3e4: {  	s1 =	sadd.s32 $0x10100, s0;
	v7 =	vld [tilespmem:s0+$0xC140]  }
0x3e5: {  	s26 =	sor.u32 $0x70, s1;
	v6 =	vld [tilespmem:s0+$0xC160]  }
0x3e6: {  	[tilespmem:s26+$0x0] =	vst.add.f32.msk $0xffff, v5  }
0x3e7: {  	s25 =	simm.s32 $0x0;
	v5 =	vld [tilespmem:s0+$0xC150]  }
0x3e8: {  	s23 =	sor.u32 $0x10, s1;
	s11 =	sor.u32 $0x20, s1;
	s5 =	sor.u32 $0x30, s1;
	[tilespmem:s0+$0x10100] =	vst.add.f32.msk $0xffff, v8  }
0x3e9: {  	s29 =	sor.u32 $0x40, s1;
	s28 =	sor.u32 $0x60, s1;
	s26 =	sor.u32 $0x50, s1;
	[tilespmem:s23+$0x0] =	vst.add.f32.msk $0xffff, v9  }
.LBB2_32:
0x3ea: {  	s25 =	sadd.s32 $0x8, s25;
	[tilespmem:s11+$0x0] =	vst.add.f32.msk $0xffff, v4  }
0x3eb: {  	s0 =	sshll.u32 s25, $0x4;
	s1 =	sshll.u32 s25, $0x1;
	p0 =	slt.u32 s25, $0x3F8;
	[tilespmem:s5+$0x0] =	vst.add.f32.msk $0xffff, v3  }
0x3ec: {  	s21 =	sadd.s32 $0x400, s21;
	s0 =	sand.u32 $0x2000, s0;
	s1 =	sand.u32 $0x380, s1;
	[tilespmem:s29+$0x0] =	vst.add.f32.msk $0xffff, v7  }
0x3ed: {  	s5 =	sand.u32 $0x1C00, s21;
	s0 =	sor.u32 s1, s0;
	[tilespmem:s26+$0x0] =	vst.add.f32.msk $0xffff, v5  }
0x3ee: {  	s0 =	sor.u32 s5, s0;
	[tilespmem:s28+$0x0] =	vst.add.f32.msk $0xffff, v6  }
0x3ef: {  	v5 =	vld [tilespmem:s0+$0xC170]  }
0x3f0: {  	v8 =	vld [tilespmem:s0+$0xC100]  }
0x3f1: {  	v9 =	vld [tilespmem:s0+$0xC110]  }
0x3f2: {  	s1 =	sadd.s32 $0x10100, s0;
	v4 =	vld [tilespmem:s0+$0xC120]  }
0x3f3: {  	s23 =	sor.u32 $0x10, s1;
	s11 =	sor.u32 $0x20, s1;
	s28 =	sor.u32 $0x70, s1;
	v3 =	vld [tilespmem:s0+$0xC130]  }
0x3f4: {  	s5 =	sor.u32 $0x30, s1;
	s29 =	sor.u32 $0x40, s1;
	s26 =	sor.u32 $0x50, s1;
	[tilespmem:s28+$0x0] =	vst.add.f32.msk $0xffff, v5  }
.Ltmp15:
0x3f5: {  	s28 =	sor.u32 $0x60, s1;
	v7 =	vld [tilespmem:s0+$0xC140];
	(pc) =	sbr.rel @p0 .LBB2_32-.Ltmp15, $4  }
0x3f6: {  	v5 =	vld [tilespmem:s0+$0xC150]  }
0x3f7: {  	v6 =	vld [tilespmem:s0+$0xC160]  }
0x3f8: {  	[tilespmem:s0+$0x10100] =	vst.add.f32.msk $0xffff, v8  }
0x3f9: {  	[tilespmem:s23+$0x0] =	vst.add.f32.msk $0xffff, v9  }
0x3fa: {  	[tilespmem:s11+$0x0] =	vst.add.f32.msk $0xffff, v4  }
0x3fb: {  	[tilespmem:s5+$0x0] =	vst.add.f32.msk $0xffff, v3  }
0x3fc: {  	[tilespmem:s29+$0x0] =	vst.add.f32.msk $0xffff, v7  }
0x3fd: {  	[tilespmem:s26+$0x0] =	vst.add.f32.msk $0xffff, v5  }
0x3fe: {  	[tilespmem:s28+$0x0] =	vst.add.f32.msk $0xffff, v6  }
0x3ff: {  	s0 =	rddreg [dreg:$0x1a]  }
0x400: {  	[hbm4b:s0+s3] =	stream.linear.scatter [tilespmem:s31], [sflag:$0x6], $0x4000, $0x38;
	[tilespmem:$0x1C100] =	vst v63  }
0x401: {  	_ =	swait.ge [sflag:s16], $0x4000  }
0x402: {  	[sflag:s16] =	ssyncset.done $0x0  }
0x403: {  	[sflag:s16] =	ssyncadd.s32 $0xFFFFC000  }
0x404: {  	_ =	swait.ge [sflag:s18], $0x4000  }
0x405: {  	[sflag:s18] =	ssyncset.done $0x0  }
0x406: {  	[sflag:s18] =	ssyncadd.s32 $0xFFFFC000  }
0x407: {  	_ =	swait.ge [sflag:s19], $0x4000  }
0x408: {  	s20 =	sadd.s32 $0x1, s20;
	s29 =	rddreg [dreg:$0x17]  }
0x409: {  	p0 =	sne.s32 s20, s29  }
.Ltmp16:
0x40a: {  	_ = 	snop;
	(pc) =	sbr.rel @p0 .LBB2_1-.Ltmp16, $3  }
0x40b: {  	_ =	sdelay $0x1  }
0x40c: {  	[sflag:s19] =	ssyncset.done $0x0  }
0x40d: {  	[sflag:s19] =	ssyncadd.s32 $0xFFFFC000  }
0x40e: {  	_ =	sfence.sel $0x180000  }
0x40f: {  	[bflag:$0x0] =	sbarrier.arrive $0xFFFF  }
0x410: {  	_ =	strace $0x90000047  }
0x411: {  	s0 =	stileid.u32;
	[bflag:$0x2] =	sbarrier.arrive $0xFFFF  }
0x412: {  	p0 =	sne.s32 s0, $0x0;
	s0 =	rddreg [dreg:$0x4]  }
0x413: {  	s0 =	sadd.s32 @!p0 $0x100000, s0  }
0x414: {  	[sflag:s0] =	ssyncadd.tile.s32 @!p0 $0x1;
	_ =	shalt  }
.Lfunc_end2:
_tile_overlayer_lowered:
.L_overlay_start_2:
0x415: {  	(tag) =	ssettag $0x2  }
0x416: {  	s0 =	rddreg [dreg:$0x0];
	s2 =	stileid.u32  }
0x417: {  	s1 =	rddreg [dreg:$0x1];
	p0 =	sne.s32 s2, $0x0  }
0x418: {  	s3 =	rddreg [dreg:$0x2];
	[bflag:$0x3] =	sbarrier.arrive $0xFFFF;
	s2 =	simm.s32 @!p0 $0x1C09  }
0x419: {  	[timem:s3], [sflag:s2] =	dma.local @!p0 [hbm:s0], s1  }
0x41a: {  	s0 =	simm.s32 @!p0 $0x9  }
0x41b: {  	_ =	swait.ge @!p0 [sflag:s0], s1  }
0x41c: {  	s1 =	ssub.s32 @!p0 $0x0, s1;
	[sflag:s0] =	ssyncset.done @!p0 $0x0  }
0x41d: {  	[sflag:s0] =	ssyncadd.s32 @!p0 s1  }
0x41e: {  	[bflag:$0x3] =	sbarrier.arrive $0xFFFF  }
0x41f: {  	_ =	shalt  }

</sc_bundles>
